<compile_context>
chip_gen: v7x
topology: tpu7x:2x2x1
jax: 0.10.2.dev20260603
libtpu: 0.0.44.dev20260713+nightly
codegen_flags: <defaults>
</compile_context>

<pallas_src>
import functools

import jax
import jax.numpy as jnp
from jax import lax
from jax.experimental import pallas as pl
from jax.experimental.pallas import tpu as pltpu
from jax.experimental.pallas import tpu_sc as plsc

N_ATOMS = 100000
M_NBRS = 64
ROW = 16
NC, NS, LANES = 2, 16, 16
NWORKERS = NC * NS
ATOMS_PER_W = 3200
CHUNK_ATOMS = 32
CHUNKS = ATOMS_PER_W // CHUNK_ATOMS
CHUNK_IDX = CHUNK_ATOMS * M_NBRS
HALF_ATOMS = 8
HALF_IDX = HALF_ATOMS * M_NBRS
HALVES = CHUNK_ATOMS // HALF_ATOMS
WIN = CHUNK_ATOMS + 8
STAGE_ROWS = 6256
TABLE_ROWS = STAGE_ROWS * NS

_mesh = plsc.VectorSubcoreMesh(core_axis_name="c", subcore_axis_name="s")


@functools.partial(
    pl.kernel,
    out_type=jax.ShapeDtypeStruct((N_ATOMS * M_NBRS,), jnp.float32),
    mesh=_mesh,
    scratch_types=[
        [pltpu.VMEM((CHUNK_IDX,), jnp.int32) for _ in range(2)],
        pltpu.VMEM((WIN, ROW), jnp.float32),
        [pltpu.VMEM((HALF_IDX, ROW), jnp.float32) for _ in range(2)],
        [pltpu.VMEM((CHUNK_IDX,), jnp.float32) for _ in range(2)],
        [pltpu.SemaphoreType.DMA for _ in range(2)],
        [pltpu.SemaphoreType.DMA for _ in range(2)],
        [pltpu.SemaphoreType.DMA for _ in range(2)],
        pltpu.VMEM_SHARED((TABLE_ROWS, ROW), jnp.float32),
    ],
    compiler_params=pltpu.CompilerParams(
        use_tc_tiling_on_sc=False, needs_layout_passes=False),
)
def _sc_dist(coords_hbm, nbr_hbm, out_hbm, idx_vs, own_v, rbufs, out_vs,
             gsems, isems, osems, table_sh):
    sid = lax.axis_index("s")
    wid = sid * NC + lax.axis_index("c")
    pltpu.sync_copy(coords_hbm.at[pl.ds(sid * STAGE_ROWS, STAGE_ROWS)],
                    table_sh.at[pl.ds(sid * STAGE_ROWS, STAGE_ROWS)])
    plsc.subcore_barrier()

    start_atom = (wid * (N_ATOMS - ATOMS_PER_W)) // (NWORKERS - 1)

    iota = lax.iota(jnp.int32, LANES)
    col_x = jnp.zeros((LANES,), jnp.int32)
    col_y = col_x + 1
    col_z = col_x + 2

    def fire_half(idx_ref, h, buf, sem):
        pltpu.async_copy(table_sh.at[idx_ref.at[pl.ds(h * HALF_IDX,
                                                      HALF_IDX)]],
                         buf, sem)

    def drain_gather(buf, sem):
        pltpu.make_async_copy(
            coords_hbm.at[pl.ds(0, HALF_IDX)], buf, sem).wait()

    def compute_half(h, buf, off, out_v):
        @pl.loop(0, HALF_ATOMS)
        def _atom(a):
            own_row = own_v[off + h * HALF_ATOMS + a]
            ox = jnp.broadcast_to(own_row[0], (LANES,))
            oy = jnp.broadcast_to(own_row[1], (LANES,))
            oz = jnp.broadcast_to(own_row[2], (LANES,))
            for j in range(M_NBRS // LANES):
                ridx = iota + (a * M_NBRS + j * LANES)
                dx = plsc.load_gather(buf, [ridx, col_x]) - ox
                dy = plsc.load_gather(buf, [ridx, col_y]) - oy
                dz = plsc.load_gather(buf, [ridx, col_z]) - oz
                out_v[pl.ds(h * HALF_IDX + a * M_NBRS + j * LANES, LANES)] = (
                    dx * dx + dy * dy + dz * dz)

    pltpu.sync_copy(nbr_hbm.at[pl.ds(start_atom * M_NBRS, CHUNK_IDX)],
                    idx_vs[0])
    fire_half(idx_vs[0], 0, rbufs[0], gsems[0])

    @pl.loop(0, CHUNKS)
    def _chunk(c):
        p = lax.rem(c, 2)
        base_atom = start_atom + c * CHUNK_ATOMS
        base_idx = base_atom * M_NBRS

        @pl.when(c + 1 < CHUNKS)
        def _prefetch_idx():
            for q in range(2):
                @pl.when(p == q)
                def _():
                    pltpu.async_copy(
                        nbr_hbm.at[pl.ds(base_idx + CHUNK_IDX, CHUNK_IDX)],
                        idx_vs[1 - q], isems[1 - q])

        @pl.when(c >= 2)
        def _drain_out():
            for q in range(2):
                @pl.when(p == q)
                def _():
                    pltpu.make_async_copy(
                        out_vs[q], out_hbm.at[pl.ds(0, CHUNK_IDX)],
                        osems[q]).wait()

        aligned_base = (base_atom // 8) * 8
        off = base_atom - aligned_base
        pltpu.sync_copy(table_sh.at[pl.ds(aligned_base, WIN)], own_v)

        for q in range(2):
            @pl.when(p == q)
            def _chunk_body():
                idx_ref = idx_vs[q]
                out_v = out_vs[q]
                for h in range(HALVES):
                    b = h % 2
                    if h + 1 < HALVES:
                        fire_half(idx_ref, h + 1, rbufs[1 - b], gsems[1 - b])
                    else:
                        @pl.when(c + 1 < CHUNKS)
                        def _fire_next_chunk():
                            pltpu.make_async_copy(
                                nbr_hbm.at[pl.ds(0, CHUNK_IDX)],
                                idx_vs[1 - q], isems[1 - q]).wait()
                            fire_half(idx_vs[1 - q], 0, rbufs[1 - b],
                                      gsems[1 - b])
                    drain_gather(rbufs[b], gsems[b])
                    compute_half(h, rbufs[b], off, out_v)
                pltpu.async_copy(out_v, out_hbm.at[pl.ds(base_idx, CHUNK_IDX)],
                                 osems[q])

    for q in range(2):
        pltpu.make_async_copy(
            out_vs[q], out_hbm.at[pl.ds(0, CHUNK_IDX)], osems[q]).wait()


def kernel(coords, nbr_list):
    coords16 = jnp.pad(coords.astype(jnp.float32),
                       ((0, TABLE_ROWS - N_ATOMS), (0, ROW - 3)))
    nbr = nbr_list.astype(jnp.int32).reshape(-1)
    out = _sc_dist(coords16, nbr)
    return out.reshape(N_ATOMS, M_NBRS)

# --- scband reference (transcript-rebuilt; emitter-appended) ---
"""Pipeline reference for scband-interatomic-l2-distances-29746943492198 (READ-ONLY COPY).

The authoritative reference and input builder live on the scoring server;
editing this copy changes nothing except your own understanding.
"""

import jax, jax.numpy as jnp
import numpy as np

N_ATOMS = 100000
M_NBRS = 64
NDIM = 3

def setup_inputs(seed: int = 0) -> dict:
    key = jax.random.key(seed)
    k1, k2 = jax.random.split(key)
    coords = jax.random.normal(k1, (N_ATOMS, NDIM), dtype=jnp.float32)
    nbr_list = jax.random.randint(k2, (N_ATOMS, M_NBRS), 0, N_ATOMS, dtype=jnp.int64)
    return {"coords": coords, "nbr_list": nbr_list}

def reference(coords, nbr_list):
    # nbr_coords: [N_atoms, M_nbrs, ndim] via gather over atom axis
    nbr_coords = jnp.take(coords, nbr_list, axis=0)
    # tile coords to [N_atoms, M_nbrs, ndim]
    tiled_coords = jnp.broadcast_to(coords.reshape(N_ATOMS, 1, NDIM), (N_ATOMS, M_NBRS, NDIM))
    # squared L2 distances: [N_atoms, M_nbrs]
    return jnp.sum((tiled_coords - nbr_coords) ** 2, axis=2)

if __name__ == "__main__":
    import jax
    _d = setup_inputs()
    print(jax.jit(kernel)(*tuple(_d.values())))

</pallas_src>

<mosaic_0001>
#map = affine_map<(d0, d1) -> (0, 0)>
#map1 = affine_map<(d0, d1) -> (0)>
module attributes {stable_mosaic.version = 14 : i64} {
  func.func @_sc_dist(%arg0: i32, %arg1: i32, %arg2: memref<100096x16xf32, #tpu.memory_space<hbm>>, %arg3: memref<6400000xi32, #tpu.memory_space<hbm>>, %arg4: memref<6400000xf32, #tpu.memory_space<hbm>>, %arg5: memref<2048xi32, #tpu.memory_space<vmem>>, %arg6: memref<2048xi32, #tpu.memory_space<vmem>>, %arg7: memref<40x16xf32, #tpu.memory_space<vmem>>, %arg8: memref<512x16xf32, #tpu.memory_space<vmem>>, %arg9: memref<512x16xf32, #tpu.memory_space<vmem>>, %arg10: memref<2048xf32, #tpu.memory_space<vmem>>, %arg11: memref<2048xf32, #tpu.memory_space<vmem>>, %arg12: memref<!tpu.dma_semaphore, #tpu.memory_space<semaphore_mem>>, %arg13: memref<!tpu.dma_semaphore, #tpu.memory_space<semaphore_mem>>, %arg14: memref<!tpu.dma_semaphore, #tpu.memory_space<semaphore_mem>>, %arg15: memref<!tpu.dma_semaphore, #tpu.memory_space<semaphore_mem>>, %arg16: memref<!tpu.dma_semaphore, #tpu.memory_space<semaphore_mem>>, %arg17: memref<!tpu.dma_semaphore, #tpu.memory_space<semaphore_mem>>, %arg18: memref<100096x16xf32, #tpu.memory_space<vmem_shared>>) attributes {dimension_semantics = [#tpu.dimension_semantics<core_parallel>, #tpu.dimension_semantics<subcore_parallel>], iteration_bounds = array<i64: 2, 16>, scalar_prefetch = 0 : i64, scratch_operands = 14 : i64, tpu.core_type = #tpu.core_type<sc_vector_subcore>, window_params = [{transform_indices = #map}, {transform_indices = #map1}, {transform_indices = #map1}]} {
    %mul3A = arith.constant 2 : i32
    %mul3A_0 = arith.muli %arg1, %mul3A : i32
    %add3A = arith.addi %mul3A_0, %arg0 : i32
    %mul3A_1 = arith.constant 6256 : i32
    %mul3A_2 = arith.muli %arg1, %mul3A_1 : i32
    %mul3A_3 = arith.constant 6256 : i32
    %mul3A_4 = arith.muli %arg1, %mul3A_3 : i32
    "tpu.region"() ({
      %run_scoped3A = tpu.sem_alloc : memref<!tpu.dma_semaphore, #tpu.memory_space<semaphore_mem>>
      %dma_start3A_47 = arith.constant 0 : i32
      %dma_start3A_48 = tpu.memref_slice %arg18[%mul3A_4, %dma_start3A_47] : memref<100096x16xf32, #tpu.memory_space<vmem_shared>> -> memref<6256x16xf32, #tpu.memory_space<vmem_shared>>
      %dma_start3A_49 = arith.constant 0 : i32
      %dma_start3A_50 = tpu.memref_slice %arg2[%mul3A_2, %dma_start3A_49] : memref<100096x16xf32, #tpu.memory_space<hbm>> -> memref<6256x16xf32, #tpu.memory_space<hbm>>
      tpu.enqueue_dma source(%dma_start3A_50 : memref<6256x16xf32, #tpu.memory_space<hbm>>) target(%dma_start3A_48 : memref<6256x16xf32, #tpu.memory_space<vmem_shared>>) target_semaphore(%run_scoped3A : memref<!tpu.dma_semaphore, #tpu.memory_space<semaphore_mem>>)
      %dma_wait3A_51 = arith.constant 0 : i32
      %dma_wait3A_52 = tpu.memref_slice %arg18[%mul3A_4, %dma_wait3A_51] : memref<100096x16xf32, #tpu.memory_space<vmem_shared>> -> memref<6256x16xf32, #tpu.memory_space<vmem_shared>>
      %dma_wait3A_53 = arith.constant 0 : i32
      %dma_wait3A_54 = tpu.memref_slice %arg2[%mul3A_2, %dma_wait3A_53] : memref<100096x16xf32, #tpu.memory_space<hbm>> -> memref<6256x16xf32, #tpu.memory_space<hbm>>
      tpu.wait_dma2 semaphore(%run_scoped3A : memref<!tpu.dma_semaphore, #tpu.memory_space<semaphore_mem>>) src(%dma_wait3A_54 : memref<6256x16xf32, #tpu.memory_space<hbm>>) dst(%dma_wait3A_52 : memref<6256x16xf32, #tpu.memory_space<vmem_shared>>)
      tpu.yield
    }) : () -> ()
    %barrier3A = arith.constant 0 : index
    tpu.barrier barrier_id(%barrier3A)
    %mul3A_5 = arith.constant 96800 : i32
    %mul3A_6 = arith.muli %add3A, %mul3A_5 : i32
    %jit3A = arith.constant 31 : i32
    %div3A = arith.divsi %mul3A_6, %jit3A : i32
    %sign3A = arith.constant 0 : i32
    %sign3A_7 = arith.cmpi sgt, %mul3A_6, %sign3A : i32
    %sign3A_8 = arith.extui %sign3A_7 : i1 to i32
    %sign3A_9 = arith.constant 0 : i32
    %sign3A_10 = arith.cmpi slt, %mul3A_6, %sign3A_9 : i32
    %sign3A_11 = arith.extui %sign3A_10 : i1 to i32
    %sign3A_12 = arith.subi %sign3A_8, %sign3A_11 : i32
    %sign3A_13 = arith.constant 0 : i32
    %sign3A_14 = arith.cmpi sgt, %jit3A, %sign3A_13 : i32
    %sign3A_15 = arith.extui %sign3A_14 : i1 to i32
    %sign3A_16 = arith.constant 0 : i32
    %sign3A_17 = arith.cmpi slt, %jit3A, %sign3A_16 : i32
    %sign3A_18 = arith.extui %sign3A_17 : i1 to i32
    %sign3A_19 = arith.subi %sign3A_15, %sign3A_18 : i32
    %ne3A = arith.cmpi ne, %sign3A_12, %sign3A_19 : i32
    %rem3A = arith.remsi %mul3A_6, %jit3A : i32
    %ne3A_20 = arith.constant 0 : i32
    %ne3A_21 = arith.cmpi ne, %rem3A, %ne3A_20 : i32
    %and3A = arith.andi %ne3A, %ne3A_21 : i1
    %sub3A = arith.constant 1 : i32
    %sub3A_22 = arith.subi %div3A, %sub3A : i32
    %select_n3A = arith.select %and3A, %sub3A_22, %div3A : i32
    %iota3A = tpu.iota {dimensions = array<i32: 0>} : vector<16xi32>
    %broadcast_in_dim3A = arith.constant 0 : i32
    %broadcast_in_dim3A_23 = vector.broadcast %broadcast_in_dim3A : i32 to vector<16xi32>
    %add3A_24 = arith.constant 1 : i32
    %add3A_25 = vector.broadcast %add3A_24 : i32 to vector<16xi32>
    %add3A_26 = arith.addi %broadcast_in_dim3A_23, %add3A_25 : vector<16xi32>
    %add3A_27 = arith.constant 2 : i32
    %add3A_28 = vector.broadcast %add3A_27 : i32 to vector<16xi32>
    %add3A_29 = arith.addi %broadcast_in_dim3A_23, %add3A_28 : vector<16xi32>
    %mul3A_30 = arith.constant 64 : i32
    %mul3A_31 = arith.muli %select_n3A, %mul3A_30 : i32
    "tpu.region"() ({
      %run_scoped3A = tpu.sem_alloc : memref<!tpu.dma_semaphore, #tpu.memory_space<semaphore_mem>>
      %dma_start3A_47 = tpu.memref_slice %arg3[%mul3A_31] : memref<6400000xi32, #tpu.memory_space<hbm>> -> memref<2048xi32, #tpu.memory_space<hbm>>
      %dma_start3A_48 = tpu.memref_slice %arg3[%mul3A_31] : memref<6400000xi32, #tpu.memory_space<hbm>> -> memref<2048xi32, #tpu.memory_space<hbm>>
      tpu.enqueue_dma source(%dma_start3A_48 : memref<2048xi32, #tpu.memory_space<hbm>>) target(%arg5 : memref<2048xi32, #tpu.memory_space<vmem>>) target_semaphore(%run_scoped3A : memref<!tpu.dma_semaphore, #tpu.memory_space<semaphore_mem>>)
      %dma_wait3A_49 = tpu.memref_slice %arg3[%mul3A_31] : memref<6400000xi32, #tpu.memory_space<hbm>> -> memref<2048xi32, #tpu.memory_space<hbm>>
      %dma_wait3A_50 = tpu.memref_slice %arg3[%mul3A_31] : memref<6400000xi32, #tpu.memory_space<hbm>> -> memref<2048xi32, #tpu.memory_space<hbm>>
      tpu.wait_dma2 semaphore(%run_scoped3A : memref<!tpu.dma_semaphore, #tpu.memory_space<semaphore_mem>>) src(%dma_wait3A_50 : memref<2048xi32, #tpu.memory_space<hbm>>) dst(%arg5 : memref<2048xi32, #tpu.memory_space<vmem>>)
      tpu.yield
    }) : () -> ()
    %dma_start3A = arith.constant 0 : i32
    %dma_start3A_32 = tpu.memref_slice %arg5[%dma_start3A] : memref<2048xi32, #tpu.memory_space<vmem>> -> memref<512xi32, #tpu.memory_space<vmem>>
    %dma_start3A_33 = arith.constant 0 : i32
    %dma_start3A_34 = arith.constant 0 : i32
    %dma_start3A_35 = tpu.memref_slice %arg18[%dma_start3A_33, %dma_start3A_34] : memref<100096x16xf32, #tpu.memory_space<vmem_shared>> -> memref<100096x16xf32, #tpu.memory_space<vmem_shared>>
    tpu.enqueue_indirect_dma source(%dma_start3A_35 : memref<100096x16xf32, #tpu.memory_space<vmem_shared>>) target(%arg8 : memref<512x16xf32, #tpu.memory_space<vmem>>) offsets(%dma_start3A_32 : memref<512xi32, #tpu.memory_space<vmem>>) semaphore(%arg12 : memref<!tpu.dma_semaphore, #tpu.memory_space<semaphore_mem>>)
    %scan3A = arith.constant 0 : i32
    %scan3A_36 = arith.constant 100 : i32
    %scan3A_37 = arith.addi %scan3A, %scan3A_36 : i32
    %scan3A_38 = arith.constant 1 : i32
    scf.for %scan3A_47 = %scan3A to %scan3A_37 step %scan3A_38  : i32 {
      %mul3A_48 = arith.constant 1 : i32
      %mul3A_49 = arith.muli %scan3A_47, %mul3A_48 : i32
      %add3A_50 = arith.constant 0 : i32
      %add3A_51 = arith.addi %add3A_50, %mul3A_49 : i32
      %rem3A_52 = arith.constant 2 : i32
      %rem3A_53 = arith.remsi %add3A_51, %rem3A_52 : i32
      %mul3A_54 = arith.constant 32 : i32
      %mul3A_55 = arith.muli %add3A_51, %mul3A_54 : i32
      %add3A_56 = arith.addi %select_n3A, %mul3A_55 : i32
      %mul3A_57 = arith.constant 64 : i32
      %mul3A_58 = arith.muli %add3A_56, %mul3A_57 : i32
      %add3A_59 = arith.constant 1 : i32
      %add3A_60 = arith.addi %add3A_51, %add3A_59 : i32
      %lt3A = arith.constant 100 : i32
      %lt3A_61 = arith.cmpi slt, %add3A_60, %lt3A : i32
      %convert_element_type3A = arith.extui %lt3A_61 : i1 to i32
      %cond3A = arith.constant 0 : i32
      %cond3A_62 = arith.cmpi ne, %convert_element_type3A, %cond3A : i32
      scf.if %cond3A_62 {
        %eq3A_103 = arith.constant 0 : i32
        %eq3A_104 = arith.cmpi eq, %rem3A_53, %eq3A_103 : i32
        %convert_element_type3A_105 = arith.extui %eq3A_104 : i1 to i32
        %cond3A_106 = arith.constant 0 : i32
        %cond3A_107 = arith.cmpi ne, %convert_element_type3A_105, %cond3A_106 : i32
        scf.if %cond3A_107 {
          %add3A_113 = arith.constant 2048 : i32
          %add3A_114 = arith.addi %mul3A_58, %add3A_113 : i32
          %dma_start3A_115 = tpu.memref_slice %arg3[%add3A_114] : memref<6400000xi32, #tpu.memory_space<hbm>> -> memref<2048xi32, #tpu.memory_space<hbm>>
          %dma_start3A_116 = tpu.memref_slice %arg3[%add3A_114] : memref<6400000xi32, #tpu.memory_space<hbm>> -> memref<2048xi32, #tpu.memory_space<hbm>>
          tpu.enqueue_dma source(%dma_start3A_116 : memref<2048xi32, #tpu.memory_space<hbm>>) target(%arg6 : memref<2048xi32, #tpu.memory_space<vmem>>) target_semaphore(%arg15 : memref<!tpu.dma_semaphore, #tpu.memory_space<semaphore_mem>>)
        } else {
        }
        %eq3A_108 = arith.constant 1 : i32
        %eq3A_109 = arith.cmpi eq, %rem3A_53, %eq3A_108 : i32
        %convert_element_type3A_110 = arith.extui %eq3A_109 : i1 to i32
        %cond3A_111 = arith.constant 0 : i32
        %cond3A_112 = arith.cmpi ne, %convert_element_type3A_110, %cond3A_111 : i32
        scf.if %cond3A_112 {
          %add3A_113 = arith.constant 2048 : i32
          %add3A_114 = arith.addi %mul3A_58, %add3A_113 : i32
          %dma_start3A_115 = tpu.memref_slice %arg3[%add3A_114] : memref<6400000xi32, #tpu.memory_space<hbm>> -> memref<2048xi32, #tpu.memory_space<hbm>>
          %dma_start3A_116 = tpu.memref_slice %arg3[%add3A_114] : memref<6400000xi32, #tpu.memory_space<hbm>> -> memref<2048xi32, #tpu.memory_space<hbm>>
          tpu.enqueue_dma source(%dma_start3A_116 : memref<2048xi32, #tpu.memory_space<hbm>>) target(%arg5 : memref<2048xi32, #tpu.memory_space<vmem>>) target_semaphore(%arg14 : memref<!tpu.dma_semaphore, #tpu.memory_space<semaphore_mem>>)
        } else {
        }
      } else {
      }
      %ge3A = arith.constant 2 : i32
      %ge3A_63 = arith.cmpi sge, %add3A_51, %ge3A : i32
      %convert_element_type3A_64 = arith.extui %ge3A_63 : i1 to i32
      %cond3A_65 = arith.constant 0 : i32
      %cond3A_66 = arith.cmpi ne, %convert_element_type3A_64, %cond3A_65 : i32
      scf.if %cond3A_66 {
        %eq3A_103 = arith.constant 0 : i32
        %eq3A_104 = arith.cmpi eq, %rem3A_53, %eq3A_103 : i32
        %convert_element_type3A_105 = arith.extui %eq3A_104 : i1 to i32
        %cond3A_106 = arith.constant 0 : i32
        %cond3A_107 = arith.cmpi ne, %convert_element_type3A_105, %cond3A_106 : i32
        scf.if %cond3A_107 {
          %dma_wait3A_113 = arith.constant 0 : i32
          %dma_wait3A_114 = tpu.memref_slice %arg4[%dma_wait3A_113] : memref<6400000xf32, #tpu.memory_space<hbm>> -> memref<2048xf32, #tpu.memory_space<hbm>>
          %dma_wait3A_115 = arith.constant 0 : i32
          %dma_wait3A_116 = tpu.memref_slice %arg4[%dma_wait3A_115] : memref<6400000xf32, #tpu.memory_space<hbm>> -> memref<2048xf32, #tpu.memory_space<hbm>>
          tpu.wait_dma2 semaphore(%arg16 : memref<!tpu.dma_semaphore, #tpu.memory_space<semaphore_mem>>) src(%arg10 : memref<2048xf32, #tpu.memory_space<vmem>>) dst(%dma_wait3A_116 : memref<2048xf32, #tpu.memory_space<hbm>>)
        } else {
        }
        %eq3A_108 = arith.constant 1 : i32
        %eq3A_109 = arith.cmpi eq, %rem3A_53, %eq3A_108 : i32
        %convert_element_type3A_110 = arith.extui %eq3A_109 : i1 to i32
        %cond3A_111 = arith.constant 0 : i32
        %cond3A_112 = arith.cmpi ne, %convert_element_type3A_110, %cond3A_111 : i32
        scf.if %cond3A_112 {
          %dma_wait3A_113 = arith.constant 0 : i32
          %dma_wait3A_114 = tpu.memref_slice %arg4[%dma_wait3A_113] : memref<6400000xf32, #tpu.memory_space<hbm>> -> memref<2048xf32, #tpu.memory_space<hbm>>
          %dma_wait3A_115 = arith.constant 0 : i32
          %dma_wait3A_116 = tpu.memref_slice %arg4[%dma_wait3A_115] : memref<6400000xf32, #tpu.memory_space<hbm>> -> memref<2048xf32, #tpu.memory_space<hbm>>
          tpu.wait_dma2 semaphore(%arg17 : memref<!tpu.dma_semaphore, #tpu.memory_space<semaphore_mem>>) src(%arg11 : memref<2048xf32, #tpu.memory_space<vmem>>) dst(%dma_wait3A_116 : memref<2048xf32, #tpu.memory_space<hbm>>)
        } else {
        }
      } else {
      }
      %jit3A_67 = arith.constant 8 : i32
      %div3A_68 = arith.divsi %add3A_56, %jit3A_67 : i32
      %sign3A_69 = arith.constant 0 : i32
      %sign3A_70 = arith.cmpi sgt, %add3A_56, %sign3A_69 : i32
      %sign3A_71 = arith.extui %sign3A_70 : i1 to i32
      %sign3A_72 = arith.constant 0 : i32
      %sign3A_73 = arith.cmpi slt, %add3A_56, %sign3A_72 : i32
      %sign3A_74 = arith.extui %sign3A_73 : i1 to i32
      %sign3A_75 = arith.subi %sign3A_71, %sign3A_74 : i32
      %sign3A_76 = arith.constant 0 : i32
      %sign3A_77 = arith.cmpi sgt, %jit3A_67, %sign3A_76 : i32
      %sign3A_78 = arith.extui %sign3A_77 : i1 to i32
      %sign3A_79 = arith.constant 0 : i32
      %sign3A_80 = arith.cmpi slt, %jit3A_67, %sign3A_79 : i32
      %sign3A_81 = arith.extui %sign3A_80 : i1 to i32
      %sign3A_82 = arith.subi %sign3A_78, %sign3A_81 : i32
      %ne3A_83 = arith.cmpi ne, %sign3A_75, %sign3A_82 : i32
      %rem3A_84 = arith.remsi %add3A_56, %jit3A_67 : i32
      %ne3A_85 = arith.constant 0 : i32
      %ne3A_86 = arith.cmpi ne, %rem3A_84, %ne3A_85 : i32
      %and3A_87 = arith.andi %ne3A_83, %ne3A_86 : i1
      %sub3A_88 = arith.constant 1 : i32
      %sub3A_89 = arith.subi %div3A_68, %sub3A_88 : i32
      %select_n3A_90 = arith.select %and3A_87, %sub3A_89, %div3A_68 : i32
      %mul3A_91 = arith.constant 8 : i32
      %mul3A_92 = arith.muli %select_n3A_90, %mul3A_91 : i32
      %sub3A_93 = arith.subi %add3A_56, %mul3A_92 : i32
      "tpu.region"() ({
        %run_scoped3A = tpu.sem_alloc : memref<!tpu.dma_semaphore, #tpu.memory_space<semaphore_mem>>
        %dma_start3A_103 = arith.constant 0 : i32
        %dma_start3A_104 = tpu.memref_slice %arg18[%mul3A_92, %dma_start3A_103] : memref<100096x16xf32, #tpu.memory_space<vmem_shared>> -> memref<40x16xf32, #tpu.memory_space<vmem_shared>>
        %dma_start3A_105 = arith.constant 0 : i32
        %dma_start3A_106 = tpu.memref_slice %arg18[%mul3A_92, %dma_start3A_105] : memref<100096x16xf32, #tpu.memory_space<vmem_shared>> -> memref<40x16xf32, #tpu.memory_space<vmem_shared>>
        tpu.enqueue_dma source(%dma_start3A_106 : memref<40x16xf32, #tpu.memory_space<vmem_shared>>) target(%arg7 : memref<40x16xf32, #tpu.memory_space<vmem>>) target_semaphore(%run_scoped3A : memref<!tpu.dma_semaphore, #tpu.memory_space<semaphore_mem>>)
        %dma_wait3A_107 = arith.constant 0 : i32
        %dma_wait3A_108 = tpu.memref_slice %arg18[%mul3A_92, %dma_wait3A_107] : memref<100096x16xf32, #tpu.memory_space<vmem_shared>> -> memref<40x16xf32, #tpu.memory_space<vmem_shared>>
        %dma_wait3A_109 = arith.constant 0 : i32
        %dma_wait3A_110 = tpu.memref_slice %arg18[%mul3A_92, %dma_wait3A_109] : memref<100096x16xf32, #tpu.memory_space<vmem_shared>> -> memref<40x16xf32, #tpu.memory_space<vmem_shared>>
        tpu.wait_dma2 semaphore(%run_scoped3A : memref<!tpu.dma_semaphore, #tpu.memory_space<semaphore_mem>>) src(%dma_wait3A_110 : memref<40x16xf32, #tpu.memory_space<vmem_shared>>) dst(%arg7 : memref<40x16xf32, #tpu.memory_space<vmem>>)
        tpu.yield
      }) : () -> ()
      %eq3A = arith.constant 0 : i32
      %eq3A_94 = arith.cmpi eq, %rem3A_53, %eq3A : i32
      %convert_element_type3A_95 = arith.extui %eq3A_94 : i1 to i32
      %cond3A_96 = arith.constant 0 : i32
      %cond3A_97 = arith.cmpi ne, %convert_element_type3A_95, %cond3A_96 : i32
      scf.if %cond3A_97 {
        %dma_start3A_103 = arith.constant 512 : i32
        %dma_start3A_104 = tpu.memref_slice %arg5[%dma_start3A_103] : memref<2048xi32, #tpu.memory_space<vmem>> -> memref<512xi32, #tpu.memory_space<vmem>>
        %dma_start3A_105 = arith.constant 0 : i32
        %dma_start3A_106 = arith.constant 0 : i32
        %dma_start3A_107 = tpu.memref_slice %arg18[%dma_start3A_105, %dma_start3A_106] : memref<100096x16xf32, #tpu.memory_space<vmem_shared>> -> memref<100096x16xf32, #tpu.memory_space<vmem_shared>>
        tpu.enqueue_indirect_dma source(%dma_start3A_107 : memref<100096x16xf32, #tpu.memory_space<vmem_shared>>) target(%arg9 : memref<512x16xf32, #tpu.memory_space<vmem>>) offsets(%dma_start3A_104 : memref<512xi32, #tpu.memory_space<vmem>>) semaphore(%arg13 : memref<!tpu.dma_semaphore, #tpu.memory_space<semaphore_mem>>)
        %dma_wait3A_108 = arith.constant 0 : i32
        %dma_wait3A_109 = arith.constant 0 : i32
        %dma_wait3A_110 = tpu.memref_slice %arg2[%dma_wait3A_108, %dma_wait3A_109] : memref<100096x16xf32, #tpu.memory_space<hbm>> -> memref<512x16xf32, #tpu.memory_space<hbm>>
        %dma_wait3A_111 = arith.constant 0 : i32
        %dma_wait3A_112 = arith.constant 0 : i32
        %dma_wait3A_113 = tpu.memref_slice %arg2[%dma_wait3A_111, %dma_wait3A_112] : memref<100096x16xf32, #tpu.memory_space<hbm>> -> memref<512x16xf32, #tpu.memory_space<hbm>>
        tpu.wait_dma2 semaphore(%arg12 : memref<!tpu.dma_semaphore, #tpu.memory_space<semaphore_mem>>) src(%dma_wait3A_113 : memref<512x16xf32, #tpu.memory_space<hbm>>) dst(%arg8 : memref<512x16xf32, #tpu.memory_space<vmem>>)
        %scan3A_114 = arith.constant 0 : i32
        %scan3A_115 = arith.constant 8 : i32
        %scan3A_116 = arith.addi %scan3A_114, %scan3A_115 : i32
        %scan3A_117 = arith.constant 1 : i32
        scf.for %scan3A_171 = %scan3A_114 to %scan3A_116 step %scan3A_117  : i32 {
          %mul3A_172 = arith.constant 1 : i32
          %mul3A_173 = arith.muli %scan3A_171, %mul3A_172 : i32
          %add3A_174 = arith.constant 0 : i32
          %add3A_175 = arith.addi %add3A_174, %mul3A_173 : i32
          %add3A_176 = arith.constant 0 : i32
          %add3A_177 = arith.addi %sub3A_93, %add3A_176 : i32
          %add3A_178 = arith.addi %add3A_177, %add3A_175 : i32
          %get3A = arith.index_cast %add3A_178 : i32 to index
          %get3A_179 = arith.constant 0 : index
          %get3A_180 = tpu.vector_load %arg7[%get3A, %get3A_179] {strides = array<i32>} : memref<40x16xf32, #tpu.memory_space<vmem>>, vector<16xf32>,
          %slice3A = vector.extract_strided_slice %get3A_180 {offsets = [0], sizes = [1], strides = [1]} : vector<16xf32> to vector<1xf32>
          %squeeze3A = vector.extract %slice3A[0] : f32 from vector<1xf32>
          %broadcast_in_dim3A_181 = vector.broadcast %squeeze3A : f32 to vector<16xf32>
          %slice3A_182 = vector.extract_strided_slice %get3A_180 {offsets = [1], sizes = [1], strides = [1]} : vector<16xf32> to vector<1xf32>
          %squeeze3A_183 = vector.extract %slice3A_182[0] : f32 from vector<1xf32>
          %broadcast_in_dim3A_184 = vector.broadcast %squeeze3A_183 : f32 to vector<16xf32>
          %slice3A_185 = vector.extract_strided_slice %get3A_180 {offsets = [2], sizes = [1], strides = [1]} : vector<16xf32> to vector<1xf32>
          %squeeze3A_186 = vector.extract %slice3A_185[0] : f32 from vector<1xf32>
          %broadcast_in_dim3A_187 = vector.broadcast %squeeze3A_186 : f32 to vector<16xf32>
          %mul3A_188 = arith.constant 64 : i32
          %mul3A_189 = arith.muli %add3A_175, %mul3A_188 : i32
          %add3A_190 = arith.constant 0 : i32
          %add3A_191 = arith.addi %mul3A_189, %add3A_190 : i32
          %add3A_192 = vector.broadcast %add3A_191 : i32 to vector<16xi32>
          %add3A_193 = arith.addi %iota3A, %add3A_192 : vector<16xi32>
          %gather3A = tpu.vector_load_idx %arg8[%add3A_193, %broadcast_in_dim3A_23] : memref<512x16xf32, #tpu.memory_space<vmem>>[vector<16xi32>, vector<16xi32>], vector<16xf32>,
          %sub3A_194 = arith.subf %gather3A, %broadcast_in_dim3A_181 : vector<16xf32>
          %gather3A_195 = tpu.vector_load_idx %arg8[%add3A_193, %add3A_26] : memref<512x16xf32, #tpu.memory_space<vmem>>[vector<16xi32>, vector<16xi32>], vector<16xf32>,
          %sub3A_196 = arith.subf %gather3A_195, %broadcast_in_dim3A_184 : vector<16xf32>
          %gather3A_197 = tpu.vector_load_idx %arg8[%add3A_193, %add3A_29] : memref<512x16xf32, #tpu.memory_space<vmem>>[vector<16xi32>, vector<16xi32>], vector<16xf32>,
          %sub3A_198 = arith.subf %gather3A_197, %broadcast_in_dim3A_187 : vector<16xf32>
          %mul3A_199 = arith.mulf %sub3A_194, %sub3A_194 : vector<16xf32>
          %mul3A_200 = arith.mulf %sub3A_196, %sub3A_196 : vector<16xf32>
          %add3A_201 = arith.addf %mul3A_199, %mul3A_200 : vector<16xf32>
          %mul3A_202 = arith.mulf %sub3A_198, %sub3A_198 : vector<16xf32>
          %add3A_203 = arith.addf %add3A_201, %mul3A_202 : vector<16xf32>
          %mul3A_204 = arith.constant 64 : i32
          %mul3A_205 = arith.muli %add3A_175, %mul3A_204 : i32
          %add3A_206 = arith.constant 0 : i32
          %add3A_207 = arith.addi %add3A_206, %mul3A_205 : i32
          %add3A_208 = arith.constant 0 : i32
          %add3A_209 = arith.addi %add3A_207, %add3A_208 : i32
          %swap3A = arith.index_cast %add3A_209 : i32 to index
          %swap3A_210 = tpu.vector_load %arg10[%swap3A] {strides = array<i32>} : memref<2048xf32, #tpu.memory_space<vmem>>, vector<16xf32>,
          tpu.vector_store %arg10[%swap3A], %add3A_203 {strides = array<i32>} : memref<2048xf32, #tpu.memory_space<vmem>>, vector<16xf32>,
          %mul3A_211 = arith.constant 64 : i32
          %mul3A_212 = arith.muli %add3A_175, %mul3A_211 : i32
          %add3A_213 = arith.constant 16 : i32
          %add3A_214 = arith.addi %mul3A_212, %add3A_213 : i32
          %add3A_215 = vector.broadcast %add3A_214 : i32 to vector<16xi32>
          %add3A_216 = arith.addi %iota3A, %add3A_215 : vector<16xi32>
          %gather3A_217 = tpu.vector_load_idx %arg8[%add3A_216, %broadcast_in_dim3A_23] : memref<512x16xf32, #tpu.memory_space<vmem>>[vector<16xi32>, vector<16xi32>], vector<16xf32>,
          %sub3A_218 = arith.subf %gather3A_217, %broadcast_in_dim3A_181 : vector<16xf32>
          %gather3A_219 = tpu.vector_load_idx %arg8[%add3A_216, %add3A_26] : memref<512x16xf32, #tpu.memory_space<vmem>>[vector<16xi32>, vector<16xi32>], vector<16xf32>,
          %sub3A_220 = arith.subf %gather3A_219, %broadcast_in_dim3A_184 : vector<16xf32>
          %gather3A_221 = tpu.vector_load_idx %arg8[%add3A_216, %add3A_29] : memref<512x16xf32, #tpu.memory_space<vmem>>[vector<16xi32>, vector<16xi32>], vector<16xf32>,
          %sub3A_222 = arith.subf %gather3A_221, %broadcast_in_dim3A_187 : vector<16xf32>
          %mul3A_223 = arith.mulf %sub3A_218, %sub3A_218 : vector<16xf32>
          %mul3A_224 = arith.mulf %sub3A_220, %sub3A_220 : vector<16xf32>
          %add3A_225 = arith.addf %mul3A_223, %mul3A_224 : vector<16xf32>
          %mul3A_226 = arith.mulf %sub3A_222, %sub3A_222 : vector<16xf32>
          %add3A_227 = arith.addf %add3A_225, %mul3A_226 : vector<16xf32>
          %mul3A_228 = arith.constant 64 : i32
          %mul3A_229 = arith.muli %add3A_175, %mul3A_228 : i32
          %add3A_230 = arith.constant 0 : i32
          %add3A_231 = arith.addi %add3A_230, %mul3A_229 : i32
          %add3A_232 = arith.constant 16 : i32
          %add3A_233 = arith.addi %add3A_231, %add3A_232 : i32
          %swap3A_234 = arith.index_cast %add3A_233 : i32 to index
          %swap3A_235 = tpu.vector_load %arg10[%swap3A_234] {strides = array<i32>} : memref<2048xf32, #tpu.memory_space<vmem>>, vector<16xf32>,
          tpu.vector_store %arg10[%swap3A_234], %add3A_227 {strides = array<i32>} : memref<2048xf32, #tpu.memory_space<vmem>>, vector<16xf32>,
          %mul3A_236 = arith.constant 64 : i32
          %mul3A_237 = arith.muli %add3A_175, %mul3A_236 : i32
          %add3A_238 = arith.constant 32 : i32
          %add3A_239 = arith.addi %mul3A_237, %add3A_238 : i32
          %add3A_240 = vector.broadcast %add3A_239 : i32 to vector<16xi32>
          %add3A_241 = arith.addi %iota3A, %add3A_240 : vector<16xi32>
          %gather3A_242 = tpu.vector_load_idx %arg8[%add3A_241, %broadcast_in_dim3A_23] : memref<512x16xf32, #tpu.memory_space<vmem>>[vector<16xi32>, vector<16xi32>], vector<16xf32>,
          %sub3A_243 = arith.subf %gather3A_242, %broadcast_in_dim3A_181 : vector<16xf32>
          %gather3A_244 = tpu.vector_load_idx %arg8[%add3A_241, %add3A_26] : memref<512x16xf32, #tpu.memory_space<vmem>>[vector<16xi32>, vector<16xi32>], vector<16xf32>,
          %sub3A_245 = arith.subf %gather3A_244, %broadcast_in_dim3A_184 : vector<16xf32>
          %gather3A_246 = tpu.vector_load_idx %arg8[%add3A_241, %add3A_29] : memref<512x16xf32, #tpu.memory_space<vmem>>[vector<16xi32>, vector<16xi32>], vector<16xf32>,
          %sub3A_247 = arith.subf %gather3A_246, %broadcast_in_dim3A_187 : vector<16xf32>
          %mul3A_248 = arith.mulf %sub3A_243, %sub3A_243 : vector<16xf32>
          %mul3A_249 = arith.mulf %sub3A_245, %sub3A_245 : vector<16xf32>
          %add3A_250 = arith.addf %mul3A_248, %mul3A_249 : vector<16xf32>
          %mul3A_251 = arith.mulf %sub3A_247, %sub3A_247 : vector<16xf32>
          %add3A_252 = arith.addf %add3A_250, %mul3A_251 : vector<16xf32>
          %mul3A_253 = arith.constant 64 : i32
          %mul3A_254 = arith.muli %add3A_175, %mul3A_253 : i32
          %add3A_255 = arith.constant 0 : i32
          %add3A_256 = arith.addi %add3A_255, %mul3A_254 : i32
          %add3A_257 = arith.constant 32 : i32
          %add3A_258 = arith.addi %add3A_256, %add3A_257 : i32
          %swap3A_259 = arith.index_cast %add3A_258 : i32 to index
          %swap3A_260 = tpu.vector_load %arg10[%swap3A_259] {strides = array<i32>} : memref<2048xf32, #tpu.memory_space<vmem>>, vector<16xf32>,
          tpu.vector_store %arg10[%swap3A_259], %add3A_252 {strides = array<i32>} : memref<2048xf32, #tpu.memory_space<vmem>>, vector<16xf32>,
          %mul3A_261 = arith.constant 64 : i32
          %mul3A_262 = arith.muli %add3A_175, %mul3A_261 : i32
          %add3A_263 = arith.constant 48 : i32
          %add3A_264 = arith.addi %mul3A_262, %add3A_263 : i32
          %add3A_265 = vector.broadcast %add3A_264 : i32 to vector<16xi32>
          %add3A_266 = arith.addi %iota3A, %add3A_265 : vector<16xi32>
          %gather3A_267 = tpu.vector_load_idx %arg8[%add3A_266, %broadcast_in_dim3A_23] : memref<512x16xf32, #tpu.memory_space<vmem>>[vector<16xi32>, vector<16xi32>], vector<16xf32>,
          %sub3A_268 = arith.subf %gather3A_267, %broadcast_in_dim3A_181 : vector<16xf32>
          %gather3A_269 = tpu.vector_load_idx %arg8[%add3A_266, %add3A_26] : memref<512x16xf32, #tpu.memory_space<vmem>>[vector<16xi32>, vector<16xi32>], vector<16xf32>,
          %sub3A_270 = arith.subf %gather3A_269, %broadcast_in_dim3A_184 : vector<16xf32>
          %gather3A_271 = tpu.vector_load_idx %arg8[%add3A_266, %add3A_29] : memref<512x16xf32, #tpu.memory_space<vmem>>[vector<16xi32>, vector<16xi32>], vector<16xf32>,
          %sub3A_272 = arith.subf %gather3A_271, %broadcast_in_dim3A_187 : vector<16xf32>
          %mul3A_273 = arith.mulf %sub3A_268, %sub3A_268 : vector<16xf32>
          %mul3A_274 = arith.mulf %sub3A_270, %sub3A_270 : vector<16xf32>
          %add3A_275 = arith.addf %mul3A_273, %mul3A_274 : vector<16xf32>
          %mul3A_276 = arith.mulf %sub3A_272, %sub3A_272 : vector<16xf32>
          %add3A_277 = arith.addf %add3A_275, %mul3A_276 : vector<16xf32>
          %mul3A_278 = arith.constant 64 : i32
          %mul3A_279 = arith.muli %add3A_175, %mul3A_278 : i32
          %add3A_280 = arith.constant 0 : i32
          %add3A_281 = arith.addi %add3A_280, %mul3A_279 : i32
          %add3A_282 = arith.constant 48 : i32
          %add3A_283 = arith.addi %add3A_281, %add3A_282 : i32
          %swap3A_284 = arith.index_cast %add3A_283 : i32 to index
          %swap3A_285 = tpu.vector_load %arg10[%swap3A_284] {strides = array<i32>} : memref<2048xf32, #tpu.memory_space<vmem>>, vector<16xf32>,
          tpu.vector_store %arg10[%swap3A_284], %add3A_277 {strides = array<i32>} : memref<2048xf32, #tpu.memory_space<vmem>>, vector<16xf32>,
        }
        %scan3A_118 = arith.constant 8 : i32
        %dma_start3A_119 = arith.constant 1024 : i32
        %dma_start3A_120 = tpu.memref_slice %arg5[%dma_start3A_119] : memref<2048xi32, #tpu.memory_space<vmem>> -> memref<512xi32, #tpu.memory_space<vmem>>
        %dma_start3A_121 = arith.constant 0 : i32
        %dma_start3A_122 = arith.constant 0 : i32
        %dma_start3A_123 = tpu.memref_slice %arg18[%dma_start3A_121, %dma_start3A_122] : memref<100096x16xf32, #tpu.memory_space<vmem_shared>> -> memref<100096x16xf32, #tpu.memory_space<vmem_shared>>
        tpu.enqueue_indirect_dma source(%dma_start3A_123 : memref<100096x16xf32, #tpu.memory_space<vmem_shared>>) target(%arg8 : memref<512x16xf32, #tpu.memory_space<vmem>>) offsets(%dma_start3A_120 : memref<512xi32, #tpu.memory_space<vmem>>) semaphore(%arg12 : memref<!tpu.dma_semaphore, #tpu.memory_space<semaphore_mem>>)
        %dma_wait3A_124 = arith.constant 0 : i32
        %dma_wait3A_125 = arith.constant 0 : i32
        %dma_wait3A_126 = tpu.memref_slice %arg2[%dma_wait3A_124, %dma_wait3A_125] : memref<100096x16xf32, #tpu.memory_space<hbm>> -> memref<512x16xf32, #tpu.memory_space<hbm>>
        %dma_wait3A_127 = arith.constant 0 : i32
        %dma_wait3A_128 = arith.constant 0 : i32
        %dma_wait3A_129 = tpu.memref_slice %arg2[%dma_wait3A_127, %dma_wait3A_128] : memref<100096x16xf32, #tpu.memory_space<hbm>> -> memref<512x16xf32, #tpu.memory_space<hbm>>
        tpu.wait_dma2 semaphore(%arg13 : memref<!tpu.dma_semaphore, #tpu.memory_space<semaphore_mem>>) src(%dma_wait3A_129 : memref<512x16xf32, #tpu.memory_space<hbm>>) dst(%arg9 : memref<512x16xf32, #tpu.memory_space<vmem>>)
        %scan3A_130 = arith.constant 0 : i32
        %scan3A_131 = arith.constant 8 : i32
        %scan3A_132 = arith.addi %scan3A_130, %scan3A_131 : i32
        %scan3A_133 = arith.constant 1 : i32
        scf.for %scan3A_171 = %scan3A_130 to %scan3A_132 step %scan3A_133  : i32 {
          %mul3A_172 = arith.constant 1 : i32
          %mul3A_173 = arith.muli %scan3A_171, %mul3A_172 : i32
          %add3A_174 = arith.constant 0 : i32
          %add3A_175 = arith.addi %add3A_174, %mul3A_173 : i32
          %add3A_176 = arith.constant 8 : i32
          %add3A_177 = arith.addi %sub3A_93, %add3A_176 : i32
          %add3A_178 = arith.addi %add3A_177, %add3A_175 : i32
          %get3A = arith.index_cast %add3A_178 : i32 to index
          %get3A_179 = arith.constant 0 : index
          %get3A_180 = tpu.vector_load %arg7[%get3A, %get3A_179] {strides = array<i32>} : memref<40x16xf32, #tpu.memory_space<vmem>>, vector<16xf32>,
          %slice3A = vector.extract_strided_slice %get3A_180 {offsets = [0], sizes = [1], strides = [1]} : vector<16xf32> to vector<1xf32>
          %squeeze3A = vector.extract %slice3A[0] : f32 from vector<1xf32>
          %broadcast_in_dim3A_181 = vector.broadcast %squeeze3A : f32 to vector<16xf32>
          %slice3A_182 = vector.extract_strided_slice %get3A_180 {offsets = [1], sizes = [1], strides = [1]} : vector<16xf32> to vector<1xf32>
          %squeeze3A_183 = vector.extract %slice3A_182[0] : f32 from vector<1xf32>
          %broadcast_in_dim3A_184 = vector.broadcast %squeeze3A_183 : f32 to vector<16xf32>
          %slice3A_185 = vector.extract_strided_slice %get3A_180 {offsets = [2], sizes = [1], strides = [1]} : vector<16xf32> to vector<1xf32>
          %squeeze3A_186 = vector.extract %slice3A_185[0] : f32 from vector<1xf32>
          %broadcast_in_dim3A_187 = vector.broadcast %squeeze3A_186 : f32 to vector<16xf32>
          %mul3A_188 = arith.constant 64 : i32
          %mul3A_189 = arith.muli %add3A_175, %mul3A_188 : i32
          %add3A_190 = arith.constant 0 : i32
          %add3A_191 = arith.addi %mul3A_189, %add3A_190 : i32
          %add3A_192 = vector.broadcast %add3A_191 : i32 to vector<16xi32>
          %add3A_193 = arith.addi %iota3A, %add3A_192 : vector<16xi32>
          %gather3A = tpu.vector_load_idx %arg9[%add3A_193, %broadcast_in_dim3A_23] : memref<512x16xf32, #tpu.memory_space<vmem>>[vector<16xi32>, vector<16xi32>], vector<16xf32>,
          %sub3A_194 = arith.subf %gather3A, %broadcast_in_dim3A_181 : vector<16xf32>
          %gather3A_195 = tpu.vector_load_idx %arg9[%add3A_193, %add3A_26] : memref<512x16xf32, #tpu.memory_space<vmem>>[vector<16xi32>, vector<16xi32>], vector<16xf32>,
          %sub3A_196 = arith.subf %gather3A_195, %broadcast_in_dim3A_184 : vector<16xf32>
          %gather3A_197 = tpu.vector_load_idx %arg9[%add3A_193, %add3A_29] : memref<512x16xf32, #tpu.memory_space<vmem>>[vector<16xi32>, vector<16xi32>], vector<16xf32>,
          %sub3A_198 = arith.subf %gather3A_197, %broadcast_in_dim3A_187 : vector<16xf32>
          %mul3A_199 = arith.mulf %sub3A_194, %sub3A_194 : vector<16xf32>
          %mul3A_200 = arith.mulf %sub3A_196, %sub3A_196 : vector<16xf32>
          %add3A_201 = arith.addf %mul3A_199, %mul3A_200 : vector<16xf32>
          %mul3A_202 = arith.mulf %sub3A_198, %sub3A_198 : vector<16xf32>
          %add3A_203 = arith.addf %add3A_201, %mul3A_202 : vector<16xf32>
          %mul3A_204 = arith.constant 64 : i32
          %mul3A_205 = arith.muli %add3A_175, %mul3A_204 : i32
          %add3A_206 = arith.constant 512 : i32
          %add3A_207 = arith.addi %add3A_206, %mul3A_205 : i32
          %add3A_208 = arith.constant 0 : i32
          %add3A_209 = arith.addi %add3A_207, %add3A_208 : i32
          %swap3A = arith.index_cast %add3A_209 : i32 to index
          %swap3A_210 = tpu.vector_load %arg10[%swap3A] {strides = array<i32>} : memref<2048xf32, #tpu.memory_space<vmem>>, vector<16xf32>,
          tpu.vector_store %arg10[%swap3A], %add3A_203 {strides = array<i32>} : memref<2048xf32, #tpu.memory_space<vmem>>, vector<16xf32>,
          %mul3A_211 = arith.constant 64 : i32
          %mul3A_212 = arith.muli %add3A_175, %mul3A_211 : i32
          %add3A_213 = arith.constant 16 : i32
          %add3A_214 = arith.addi %mul3A_212, %add3A_213 : i32
          %add3A_215 = vector.broadcast %add3A_214 : i32 to vector<16xi32>
          %add3A_216 = arith.addi %iota3A, %add3A_215 : vector<16xi32>
          %gather3A_217 = tpu.vector_load_idx %arg9[%add3A_216, %broadcast_in_dim3A_23] : memref<512x16xf32, #tpu.memory_space<vmem>>[vector<16xi32>, vector<16xi32>], vector<16xf32>,
          %sub3A_218 = arith.subf %gather3A_217, %broadcast_in_dim3A_181 : vector<16xf32>
          %gather3A_219 = tpu.vector_load_idx %arg9[%add3A_216, %add3A_26] : memref<512x16xf32, #tpu.memory_space<vmem>>[vector<16xi32>, vector<16xi32>], vector<16xf32>,
          %sub3A_220 = arith.subf %gather3A_219, %broadcast_in_dim3A_184 : vector<16xf32>
          %gather3A_221 = tpu.vector_load_idx %arg9[%add3A_216, %add3A_29] : memref<512x16xf32, #tpu.memory_space<vmem>>[vector<16xi32>, vector<16xi32>], vector<16xf32>,
          %sub3A_222 = arith.subf %gather3A_221, %broadcast_in_dim3A_187 : vector<16xf32>
          %mul3A_223 = arith.mulf %sub3A_218, %sub3A_218 : vector<16xf32>
          %mul3A_224 = arith.mulf %sub3A_220, %sub3A_220 : vector<16xf32>
          %add3A_225 = arith.addf %mul3A_223, %mul3A_224 : vector<16xf32>
          %mul3A_226 = arith.mulf %sub3A_222, %sub3A_222 : vector<16xf32>
          %add3A_227 = arith.addf %add3A_225, %mul3A_226 : vector<16xf32>
          %mul3A_228 = arith.constant 64 : i32
          %mul3A_229 = arith.muli %add3A_175, %mul3A_228 : i32
          %add3A_230 = arith.constant 512 : i32
          %add3A_231 = arith.addi %add3A_230, %mul3A_229 : i32
          %add3A_232 = arith.constant 16 : i32
          %add3A_233 = arith.addi %add3A_231, %add3A_232 : i32
          %swap3A_234 = arith.index_cast %add3A_233 : i32 to index
          %swap3A_235 = tpu.vector_load %arg10[%swap3A_234] {strides = array<i32>} : memref<2048xf32, #tpu.memory_space<vmem>>, vector<16xf32>,
          tpu.vector_store %arg10[%swap3A_234], %add3A_227 {strides = array<i32>} : memref<2048xf32, #tpu.memory_space<vmem>>, vector<16xf32>,
          %mul3A_236 = arith.constant 64 : i32
          %mul3A_237 = arith.muli %add3A_175, %mul3A_236 : i32
          %add3A_238 = arith.constant 32 : i32
          %add3A_239 = arith.addi %mul3A_237, %add3A_238 : i32
          %add3A_240 = vector.broadcast %add3A_239 : i32 to vector<16xi32>
          %add3A_241 = arith.addi %iota3A, %add3A_240 : vector<16xi32>
          %gather3A_242 = tpu.vector_load_idx %arg9[%add3A_241, %broadcast_in_dim3A_23] : memref<512x16xf32, #tpu.memory_space<vmem>>[vector<16xi32>, vector<16xi32>], vector<16xf32>,
          %sub3A_243 = arith.subf %gather3A_242, %broadcast_in_dim3A_181 : vector<16xf32>
          %gather3A_244 = tpu.vector_load_idx %arg9[%add3A_241, %add3A_26] : memref<512x16xf32, #tpu.memory_space<vmem>>[vector<16xi32>, vector<16xi32>], vector<16xf32>,
          %sub3A_245 = arith.subf %gather3A_244, %broadcast_in_dim3A_184 : vector<16xf32>
          %gather3A_246 = tpu.vector_load_idx %arg9[%add3A_241, %add3A_29] : memref<512x16xf32, #tpu.memory_space<vmem>>[vector<16xi32>, vector<16xi32>], vector<16xf32>,
          %sub3A_247 = arith.subf %gather3A_246, %broadcast_in_dim3A_187 : vector<16xf32>
          %mul3A_248 = arith.mulf %sub3A_243, %sub3A_243 : vector<16xf32>
          %mul3A_249 = arith.mulf %sub3A_245, %sub3A_245 : vector<16xf32>
          %add3A_250 = arith.addf %mul3A_248, %mul3A_249 : vector<16xf32>
          %mul3A_251 = arith.mulf %sub3A_247, %sub3A_247 : vector<16xf32>
          %add3A_252 = arith.addf %add3A_250, %mul3A_251 : vector<16xf32>
          %mul3A_253 = arith.constant 64 : i32
          %mul3A_254 = arith.muli %add3A_175, %mul3A_253 : i32
          %add3A_255 = arith.constant 512 : i32
          %add3A_256 = arith.addi %add3A_255, %mul3A_254 : i32
          %add3A_257 = arith.constant 32 : i32
          %add3A_258 = arith.addi %add3A_256, %add3A_257 : i32
          %swap3A_259 = arith.index_cast %add3A_258 : i32 to index
          %swap3A_260 = tpu.vector_load %arg10[%swap3A_259] {strides = array<i32>} : memref<2048xf32, #tpu.memory_space<vmem>>, vector<16xf32>,
          tpu.vector_store %arg10[%swap3A_259], %add3A_252 {strides = array<i32>} : memref<2048xf32, #tpu.memory_space<vmem>>, vector<16xf32>,
          %mul3A_261 = arith.constant 64 : i32
          %mul3A_262 = arith.muli %add3A_175, %mul3A_261 : i32
          %add3A_263 = arith.constant 48 : i32
          %add3A_264 = arith.addi %mul3A_262, %add3A_263 : i32
          %add3A_265 = vector.broadcast %add3A_264 : i32 to vector<16xi32>
          %add3A_266 = arith.addi %iota3A, %add3A_265 : vector<16xi32>
          %gather3A_267 = tpu.vector_load_idx %arg9[%add3A_266, %broadcast_in_dim3A_23] : memref<512x16xf32, #tpu.memory_space<vmem>>[vector<16xi32>, vector<16xi32>], vector<16xf32>,
          %sub3A_268 = arith.subf %gather3A_267, %broadcast_in_dim3A_181 : vector<16xf32>
          %gather3A_269 = tpu.vector_load_idx %arg9[%add3A_266, %add3A_26] : memref<512x16xf32, #tpu.memory_space<vmem>>[vector<16xi32>, vector<16xi32>], vector<16xf32>,
          %sub3A_270 = arith.subf %gather3A_269, %broadcast_in_dim3A_184 : vector<16xf32>
          %gather3A_271 = tpu.vector_load_idx %arg9[%add3A_266, %add3A_29] : memref<512x16xf32, #tpu.memory_space<vmem>>[vector<16xi32>, vector<16xi32>], vector<16xf32>,
          %sub3A_272 = arith.subf %gather3A_271, %broadcast_in_dim3A_187 : vector<16xf32>
          %mul3A_273 = arith.mulf %sub3A_268, %sub3A_268 : vector<16xf32>
          %mul3A_274 = arith.mulf %sub3A_270, %sub3A_270 : vector<16xf32>
          %add3A_275 = arith.addf %mul3A_273, %mul3A_274 : vector<16xf32>
          %mul3A_276 = arith.mulf %sub3A_272, %sub3A_272 : vector<16xf32>
          %add3A_277 = arith.addf %add3A_275, %mul3A_276 : vector<16xf32>
          %mul3A_278 = arith.constant 64 : i32
          %mul3A_279 = arith.muli %add3A_175, %mul3A_278 : i32
          %add3A_280 = arith.constant 512 : i32
          %add3A_281 = arith.addi %add3A_280, %mul3A_279 : i32
          %add3A_282 = arith.constant 48 : i32
          %add3A_283 = arith.addi %add3A_281, %add3A_282 : i32
          %swap3A_284 = arith.index_cast %add3A_283 : i32 to index
          %swap3A_285 = tpu.vector_load %arg10[%swap3A_284] {strides = array<i32>} : memref<2048xf32, #tpu.memory_space<vmem>>, vector<16xf32>,
          tpu.vector_store %arg10[%swap3A_284], %add3A_277 {strides = array<i32>} : memref<2048xf32, #tpu.memory_space<vmem>>, vector<16xf32>,
        }
        %scan3A_134 = arith.constant 8 : i32
        %dma_start3A_135 = arith.constant 1536 : i32
        %dma_start3A_136 = tpu.memref_slice %arg5[%dma_start3A_135] : memref<2048xi32, #tpu.memory_space<vmem>> -> memref<512xi32, #tpu.memory_space<vmem>>
        %dma_start3A_137 = arith.constant 0 : i32
        %dma_start3A_138 = arith.constant 0 : i32
        %dma_start3A_139 = tpu.memref_slice %arg18[%dma_start3A_137, %dma_start3A_138] : memref<100096x16xf32, #tpu.memory_space<vmem_shared>> -> memref<100096x16xf32, #tpu.memory_space<vmem_shared>>
        tpu.enqueue_indirect_dma source(%dma_start3A_139 : memref<100096x16xf32, #tpu.memory_space<vmem_shared>>) target(%arg9 : memref<512x16xf32, #tpu.memory_space<vmem>>) offsets(%dma_start3A_136 : memref<512xi32, #tpu.memory_space<vmem>>) semaphore(%arg13 : memref<!tpu.dma_semaphore, #tpu.memory_space<semaphore_mem>>)
        %dma_wait3A_140 = arith.constant 0 : i32
        %dma_wait3A_141 = arith.constant 0 : i32
        %dma_wait3A_142 = tpu.memref_slice %arg2[%dma_wait3A_140, %dma_wait3A_141] : memref<100096x16xf32, #tpu.memory_space<hbm>> -> memref<512x16xf32, #tpu.memory_space<hbm>>
        %dma_wait3A_143 = arith.constant 0 : i32
        %dma_wait3A_144 = arith.constant 0 : i32
        %dma_wait3A_145 = tpu.memref_slice %arg2[%dma_wait3A_143, %dma_wait3A_144] : memref<100096x16xf32, #tpu.memory_space<hbm>> -> memref<512x16xf32, #tpu.memory_space<hbm>>
        tpu.wait_dma2 semaphore(%arg12 : memref<!tpu.dma_semaphore, #tpu.memory_space<semaphore_mem>>) src(%dma_wait3A_145 : memref<512x16xf32, #tpu.memory_space<hbm>>) dst(%arg8 : memref<512x16xf32, #tpu.memory_space<vmem>>)
        %scan3A_146 = arith.constant 0 : i32
        %scan3A_147 = arith.constant 8 : i32
        %scan3A_148 = arith.addi %scan3A_146, %scan3A_147 : i32
        %scan3A_149 = arith.constant 1 : i32
        scf.for %scan3A_171 = %scan3A_146 to %scan3A_148 step %scan3A_149  : i32 {
          %mul3A_172 = arith.constant 1 : i32
          %mul3A_173 = arith.muli %scan3A_171, %mul3A_172 : i32
          %add3A_174 = arith.constant 0 : i32
          %add3A_175 = arith.addi %add3A_174, %mul3A_173 : i32
          %add3A_176 = arith.constant 16 : i32
          %add3A_177 = arith.addi %sub3A_93, %add3A_176 : i32
          %add3A_178 = arith.addi %add3A_177, %add3A_175 : i32
          %get3A = arith.index_cast %add3A_178 : i32 to index
          %get3A_179 = arith.constant 0 : index
          %get3A_180 = tpu.vector_load %arg7[%get3A, %get3A_179] {strides = array<i32>} : memref<40x16xf32, #tpu.memory_space<vmem>>, vector<16xf32>,
          %slice3A = vector.extract_strided_slice %get3A_180 {offsets = [0], sizes = [1], strides = [1]} : vector<16xf32> to vector<1xf32>
          %squeeze3A = vector.extract %slice3A[0] : f32 from vector<1xf32>
          %broadcast_in_dim3A_181 = vector.broadcast %squeeze3A : f32 to vector<16xf32>
          %slice3A_182 = vector.extract_strided_slice %get3A_180 {offsets = [1], sizes = [1], strides = [1]} : vector<16xf32> to vector<1xf32>
          %squeeze3A_183 = vector.extract %slice3A_182[0] : f32 from vector<1xf32>
          %broadcast_in_dim3A_184 = vector.broadcast %squeeze3A_183 : f32 to vector<16xf32>
          %slice3A_185 = vector.extract_strided_slice %get3A_180 {offsets = [2], sizes = [1], strides = [1]} : vector<16xf32> to vector<1xf32>
          %squeeze3A_186 = vector.extract %slice3A_185[0] : f32 from vector<1xf32>
          %broadcast_in_dim3A_187 = vector.broadcast %squeeze3A_186 : f32 to vector<16xf32>
          %mul3A_188 = arith.constant 64 : i32
          %mul3A_189 = arith.muli %add3A_175, %mul3A_188 : i32
          %add3A_190 = arith.constant 0 : i32
          %add3A_191 = arith.addi %mul3A_189, %add3A_190 : i32
          %add3A_192 = vector.broadcast %add3A_191 : i32 to vector<16xi32>
          %add3A_193 = arith.addi %iota3A, %add3A_192 : vector<16xi32>
          %gather3A = tpu.vector_load_idx %arg8[%add3A_193, %broadcast_in_dim3A_23] : memref<512x16xf32, #tpu.memory_space<vmem>>[vector<16xi32>, vector<16xi32>], vector<16xf32>,
          %sub3A_194 = arith.subf %gather3A, %broadcast_in_dim3A_181 : vector<16xf32>
          %gather3A_195 = tpu.vector_load_idx %arg8[%add3A_193, %add3A_26] : memref<512x16xf32, #tpu.memory_space<vmem>>[vector<16xi32>, vector<16xi32>], vector<16xf32>,
          %sub3A_196 = arith.subf %gather3A_195, %broadcast_in_dim3A_184 : vector<16xf32>
          %gather3A_197 = tpu.vector_load_idx %arg8[%add3A_193, %add3A_29] : memref<512x16xf32, #tpu.memory_space<vmem>>[vector<16xi32>, vector<16xi32>], vector<16xf32>,
          %sub3A_198 = arith.subf %gather3A_197, %broadcast_in_dim3A_187 : vector<16xf32>
          %mul3A_199 = arith.mulf %sub3A_194, %sub3A_194 : vector<16xf32>
          %mul3A_200 = arith.mulf %sub3A_196, %sub3A_196 : vector<16xf32>
          %add3A_201 = arith.addf %mul3A_199, %mul3A_200 : vector<16xf32>
          %mul3A_202 = arith.mulf %sub3A_198, %sub3A_198 : vector<16xf32>
          %add3A_203 = arith.addf %add3A_201, %mul3A_202 : vector<16xf32>
          %mul3A_204 = arith.constant 64 : i32
          %mul3A_205 = arith.muli %add3A_175, %mul3A_204 : i32
          %add3A_206 = arith.constant 1024 : i32
          %add3A_207 = arith.addi %add3A_206, %mul3A_205 : i32
          %add3A_208 = arith.constant 0 : i32
          %add3A_209 = arith.addi %add3A_207, %add3A_208 : i32
          %swap3A = arith.index_cast %add3A_209 : i32 to index
          %swap3A_210 = tpu.vector_load %arg10[%swap3A] {strides = array<i32>} : memref<2048xf32, #tpu.memory_space<vmem>>, vector<16xf32>,
          tpu.vector_store %arg10[%swap3A], %add3A_203 {strides = array<i32>} : memref<2048xf32, #tpu.memory_space<vmem>>, vector<16xf32>,
          %mul3A_211 = arith.constant 64 : i32
          %mul3A_212 = arith.muli %add3A_175, %mul3A_211 : i32
          %add3A_213 = arith.constant 16 : i32
          %add3A_214 = arith.addi %mul3A_212, %add3A_213 : i32
          %add3A_215 = vector.broadcast %add3A_214 : i32 to vector<16xi32>
          %add3A_216 = arith.addi %iota3A, %add3A_215 : vector<16xi32>
          %gather3A_217 = tpu.vector_load_idx %arg8[%add3A_216, %broadcast_in_dim3A_23] : memref<512x16xf32, #tpu.memory_space<vmem>>[vector<16xi32>, vector<16xi32>], vector<16xf32>,
          %sub3A_218 = arith.subf %gather3A_217, %broadcast_in_dim3A_181 : vector<16xf32>
          %gather3A_219 = tpu.vector_load_idx %arg8[%add3A_216, %add3A_26] : memref<512x16xf32, #tpu.memory_space<vmem>>[vector<16xi32>, vector<16xi32>], vector<16xf32>,
          %sub3A_220 = arith.subf %gather3A_219, %broadcast_in_dim3A_184 : vector<16xf32>
          %gather3A_221 = tpu.vector_load_idx %arg8[%add3A_216, %add3A_29] : memref<512x16xf32, #tpu.memory_space<vmem>>[vector<16xi32>, vector<16xi32>], vector<16xf32>,
          %sub3A_222 = arith.subf %gather3A_221, %broadcast_in_dim3A_187 : vector<16xf32>
          %mul3A_223 = arith.mulf %sub3A_218, %sub3A_218 : vector<16xf32>
          %mul3A_224 = arith.mulf %sub3A_220, %sub3A_220 : vector<16xf32>
          %add3A_225 = arith.addf %mul3A_223, %mul3A_224 : vector<16xf32>
          %mul3A_226 = arith.mulf %sub3A_222, %sub3A_222 : vector<16xf32>
          %add3A_227 = arith.addf %add3A_225, %mul3A_226 : vector<16xf32>
          %mul3A_228 = arith.constant 64 : i32
          %mul3A_229 = arith.muli %add3A_175, %mul3A_228 : i32
          %add3A_230 = arith.constant 1024 : i32
          %add3A_231 = arith.addi %add3A_230, %mul3A_229 : i32
          %add3A_232 = arith.constant 16 : i32
          %add3A_233 = arith.addi %add3A_231, %add3A_232 : i32
          %swap3A_234 = arith.index_cast %add3A_233 : i32 to index
          %swap3A_235 = tpu.vector_load %arg10[%swap3A_234] {strides = array<i32>} : memref<2048xf32, #tpu.memory_space<vmem>>, vector<16xf32>,
          tpu.vector_store %arg10[%swap3A_234], %add3A_227 {strides = array<i32>} : memref<2048xf32, #tpu.memory_space<vmem>>, vector<16xf32>,
          %mul3A_236 = arith.constant 64 : i32
          %mul3A_237 = arith.muli %add3A_175, %mul3A_236 : i32
          %add3A_238 = arith.constant 32 : i32
          %add3A_239 = arith.addi %mul3A_237, %add3A_238 : i32
          %add3A_240 = vector.broadcast %add3A_239 : i32 to vector<16xi32>
          %add3A_241 = arith.addi %iota3A, %add3A_240 : vector<16xi32>
          %gather3A_242 = tpu.vector_load_idx %arg8[%add3A_241, %broadcast_in_dim3A_23] : memref<512x16xf32, #tpu.memory_space<vmem>>[vector<16xi32>, vector<16xi32>], vector<16xf32>,
          %sub3A_243 = arith.subf %gather3A_242, %broadcast_in_dim3A_181 : vector<16xf32>
          %gather3A_244 = tpu.vector_load_idx %arg8[%add3A_241, %add3A_26] : memref<512x16xf32, #tpu.memory_space<vmem>>[vector<16xi32>, vector<16xi32>], vector<16xf32>,
          %sub3A_245 = arith.subf %gather3A_244, %broadcast_in_dim3A_184 : vector<16xf32>
          %gather3A_246 = tpu.vector_load_idx %arg8[%add3A_241, %add3A_29] : memref<512x16xf32, #tpu.memory_space<vmem>>[vector<16xi32>, vector<16xi32>], vector<16xf32>,
          %sub3A_247 = arith.subf %gather3A_246, %broadcast_in_dim3A_187 : vector<16xf32>
          %mul3A_248 = arith.mulf %sub3A_243, %sub3A_243 : vector<16xf32>
          %mul3A_249 = arith.mulf %sub3A_245, %sub3A_245 : vector<16xf32>
          %add3A_250 = arith.addf %mul3A_248, %mul3A_249 : vector<16xf32>
          %mul3A_251 = arith.mulf %sub3A_247, %sub3A_247 : vector<16xf32>
          %add3A_252 = arith.addf %add3A_250, %mul3A_251 : vector<16xf32>
          %mul3A_253 = arith.constant 64 : i32
          %mul3A_254 = arith.muli %add3A_175, %mul3A_253 : i32
          %add3A_255 = arith.constant 1024 : i32
          %add3A_256 = arith.addi %add3A_255, %mul3A_254 : i32
          %add3A_257 = arith.constant 32 : i32
          %add3A_258 = arith.addi %add3A_256, %add3A_257 : i32
          %swap3A_259 = arith.index_cast %add3A_258 : i32 to index
          %swap3A_260 = tpu.vector_load %arg10[%swap3A_259] {strides = array<i32>} : memref<2048xf32, #tpu.memory_space<vmem>>, vector<16xf32>,
          tpu.vector_store %arg10[%swap3A_259], %add3A_252 {strides = array<i32>} : memref<2048xf32, #tpu.memory_space<vmem>>, vector<16xf32>,
          %mul3A_261 = arith.constant 64 : i32
          %mul3A_262 = arith.muli %add3A_175, %mul3A_261 : i32
          %add3A_263 = arith.constant 48 : i32
          %add3A_264 = arith.addi %mul3A_262, %add3A_263 : i32
          %add3A_265 = vector.broadcast %add3A_264 : i32 to vector<16xi32>
          %add3A_266 = arith.addi %iota3A, %add3A_265 : vector<16xi32>
          %gather3A_267 = tpu.vector_load_idx %arg8[%add3A_266, %broadcast_in_dim3A_23] : memref<512x16xf32, #tpu.memory_space<vmem>>[vector<16xi32>, vector<16xi32>], vector<16xf32>,
          %sub3A_268 = arith.subf %gather3A_267, %broadcast_in_dim3A_181 : vector<16xf32>
          %gather3A_269 = tpu.vector_load_idx %arg8[%add3A_266, %add3A_26] : memref<512x16xf32, #tpu.memory_space<vmem>>[vector<16xi32>, vector<16xi32>], vector<16xf32>,
          %sub3A_270 = arith.subf %gather3A_269, %broadcast_in_dim3A_184 : vector<16xf32>
          %gather3A_271 = tpu.vector_load_idx %arg8[%add3A_266, %add3A_29] : memref<512x16xf32, #tpu.memory_space<vmem>>[vector<16xi32>, vector<16xi32>], vector<16xf32>,
          %sub3A_272 = arith.subf %gather3A_271, %broadcast_in_dim3A_187 : vector<16xf32>
          %mul3A_273 = arith.mulf %sub3A_268, %sub3A_268 : vector<16xf32>
          %mul3A_274 = arith.mulf %sub3A_270, %sub3A_270 : vector<16xf32>
          %add3A_275 = arith.addf %mul3A_273, %mul3A_274 : vector<16xf32>
          %mul3A_276 = arith.mulf %sub3A_272, %sub3A_272 : vector<16xf32>
          %add3A_277 = arith.addf %add3A_275, %mul3A_276 : vector<16xf32>
          %mul3A_278 = arith.constant 64 : i32
          %mul3A_279 = arith.muli %add3A_175, %mul3A_278 : i32
          %add3A_280 = arith.constant 1024 : i32
          %add3A_281 = arith.addi %add3A_280, %mul3A_279 : i32
          %add3A_282 = arith.constant 48 : i32
          %add3A_283 = arith.addi %add3A_281, %add3A_282 : i32
          %swap3A_284 = arith.index_cast %add3A_283 : i32 to index
          %swap3A_285 = tpu.vector_load %arg10[%swap3A_284] {strides = array<i32>} : memref<2048xf32, #tpu.memory_space<vmem>>, vector<16xf32>,
          tpu.vector_store %arg10[%swap3A_284], %add3A_277 {strides = array<i32>} : memref<2048xf32, #tpu.memory_space<vmem>>, vector<16xf32>,
        }
        %scan3A_150 = arith.constant 8 : i32
        %add3A_151 = arith.constant 1 : i32
        %add3A_152 = arith.addi %add3A_51, %add3A_151 : i32
        %lt3A_153 = arith.constant 100 : i32
        %lt3A_154 = arith.cmpi slt, %add3A_152, %lt3A_153 : i32
        %convert_element_type3A_155 = arith.extui %lt3A_154 : i1 to i32
        %cond3A_156 = arith.constant 0 : i32
        %cond3A_157 = arith.cmpi ne, %convert_element_type3A_155, %cond3A_156 : i32
        scf.if %cond3A_157 {
          %dma_wait3A_171 = arith.constant 0 : i32
          %dma_wait3A_172 = tpu.memref_slice %arg3[%dma_wait3A_171] : memref<6400000xi32, #tpu.memory_space<hbm>> -> memref<2048xi32, #tpu.memory_space<hbm>>
          %dma_wait3A_173 = arith.constant 0 : i32
          %dma_wait3A_174 = tpu.memref_slice %arg3[%dma_wait3A_173] : memref<6400000xi32, #tpu.memory_space<hbm>> -> memref<2048xi32, #tpu.memory_space<hbm>>
          tpu.wait_dma2 semaphore(%arg15 : memref<!tpu.dma_semaphore, #tpu.memory_space<semaphore_mem>>) src(%dma_wait3A_174 : memref<2048xi32, #tpu.memory_space<hbm>>) dst(%arg6 : memref<2048xi32, #tpu.memory_space<vmem>>)
          %dma_start3A_175 = arith.constant 0 : i32
          %dma_start3A_176 = tpu.memref_slice %arg6[%dma_start3A_175] : memref<2048xi32, #tpu.memory_space<vmem>> -> memref<512xi32, #tpu.memory_space<vmem>>
          %dma_start3A_177 = arith.constant 0 : i32
          %dma_start3A_178 = arith.constant 0 : i32
          %dma_start3A_179 = tpu.memref_slice %arg18[%dma_start3A_177, %dma_start3A_178] : memref<100096x16xf32, #tpu.memory_space<vmem_shared>> -> memref<100096x16xf32, #tpu.memory_space<vmem_shared>>
          tpu.enqueue_indirect_dma source(%dma_start3A_179 : memref<100096x16xf32, #tpu.memory_space<vmem_shared>>) target(%arg8 : memref<512x16xf32, #tpu.memory_space<vmem>>) offsets(%dma_start3A_176 : memref<512xi32, #tpu.memory_space<vmem>>) semaphore(%arg12 : memref<!tpu.dma_semaphore, #tpu.memory_space<semaphore_mem>>)
        } else {
        }
        %dma_wait3A_158 = arith.constant 0 : i32
        %dma_wait3A_159 = arith.constant 0 : i32
        %dma_wait3A_160 = tpu.memref_slice %arg2[%dma_wait3A_158, %dma_wait3A_159] : memref<100096x16xf32, #tpu.memory_space<hbm>> -> memref<512x16xf32, #tpu.memory_space<hbm>>
        %dma_wait3A_161 = arith.constant 0 : i32
        %dma_wait3A_162 = arith.constant 0 : i32
        %dma_wait3A_163 = tpu.memref_slice %arg2[%dma_wait3A_161, %dma_wait3A_162] : memref<100096x16xf32, #tpu.memory_space<hbm>> -> memref<512x16xf32, #tpu.memory_space<hbm>>
        tpu.wait_dma2 semaphore(%arg13 : memref<!tpu.dma_semaphore, #tpu.memory_space<semaphore_mem>>) src(%dma_wait3A_163 : memref<512x16xf32, #tpu.memory_space<hbm>>) dst(%arg9 : memref<512x16xf32, #tpu.memory_space<vmem>>)
        %scan3A_164 = arith.constant 0 : i32
        %scan3A_165 = arith.constant 8 : i32
        %scan3A_166 = arith.addi %scan3A_164, %scan3A_165 : i32
        %scan3A_167 = arith.constant 1 : i32
        scf.for %scan3A_171 = %scan3A_164 to %scan3A_166 step %scan3A_167  : i32 {
          %mul3A_172 = arith.constant 1 : i32
          %mul3A_173 = arith.muli %scan3A_171, %mul3A_172 : i32
          %add3A_174 = arith.constant 0 : i32
          %add3A_175 = arith.addi %add3A_174, %mul3A_173 : i32
          %add3A_176 = arith.constant 24 : i32
          %add3A_177 = arith.addi %sub3A_93, %add3A_176 : i32
          %add3A_178 = arith.addi %add3A_177, %add3A_175 : i32
          %get3A = arith.index_cast %add3A_178 : i32 to index
          %get3A_179 = arith.constant 0 : index
          %get3A_180 = tpu.vector_load %arg7[%get3A, %get3A_179] {strides = array<i32>} : memref<40x16xf32, #tpu.memory_space<vmem>>, vector<16xf32>,
          %slice3A = vector.extract_strided_slice %get3A_180 {offsets = [0], sizes = [1], strides = [1]} : vector<16xf32> to vector<1xf32>
          %squeeze3A = vector.extract %slice3A[0] : f32 from vector<1xf32>
          %broadcast_in_dim3A_181 = vector.broadcast %squeeze3A : f32 to vector<16xf32>
          %slice3A_182 = vector.extract_strided_slice %get3A_180 {offsets = [1], sizes = [1], strides = [1]} : vector<16xf32> to vector<1xf32>
          %squeeze3A_183 = vector.extract %slice3A_182[0] : f32 from vector<1xf32>
          %broadcast_in_dim3A_184 = vector.broadcast %squeeze3A_183 : f32 to vector<16xf32>
          %slice3A_185 = vector.extract_strided_slice %get3A_180 {offsets = [2], sizes = [1], strides = [1]} : vector<16xf32> to vector<1xf32>
          %squeeze3A_186 = vector.extract %slice3A_185[0] : f32 from vector<1xf32>
          %broadcast_in_dim3A_187 = vector.broadcast %squeeze3A_186 : f32 to vector<16xf32>
          %mul3A_188 = arith.constant 64 : i32
          %mul3A_189 = arith.muli %add3A_175, %mul3A_188 : i32
          %add3A_190 = arith.constant 0 : i32
          %add3A_191 = arith.addi %mul3A_189, %add3A_190 : i32
          %add3A_192 = vector.broadcast %add3A_191 : i32 to vector<16xi32>
          %add3A_193 = arith.addi %iota3A, %add3A_192 : vector<16xi32>
          %gather3A = tpu.vector_load_idx %arg9[%add3A_193, %broadcast_in_dim3A_23] : memref<512x16xf32, #tpu.memory_space<vmem>>[vector<16xi32>, vector<16xi32>], vector<16xf32>,
          %sub3A_194 = arith.subf %gather3A, %broadcast_in_dim3A_181 : vector<16xf32>
          %gather3A_195 = tpu.vector_load_idx %arg9[%add3A_193, %add3A_26] : memref<512x16xf32, #tpu.memory_space<vmem>>[vector<16xi32>, vector<16xi32>], vector<16xf32>,
          %sub3A_196 = arith.subf %gather3A_195, %broadcast_in_dim3A_184 : vector<16xf32>
          %gather3A_197 = tpu.vector_load_idx %arg9[%add3A_193, %add3A_29] : memref<512x16xf32, #tpu.memory_space<vmem>>[vector<16xi32>, vector<16xi32>], vector<16xf32>,
          %sub3A_198 = arith.subf %gather3A_197, %broadcast_in_dim3A_187 : vector<16xf32>
          %mul3A_199 = arith.mulf %sub3A_194, %sub3A_194 : vector<16xf32>
          %mul3A_200 = arith.mulf %sub3A_196, %sub3A_196 : vector<16xf32>
          %add3A_201 = arith.addf %mul3A_199, %mul3A_200 : vector<16xf32>
          %mul3A_202 = arith.mulf %sub3A_198, %sub3A_198 : vector<16xf32>
          %add3A_203 = arith.addf %add3A_201, %mul3A_202 : vector<16xf32>
          %mul3A_204 = arith.constant 64 : i32
          %mul3A_205 = arith.muli %add3A_175, %mul3A_204 : i32
          %add3A_206 = arith.constant 1536 : i32
          %add3A_207 = arith.addi %add3A_206, %mul3A_205 : i32
          %add3A_208 = arith.constant 0 : i32
          %add3A_209 = arith.addi %add3A_207, %add3A_208 : i32
          %swap3A = arith.index_cast %add3A_209 : i32 to index
          %swap3A_210 = tpu.vector_load %arg10[%swap3A] {strides = array<i32>} : memref<2048xf32, #tpu.memory_space<vmem>>, vector<16xf32>,
          tpu.vector_store %arg10[%swap3A], %add3A_203 {strides = array<i32>} : memref<2048xf32, #tpu.memory_space<vmem>>, vector<16xf32>,
          %mul3A_211 = arith.constant 64 : i32
          %mul3A_212 = arith.muli %add3A_175, %mul3A_211 : i32
          %add3A_213 = arith.constant 16 : i32
          %add3A_214 = arith.addi %mul3A_212, %add3A_213 : i32
          %add3A_215 = vector.broadcast %add3A_214 : i32 to vector<16xi32>
          %add3A_216 = arith.addi %iota3A, %add3A_215 : vector<16xi32>
          %gather3A_217 = tpu.vector_load_idx %arg9[%add3A_216, %broadcast_in_dim3A_23] : memref<512x16xf32, #tpu.memory_space<vmem>>[vector<16xi32>, vector<16xi32>], vector<16xf32>,
          %sub3A_218 = arith.subf %gather3A_217, %broadcast_in_dim3A_181 : vector<16xf32>
          %gather3A_219 = tpu.vector_load_idx %arg9[%add3A_216, %add3A_26] : memref<512x16xf32, #tpu.memory_space<vmem>>[vector<16xi32>, vector<16xi32>], vector<16xf32>,
          %sub3A_220 = arith.subf %gather3A_219, %broadcast_in_dim3A_184 : vector<16xf32>
          %gather3A_221 = tpu.vector_load_idx %arg9[%add3A_216, %add3A_29] : memref<512x16xf32, #tpu.memory_space<vmem>>[vector<16xi32>, vector<16xi32>], vector<16xf32>,
          %sub3A_222 = arith.subf %gather3A_221, %broadcast_in_dim3A_187 : vector<16xf32>
          %mul3A_223 = arith.mulf %sub3A_218, %sub3A_218 : vector<16xf32>
          %mul3A_224 = arith.mulf %sub3A_220, %sub3A_220 : vector<16xf32>
          %add3A_225 = arith.addf %mul3A_223, %mul3A_224 : vector<16xf32>
          %mul3A_226 = arith.mulf %sub3A_222, %sub3A_222 : vector<16xf32>
          %add3A_227 = arith.addf %add3A_225, %mul3A_226 : vector<16xf32>
          %mul3A_228 = arith.constant 64 : i32
          %mul3A_229 = arith.muli %add3A_175, %mul3A_228 : i32
          %add3A_230 = arith.constant 1536 : i32
          %add3A_231 = arith.addi %add3A_230, %mul3A_229 : i32
          %add3A_232 = arith.constant 16 : i32
          %add3A_233 = arith.addi %add3A_231, %add3A_232 : i32
          %swap3A_234 = arith.index_cast %add3A_233 : i32 to index
          %swap3A_235 = tpu.vector_load %arg10[%swap3A_234] {strides = array<i32>} : memref<2048xf32, #tpu.memory_space<vmem>>, vector<16xf32>,
          tpu.vector_store %arg10[%swap3A_234], %add3A_227 {strides = array<i32>} : memref<2048xf32, #tpu.memory_space<vmem>>, vector<16xf32>,
          %mul3A_236 = arith.constant 64 : i32
          %mul3A_237 = arith.muli %add3A_175, %mul3A_236 : i32
          %add3A_238 = arith.constant 32 : i32
          %add3A_239 = arith.addi %mul3A_237, %add3A_238 : i32
          %add3A_240 = vector.broadcast %add3A_239 : i32 to vector<16xi32>
          %add3A_241 = arith.addi %iota3A, %add3A_240 : vector<16xi32>
          %gather3A_242 = tpu.vector_load_idx %arg9[%add3A_241, %broadcast_in_dim3A_23] : memref<512x16xf32, #tpu.memory_space<vmem>>[vector<16xi32>, vector<16xi32>], vector<16xf32>,
          %sub3A_243 = arith.subf %gather3A_242, %broadcast_in_dim3A_181 : vector<16xf32>
          %gather3A_244 = tpu.vector_load_idx %arg9[%add3A_241, %add3A_26] : memref<512x16xf32, #tpu.memory_space<vmem>>[vector<16xi32>, vector<16xi32>], vector<16xf32>,
          %sub3A_245 = arith.subf %gather3A_244, %broadcast_in_dim3A_184 : vector<16xf32>
          %gather3A_246 = tpu.vector_load_idx %arg9[%add3A_241, %add3A_29] : memref<512x16xf32, #tpu.memory_space<vmem>>[vector<16xi32>, vector<16xi32>], vector<16xf32>,
          %sub3A_247 = arith.subf %gather3A_246, %broadcast_in_dim3A_187 : vector<16xf32>
          %mul3A_248 = arith.mulf %sub3A_243, %sub3A_243 : vector<16xf32>
          %mul3A_249 = arith.mulf %sub3A_245, %sub3A_245 : vector<16xf32>
          %add3A_250 = arith.addf %mul3A_248, %mul3A_249 : vector<16xf32>
          %mul3A_251 = arith.mulf %sub3A_247, %sub3A_247 : vector<16xf32>
          %add3A_252 = arith.addf %add3A_250, %mul3A_251 : vector<16xf32>
          %mul3A_253 = arith.constant 64 : i32
          %mul3A_254 = arith.muli %add3A_175, %mul3A_253 : i32
          %add3A_255 = arith.constant 1536 : i32
          %add3A_256 = arith.addi %add3A_255, %mul3A_254 : i32
          %add3A_257 = arith.constant 32 : i32
          %add3A_258 = arith.addi %add3A_256, %add3A_257 : i32
          %swap3A_259 = arith.index_cast %add3A_258 : i32 to index
          %swap3A_260 = tpu.vector_load %arg10[%swap3A_259] {strides = array<i32>} : memref<2048xf32, #tpu.memory_space<vmem>>, vector<16xf32>,
          tpu.vector_store %arg10[%swap3A_259], %add3A_252 {strides = array<i32>} : memref<2048xf32, #tpu.memory_space<vmem>>, vector<16xf32>,
          %mul3A_261 = arith.constant 64 : i32
          %mul3A_262 = arith.muli %add3A_175, %mul3A_261 : i32
          %add3A_263 = arith.constant 48 : i32
          %add3A_264 = arith.addi %mul3A_262, %add3A_263 : i32
          %add3A_265 = vector.broadcast %add3A_264 : i32 to vector<16xi32>
          %add3A_266 = arith.addi %iota3A, %add3A_265 : vector<16xi32>
          %gather3A_267 = tpu.vector_load_idx %arg9[%add3A_266, %broadcast_in_dim3A_23] : memref<512x16xf32, #tpu.memory_space<vmem>>[vector<16xi32>, vector<16xi32>], vector<16xf32>,
          %sub3A_268 = arith.subf %gather3A_267, %broadcast_in_dim3A_181 : vector<16xf32>
          %gather3A_269 = tpu.vector_load_idx %arg9[%add3A_266, %add3A_26] : memref<512x16xf32, #tpu.memory_space<vmem>>[vector<16xi32>, vector<16xi32>], vector<16xf32>,
          %sub3A_270 = arith.subf %gather3A_269, %broadcast_in_dim3A_184 : vector<16xf32>
          %gather3A_271 = tpu.vector_load_idx %arg9[%add3A_266, %add3A_29] : memref<512x16xf32, #tpu.memory_space<vmem>>[vector<16xi32>, vector<16xi32>], vector<16xf32>,
          %sub3A_272 = arith.subf %gather3A_271, %broadcast_in_dim3A_187 : vector<16xf32>
          %mul3A_273 = arith.mulf %sub3A_268, %sub3A_268 : vector<16xf32>
          %mul3A_274 = arith.mulf %sub3A_270, %sub3A_270 : vector<16xf32>
          %add3A_275 = arith.addf %mul3A_273, %mul3A_274 : vector<16xf32>
          %mul3A_276 = arith.mulf %sub3A_272, %sub3A_272 : vector<16xf32>
          %add3A_277 = arith.addf %add3A_275, %mul3A_276 : vector<16xf32>
          %mul3A_278 = arith.constant 64 : i32
          %mul3A_279 = arith.muli %add3A_175, %mul3A_278 : i32
          %add3A_280 = arith.constant 1536 : i32
          %add3A_281 = arith.addi %add3A_280, %mul3A_279 : i32
          %add3A_282 = arith.constant 48 : i32
          %add3A_283 = arith.addi %add3A_281, %add3A_282 : i32
          %swap3A_284 = arith.index_cast %add3A_283 : i32 to index
          %swap3A_285 = tpu.vector_load %arg10[%swap3A_284] {strides = array<i32>} : memref<2048xf32, #tpu.memory_space<vmem>>, vector<16xf32>,
          tpu.vector_store %arg10[%swap3A_284], %add3A_277 {strides = array<i32>} : memref<2048xf32, #tpu.memory_space<vmem>>, vector<16xf32>,
        }
        %scan3A_168 = arith.constant 8 : i32
        %dma_start3A_169 = tpu.memref_slice %arg4[%mul3A_58] : memref<6400000xf32, #tpu.memory_space<hbm>> -> memref<2048xf32, #tpu.memory_space<hbm>>
        %dma_start3A_170 = tpu.memref_slice %arg4[%mul3A_58] : memref<6400000xf32, #tpu.memory_space<hbm>> -> memref<2048xf32, #tpu.memory_space<hbm>>
        tpu.enqueue_dma source(%arg10 : memref<2048xf32, #tpu.memory_space<vmem>>) target(%dma_start3A_170 : memref<2048xf32, #tpu.memory_space<hbm>>) target_semaphore(%arg16 : memref<!tpu.dma_semaphore, #tpu.memory_space<semaphore_mem>>)
      } else {
      }
      %eq3A_98 = arith.constant 1 : i32
      %eq3A_99 = arith.cmpi eq, %rem3A_53, %eq3A_98 : i32
      %convert_element_type3A_100 = arith.extui %eq3A_99 : i1 to i32
      %cond3A_101 = arith.constant 0 : i32
      %cond3A_102 = arith.cmpi ne, %convert_element_type3A_100, %cond3A_101 : i32
      scf.if %cond3A_102 {
        %dma_start3A_103 = arith.constant 512 : i32
        %dma_start3A_104 = tpu.memref_slice %arg6[%dma_start3A_103] : memref<2048xi32, #tpu.memory_space<vmem>> -> memref<512xi32, #tpu.memory_space<vmem>>
        %dma_start3A_105 = arith.constant 0 : i32
        %dma_start3A_106 = arith.constant 0 : i32
        %dma_start3A_107 = tpu.memref_slice %arg18[%dma_start3A_105, %dma_start3A_106] : memref<100096x16xf32, #tpu.memory_space<vmem_shared>> -> memref<100096x16xf32, #tpu.memory_space<vmem_shared>>
        tpu.enqueue_indirect_dma source(%dma_start3A_107 : memref<100096x16xf32, #tpu.memory_space<vmem_shared>>) target(%arg9 : memref<512x16xf32, #tpu.memory_space<vmem>>) offsets(%dma_start3A_104 : memref<512xi32, #tpu.memory_space<vmem>>) semaphore(%arg13 : memref<!tpu.dma_semaphore, #tpu.memory_space<semaphore_mem>>)
        %dma_wait3A_108 = arith.constant 0 : i32
        %dma_wait3A_109 = arith.constant 0 : i32
        %dma_wait3A_110 = tpu.memref_slice %arg2[%dma_wait3A_108, %dma_wait3A_109] : memref<100096x16xf32, #tpu.memory_space<hbm>> -> memref<512x16xf32, #tpu.memory_space<hbm>>
        %dma_wait3A_111 = arith.constant 0 : i32
        %dma_wait3A_112 = arith.constant 0 : i32
        %dma_wait3A_113 = tpu.memref_slice %arg2[%dma_wait3A_111, %dma_wait3A_112] : memref<100096x16xf32, #tpu.memory_space<hbm>> -> memref<512x16xf32, #tpu.memory_space<hbm>>
        tpu.wait_dma2 semaphore(%arg12 : memref<!tpu.dma_semaphore, #tpu.memory_space<semaphore_mem>>) src(%dma_wait3A_113 : memref<512x16xf32, #tpu.memory_space<hbm>>) dst(%arg8 : memref<512x16xf32, #tpu.memory_space<vmem>>)
        %scan3A_114 = arith.constant 0 : i32
        %scan3A_115 = arith.constant 8 : i32
        %scan3A_116 = arith.addi %scan3A_114, %scan3A_115 : i32
        %scan3A_117 = arith.constant 1 : i32
        scf.for %scan3A_171 = %scan3A_114 to %scan3A_116 step %scan3A_117  : i32 {
          %mul3A_172 = arith.constant 1 : i32
          %mul3A_173 = arith.muli %scan3A_171, %mul3A_172 : i32
          %add3A_174 = arith.constant 0 : i32
          %add3A_175 = arith.addi %add3A_174, %mul3A_173 : i32
          %add3A_176 = arith.constant 0 : i32
          %add3A_177 = arith.addi %sub3A_93, %add3A_176 : i32
          %add3A_178 = arith.addi %add3A_177, %add3A_175 : i32
          %get3A = arith.index_cast %add3A_178 : i32 to index
          %get3A_179 = arith.constant 0 : index
          %get3A_180 = tpu.vector_load %arg7[%get3A, %get3A_179] {strides = array<i32>} : memref<40x16xf32, #tpu.memory_space<vmem>>, vector<16xf32>,
          %slice3A = vector.extract_strided_slice %get3A_180 {offsets = [0], sizes = [1], strides = [1]} : vector<16xf32> to vector<1xf32>
          %squeeze3A = vector.extract %slice3A[0] : f32 from vector<1xf32>
          %broadcast_in_dim3A_181 = vector.broadcast %squeeze3A : f32 to vector<16xf32>
          %slice3A_182 = vector.extract_strided_slice %get3A_180 {offsets = [1], sizes = [1], strides = [1]} : vector<16xf32> to vector<1xf32>
          %squeeze3A_183 = vector.extract %slice3A_182[0] : f32 from vector<1xf32>
          %broadcast_in_dim3A_184 = vector.broadcast %squeeze3A_183 : f32 to vector<16xf32>
          %slice3A_185 = vector.extract_strided_slice %get3A_180 {offsets = [2], sizes = [1], strides = [1]} : vector<16xf32> to vector<1xf32>
          %squeeze3A_186 = vector.extract %slice3A_185[0] : f32 from vector<1xf32>
          %broadcast_in_dim3A_187 = vector.broadcast %squeeze3A_186 : f32 to vector<16xf32>
          %mul3A_188 = arith.constant 64 : i32
          %mul3A_189 = arith.muli %add3A_175, %mul3A_188 : i32
          %add3A_190 = arith.constant 0 : i32
          %add3A_191 = arith.addi %mul3A_189, %add3A_190 : i32
          %add3A_192 = vector.broadcast %add3A_191 : i32 to vector<16xi32>
          %add3A_193 = arith.addi %iota3A, %add3A_192 : vector<16xi32>
          %gather3A = tpu.vector_load_idx %arg8[%add3A_193, %broadcast_in_dim3A_23] : memref<512x16xf32, #tpu.memory_space<vmem>>[vector<16xi32>, vector<16xi32>], vector<16xf32>,
          %sub3A_194 = arith.subf %gather3A, %broadcast_in_dim3A_181 : vector<16xf32>
          %gather3A_195 = tpu.vector_load_idx %arg8[%add3A_193, %add3A_26] : memref<512x16xf32, #tpu.memory_space<vmem>>[vector<16xi32>, vector<16xi32>], vector<16xf32>,
          %sub3A_196 = arith.subf %gather3A_195, %broadcast_in_dim3A_184 : vector<16xf32>
          %gather3A_197 = tpu.vector_load_idx %arg8[%add3A_193, %add3A_29] : memref<512x16xf32, #tpu.memory_space<vmem>>[vector<16xi32>, vector<16xi32>], vector<16xf32>,
          %sub3A_198 = arith.subf %gather3A_197, %broadcast_in_dim3A_187 : vector<16xf32>
          %mul3A_199 = arith.mulf %sub3A_194, %sub3A_194 : vector<16xf32>
          %mul3A_200 = arith.mulf %sub3A_196, %sub3A_196 : vector<16xf32>
          %add3A_201 = arith.addf %mul3A_199, %mul3A_200 : vector<16xf32>
          %mul3A_202 = arith.mulf %sub3A_198, %sub3A_198 : vector<16xf32>
          %add3A_203 = arith.addf %add3A_201, %mul3A_202 : vector<16xf32>
          %mul3A_204 = arith.constant 64 : i32
          %mul3A_205 = arith.muli %add3A_175, %mul3A_204 : i32
          %add3A_206 = arith.constant 0 : i32
          %add3A_207 = arith.addi %add3A_206, %mul3A_205 : i32
          %add3A_208 = arith.constant 0 : i32
          %add3A_209 = arith.addi %add3A_207, %add3A_208 : i32
          %swap3A = arith.index_cast %add3A_209 : i32 to index
          %swap3A_210 = tpu.vector_load %arg11[%swap3A] {strides = array<i32>} : memref<2048xf32, #tpu.memory_space<vmem>>, vector<16xf32>,
          tpu.vector_store %arg11[%swap3A], %add3A_203 {strides = array<i32>} : memref<2048xf32, #tpu.memory_space<vmem>>, vector<16xf32>,
          %mul3A_211 = arith.constant 64 : i32
          %mul3A_212 = arith.muli %add3A_175, %mul3A_211 : i32
          %add3A_213 = arith.constant 16 : i32
          %add3A_214 = arith.addi %mul3A_212, %add3A_213 : i32
          %add3A_215 = vector.broadcast %add3A_214 : i32 to vector<16xi32>
          %add3A_216 = arith.addi %iota3A, %add3A_215 : vector<16xi32>
          %gather3A_217 = tpu.vector_load_idx %arg8[%add3A_216, %broadcast_in_dim3A_23] : memref<512x16xf32, #tpu.memory_space<vmem>>[vector<16xi32>, vector<16xi32>], vector<16xf32>,
          %sub3A_218 = arith.subf %gather3A_217, %broadcast_in_dim3A_181 : vector<16xf32>
          %gather3A_219 = tpu.vector_load_idx %arg8[%add3A_216, %add3A_26] : memref<512x16xf32, #tpu.memory_space<vmem>>[vector<16xi32>, vector<16xi32>], vector<16xf32>,
          %sub3A_220 = arith.subf %gather3A_219, %broadcast_in_dim3A_184 : vector<16xf32>
          %gather3A_221 = tpu.vector_load_idx %arg8[%add3A_216, %add3A_29] : memref<512x16xf32, #tpu.memory_space<vmem>>[vector<16xi32>, vector<16xi32>], vector<16xf32>,
          %sub3A_222 = arith.subf %gather3A_221, %broadcast_in_dim3A_187 : vector<16xf32>
          %mul3A_223 = arith.mulf %sub3A_218, %sub3A_218 : vector<16xf32>
          %mul3A_224 = arith.mulf %sub3A_220, %sub3A_220 : vector<16xf32>
          %add3A_225 = arith.addf %mul3A_223, %mul3A_224 : vector<16xf32>
          %mul3A_226 = arith.mulf %sub3A_222, %sub3A_222 : vector<16xf32>
          %add3A_227 = arith.addf %add3A_225, %mul3A_226 : vector<16xf32>
          %mul3A_228 = arith.constant 64 : i32
          %mul3A_229 = arith.muli %add3A_175, %mul3A_228 : i32
          %add3A_230 = arith.constant 0 : i32
          %add3A_231 = arith.addi %add3A_230, %mul3A_229 : i32
          %add3A_232 = arith.constant 16 : i32
          %add3A_233 = arith.addi %add3A_231, %add3A_232 : i32
          %swap3A_234 = arith.index_cast %add3A_233 : i32 to index
          %swap3A_235 = tpu.vector_load %arg11[%swap3A_234] {strides = array<i32>} : memref<2048xf32, #tpu.memory_space<vmem>>, vector<16xf32>,
          tpu.vector_store %arg11[%swap3A_234], %add3A_227 {strides = array<i32>} : memref<2048xf32, #tpu.memory_space<vmem>>, vector<16xf32>,
          %mul3A_236 = arith.constant 64 : i32
          %mul3A_237 = arith.muli %add3A_175, %mul3A_236 : i32
          %add3A_238 = arith.constant 32 : i32
          %add3A_239 = arith.addi %mul3A_237, %add3A_238 : i32
          %add3A_240 = vector.broadcast %add3A_239 : i32 to vector<16xi32>
          %add3A_241 = arith.addi %iota3A, %add3A_240 : vector<16xi32>
          %gather3A_242 = tpu.vector_load_idx %arg8[%add3A_241, %broadcast_in_dim3A_23] : memref<512x16xf32, #tpu.memory_space<vmem>>[vector<16xi32>, vector<16xi32>], vector<16xf32>,
          %sub3A_243 = arith.subf %gather3A_242, %broadcast_in_dim3A_181 : vector<16xf32>
          %gather3A_244 = tpu.vector_load_idx %arg8[%add3A_241, %add3A_26] : memref<512x16xf32, #tpu.memory_space<vmem>>[vector<16xi32>, vector<16xi32>], vector<16xf32>,
          %sub3A_245 = arith.subf %gather3A_244, %broadcast_in_dim3A_184 : vector<16xf32>
          %gather3A_246 = tpu.vector_load_idx %arg8[%add3A_241, %add3A_29] : memref<512x16xf32, #tpu.memory_space<vmem>>[vector<16xi32>, vector<16xi32>], vector<16xf32>,
          %sub3A_247 = arith.subf %gather3A_246, %broadcast_in_dim3A_187 : vector<16xf32>
          %mul3A_248 = arith.mulf %sub3A_243, %sub3A_243 : vector<16xf32>
          %mul3A_249 = arith.mulf %sub3A_245, %sub3A_245 : vector<16xf32>
          %add3A_250 = arith.addf %mul3A_248, %mul3A_249 : vector<16xf32>
          %mul3A_251 = arith.mulf %sub3A_247, %sub3A_247 : vector<16xf32>
          %add3A_252 = arith.addf %add3A_250, %mul3A_251 : vector<16xf32>
          %mul3A_253 = arith.constant 64 : i32
          %mul3A_254 = arith.muli %add3A_175, %mul3A_253 : i32
          %add3A_255 = arith.constant 0 : i32
          %add3A_256 = arith.addi %add3A_255, %mul3A_254 : i32
          %add3A_257 = arith.constant 32 : i32
          %add3A_258 = arith.addi %add3A_256, %add3A_257 : i32
          %swap3A_259 = arith.index_cast %add3A_258 : i32 to index
          %swap3A_260 = tpu.vector_load %arg11[%swap3A_259] {strides = array<i32>} : memref<2048xf32, #tpu.memory_space<vmem>>, vector<16xf32>,
          tpu.vector_store %arg11[%swap3A_259], %add3A_252 {strides = array<i32>} : memref<2048xf32, #tpu.memory_space<vmem>>, vector<16xf32>,
          %mul3A_261 = arith.constant 64 : i32
          %mul3A_262 = arith.muli %add3A_175, %mul3A_261 : i32
          %add3A_263 = arith.constant 48 : i32
          %add3A_264 = arith.addi %mul3A_262, %add3A_263 : i32
          %add3A_265 = vector.broadcast %add3A_264 : i32 to vector<16xi32>
          %add3A_266 = arith.addi %iota3A, %add3A_265 : vector<16xi32>
          %gather3A_267 = tpu.vector_load_idx %arg8[%add3A_266, %broadcast_in_dim3A_23] : memref<512x16xf32, #tpu.memory_space<vmem>>[vector<16xi32>, vector<16xi32>], vector<16xf32>,
          %sub3A_268 = arith.subf %gather3A_267, %broadcast_in_dim3A_181 : vector<16xf32>
          %gather3A_269 = tpu.vector_load_idx %arg8[%add3A_266, %add3A_26] : memref<512x16xf32, #tpu.memory_space<vmem>>[vector<16xi32>, vector<16xi32>], vector<16xf32>,
          %sub3A_270 = arith.subf %gather3A_269, %broadcast_in_dim3A_184 : vector<16xf32>
          %gather3A_271 = tpu.vector_load_idx %arg8[%add3A_266, %add3A_29] : memref<512x16xf32, #tpu.memory_space<vmem>>[vector<16xi32>, vector<16xi32>], vector<16xf32>,
          %sub3A_272 = arith.subf %gather3A_271, %broadcast_in_dim3A_187 : vector<16xf32>
          %mul3A_273 = arith.mulf %sub3A_268, %sub3A_268 : vector<16xf32>
          %mul3A_274 = arith.mulf %sub3A_270, %sub3A_270 : vector<16xf32>
          %add3A_275 = arith.addf %mul3A_273, %mul3A_274 : vector<16xf32>
          %mul3A_276 = arith.mulf %sub3A_272, %sub3A_272 : vector<16xf32>
          %add3A_277 = arith.addf %add3A_275, %mul3A_276 : vector<16xf32>
          %mul3A_278 = arith.constant 64 : i32
          %mul3A_279 = arith.muli %add3A_175, %mul3A_278 : i32
          %add3A_280 = arith.constant 0 : i32
          %add3A_281 = arith.addi %add3A_280, %mul3A_279 : i32
          %add3A_282 = arith.constant 48 : i32
          %add3A_283 = arith.addi %add3A_281, %add3A_282 : i32
          %swap3A_284 = arith.index_cast %add3A_283 : i32 to index
          %swap3A_285 = tpu.vector_load %arg11[%swap3A_284] {strides = array<i32>} : memref<2048xf32, #tpu.memory_space<vmem>>, vector<16xf32>,
          tpu.vector_store %arg11[%swap3A_284], %add3A_277 {strides = array<i32>} : memref<2048xf32, #tpu.memory_space<vmem>>, vector<16xf32>,
        }
        %scan3A_118 = arith.constant 8 : i32
        %dma_start3A_119 = arith.constant 1024 : i32
        %dma_start3A_120 = tpu.memref_slice %arg6[%dma_start3A_119] : memref<2048xi32, #tpu.memory_space<vmem>> -> memref<512xi32, #tpu.memory_space<vmem>>
        %dma_start3A_121 = arith.constant 0 : i32
        %dma_start3A_122 = arith.constant 0 : i32
        %dma_start3A_123 = tpu.memref_slice %arg18[%dma_start3A_121, %dma_start3A_122] : memref<100096x16xf32, #tpu.memory_space<vmem_shared>> -> memref<100096x16xf32, #tpu.memory_space<vmem_shared>>
        tpu.enqueue_indirect_dma source(%dma_start3A_123 : memref<100096x16xf32, #tpu.memory_space<vmem_shared>>) target(%arg8 : memref<512x16xf32, #tpu.memory_space<vmem>>) offsets(%dma_start3A_120 : memref<512xi32, #tpu.memory_space<vmem>>) semaphore(%arg12 : memref<!tpu.dma_semaphore, #tpu.memory_space<semaphore_mem>>)
        %dma_wait3A_124 = arith.constant 0 : i32
        %dma_wait3A_125 = arith.constant 0 : i32
        %dma_wait3A_126 = tpu.memref_slice %arg2[%dma_wait3A_124, %dma_wait3A_125] : memref<100096x16xf32, #tpu.memory_space<hbm>> -> memref<512x16xf32, #tpu.memory_space<hbm>>
        %dma_wait3A_127 = arith.constant 0 : i32
        %dma_wait3A_128 = arith.constant 0 : i32
        %dma_wait3A_129 = tpu.memref_slice %arg2[%dma_wait3A_127, %dma_wait3A_128] : memref<100096x16xf32, #tpu.memory_space<hbm>> -> memref<512x16xf32, #tpu.memory_space<hbm>>
        tpu.wait_dma2 semaphore(%arg13 : memref<!tpu.dma_semaphore, #tpu.memory_space<semaphore_mem>>) src(%dma_wait3A_129 : memref<512x16xf32, #tpu.memory_space<hbm>>) dst(%arg9 : memref<512x16xf32, #tpu.memory_space<vmem>>)
        %scan3A_130 = arith.constant 0 : i32
        %scan3A_131 = arith.constant 8 : i32
        %scan3A_132 = arith.addi %scan3A_130, %scan3A_131 : i32
        %scan3A_133 = arith.constant 1 : i32
        scf.for %scan3A_171 = %scan3A_130 to %scan3A_132 step %scan3A_133  : i32 {
          %mul3A_172 = arith.constant 1 : i32
          %mul3A_173 = arith.muli %scan3A_171, %mul3A_172 : i32
          %add3A_174 = arith.constant 0 : i32
          %add3A_175 = arith.addi %add3A_174, %mul3A_173 : i32
          %add3A_176 = arith.constant 8 : i32
          %add3A_177 = arith.addi %sub3A_93, %add3A_176 : i32
          %add3A_178 = arith.addi %add3A_177, %add3A_175 : i32
          %get3A = arith.index_cast %add3A_178 : i32 to index
          %get3A_179 = arith.constant 0 : index
          %get3A_180 = tpu.vector_load %arg7[%get3A, %get3A_179] {strides = array<i32>} : memref<40x16xf32, #tpu.memory_space<vmem>>, vector<16xf32>,
          %slice3A = vector.extract_strided_slice %get3A_180 {offsets = [0], sizes = [1], strides = [1]} : vector<16xf32> to vector<1xf32>
          %squeeze3A = vector.extract %slice3A[0] : f32 from vector<1xf32>
          %broadcast_in_dim3A_181 = vector.broadcast %squeeze3A : f32 to vector<16xf32>
          %slice3A_182 = vector.extract_strided_slice %get3A_180 {offsets = [1], sizes = [1], strides = [1]} : vector<16xf32> to vector<1xf32>
          %squeeze3A_183 = vector.extract %slice3A_182[0] : f32 from vector<1xf32>
          %broadcast_in_dim3A_184 = vector.broadcast %squeeze3A_183 : f32 to vector<16xf32>
          %slice3A_185 = vector.extract_strided_slice %get3A_180 {offsets = [2], sizes = [1], strides = [1]} : vector<16xf32> to vector<1xf32>
          %squeeze3A_186 = vector.extract %slice3A_185[0] : f32 from vector<1xf32>
          %broadcast_in_dim3A_187 = vector.broadcast %squeeze3A_186 : f32 to vector<16xf32>
          %mul3A_188 = arith.constant 64 : i32
          %mul3A_189 = arith.muli %add3A_175, %mul3A_188 : i32
          %add3A_190 = arith.constant 0 : i32
          %add3A_191 = arith.addi %mul3A_189, %add3A_190 : i32
          %add3A_192 = vector.broadcast %add3A_191 : i32 to vector<16xi32>
          %add3A_193 = arith.addi %iota3A, %add3A_192 : vector<16xi32>
          %gather3A = tpu.vector_load_idx %arg9[%add3A_193, %broadcast_in_dim3A_23] : memref<512x16xf32, #tpu.memory_space<vmem>>[vector<16xi32>, vector<16xi32>], vector<16xf32>,
          %sub3A_194 = arith.subf %gather3A, %broadcast_in_dim3A_181 : vector<16xf32>
          %gather3A_195 = tpu.vector_load_idx %arg9[%add3A_193, %add3A_26] : memref<512x16xf32, #tpu.memory_space<vmem>>[vector<16xi32>, vector<16xi32>], vector<16xf32>,
          %sub3A_196 = arith.subf %gather3A_195, %broadcast_in_dim3A_184 : vector<16xf32>
          %gather3A_197 = tpu.vector_load_idx %arg9[%add3A_193, %add3A_29] : memref<512x16xf32, #tpu.memory_space<vmem>>[vector<16xi32>, vector<16xi32>], vector<16xf32>,
          %sub3A_198 = arith.subf %gather3A_197, %broadcast_in_dim3A_187 : vector<16xf32>
          %mul3A_199 = arith.mulf %sub3A_194, %sub3A_194 : vector<16xf32>
          %mul3A_200 = arith.mulf %sub3A_196, %sub3A_196 : vector<16xf32>
          %add3A_201 = arith.addf %mul3A_199, %mul3A_200 : vector<16xf32>
          %mul3A_202 = arith.mulf %sub3A_198, %sub3A_198 : vector<16xf32>
          %add3A_203 = arith.addf %add3A_201, %mul3A_202 : vector<16xf32>
          %mul3A_204 = arith.constant 64 : i32
          %mul3A_205 = arith.muli %add3A_175, %mul3A_204 : i32
          %add3A_206 = arith.constant 512 : i32
          %add3A_207 = arith.addi %add3A_206, %mul3A_205 : i32
          %add3A_208 = arith.constant 0 : i32
          %add3A_209 = arith.addi %add3A_207, %add3A_208 : i32
          %swap3A = arith.index_cast %add3A_209 : i32 to index
          %swap3A_210 = tpu.vector_load %arg11[%swap3A] {strides = array<i32>} : memref<2048xf32, #tpu.memory_space<vmem>>, vector<16xf32>,
          tpu.vector_store %arg11[%swap3A], %add3A_203 {strides = array<i32>} : memref<2048xf32, #tpu.memory_space<vmem>>, vector<16xf32>,
          %mul3A_211 = arith.constant 64 : i32
          %mul3A_212 = arith.muli %add3A_175, %mul3A_211 : i32
          %add3A_213 = arith.constant 16 : i32
          %add3A_214 = arith.addi %mul3A_212, %add3A_213 : i32
          %add3A_215 = vector.broadcast %add3A_214 : i32 to vector<16xi32>
          %add3A_216 = arith.addi %iota3A, %add3A_215 : vector<16xi32>
          %gather3A_217 = tpu.vector_load_idx %arg9[%add3A_216, %broadcast_in_dim3A_23] : memref<512x16xf32, #tpu.memory_space<vmem>>[vector<16xi32>, vector<16xi32>], vector<16xf32>,
          %sub3A_218 = arith.subf %gather3A_217, %broadcast_in_dim3A_181 : vector<16xf32>
          %gather3A_219 = tpu.vector_load_idx %arg9[%add3A_216, %add3A_26] : memref<512x16xf32, #tpu.memory_space<vmem>>[vector<16xi32>, vector<16xi32>], vector<16xf32>,
          %sub3A_220 = arith.subf %gather3A_219, %broadcast_in_dim3A_184 : vector<16xf32>
          %gather3A_221 = tpu.vector_load_idx %arg9[%add3A_216, %add3A_29] : memref<512x16xf32, #tpu.memory_space<vmem>>[vector<16xi32>, vector<16xi32>], vector<16xf32>,
          %sub3A_222 = arith.subf %gather3A_221, %broadcast_in_dim3A_187 : vector<16xf32>
          %mul3A_223 = arith.mulf %sub3A_218, %sub3A_218 : vector<16xf32>
          %mul3A_224 = arith.mulf %sub3A_220, %sub3A_220 : vector<16xf32>
          %add3A_225 = arith.addf %mul3A_223, %mul3A_224 : vector<16xf32>
          %mul3A_226 = arith.mulf %sub3A_222, %sub3A_222 : vector<16xf32>
          %add3A_227 = arith.addf %add3A_225, %mul3A_226 : vector<16xf32>
          %mul3A_228 = arith.constant 64 : i32
          %mul3A_229 = arith.muli %add3A_175, %mul3A_228 : i32
          %add3A_230 = arith.constant 512 : i32
          %add3A_231 = arith.addi %add3A_230, %mul3A_229 : i32
          %add3A_232 = arith.constant 16 : i32
          %add3A_233 = arith.addi %add3A_231, %add3A_232 : i32
          %swap3A_234 = arith.index_cast %add3A_233 : i32 to index
          %swap3A_235 = tpu.vector_load %arg11[%swap3A_234] {strides = array<i32>} : memref<2048xf32, #tpu.memory_space<vmem>>, vector<16xf32>,
          tpu.vector_store %arg11[%swap3A_234], %add3A_227 {strides = array<i32>} : memref<2048xf32, #tpu.memory_space<vmem>>, vector<16xf32>,
          %mul3A_236 = arith.constant 64 : i32
          %mul3A_237 = arith.muli %add3A_175, %mul3A_236 : i32
          %add3A_238 = arith.constant 32 : i32
          %add3A_239 = arith.addi %mul3A_237, %add3A_238 : i32
          %add3A_240 = vector.broadcast %add3A_239 : i32 to vector<16xi32>
          %add3A_241 = arith.addi %iota3A, %add3A_240 : vector<16xi32>
          %gather3A_242 = tpu.vector_load_idx %arg9[%add3A_241, %broadcast_in_dim3A_23] : memref<512x16xf32, #tpu.memory_space<vmem>>[vector<16xi32>, vector<16xi32>], vector<16xf32>,
          %sub3A_243 = arith.subf %gather3A_242, %broadcast_in_dim3A_181 : vector<16xf32>
          %gather3A_244 = tpu.vector_load_idx %arg9[%add3A_241, %add3A_26] : memref<512x16xf32, #tpu.memory_space<vmem>>[vector<16xi32>, vector<16xi32>], vector<16xf32>,
          %sub3A_245 = arith.subf %gather3A_244, %broadcast_in_dim3A_184 : vector<16xf32>
          %gather3A_246 = tpu.vector_load_idx %arg9[%add3A_241, %add3A_29] : memref<512x16xf32, #tpu.memory_space<vmem>>[vector<16xi32>, vector<16xi32>], vector<16xf32>,
          %sub3A_247 = arith.subf %gather3A_246, %broadcast_in_dim3A_187 : vector<16xf32>
          %mul3A_248 = arith.mulf %sub3A_243, %sub3A_243 : vector<16xf32>
          %mul3A_249 = arith.mulf %sub3A_245, %sub3A_245 : vector<16xf32>
          %add3A_250 = arith.addf %mul3A_248, %mul3A_249 : vector<16xf32>
          %mul3A_251 = arith.mulf %sub3A_247, %sub3A_247 : vector<16xf32>
          %add3A_252 = arith.addf %add3A_250, %mul3A_251 : vector<16xf32>
          %mul3A_253 = arith.constant 64 : i32
          %mul3A_254 = arith.muli %add3A_175, %mul3A_253 : i32
          %add3A_255 = arith.constant 512 : i32
          %add3A_256 = arith.addi %add3A_255, %mul3A_254 : i32
          %add3A_257 = arith.constant 32 : i32
          %add3A_258 = arith.addi %add3A_256, %add3A_257 : i32
          %swap3A_259 = arith.index_cast %add3A_258 : i32 to index
          %swap3A_260 = tpu.vector_load %arg11[%swap3A_259] {strides = array<i32>} : memref<2048xf32, #tpu.memory_space<vmem>>, vector<16xf32>,
          tpu.vector_store %arg11[%swap3A_259], %add3A_252 {strides = array<i32>} : memref<2048xf32, #tpu.memory_space<vmem>>, vector<16xf32>,
          %mul3A_261 = arith.constant 64 : i32
          %mul3A_262 = arith.muli %add3A_175, %mul3A_261 : i32
          %add3A_263 = arith.constant 48 : i32
          %add3A_264 = arith.addi %mul3A_262, %add3A_263 : i32
          %add3A_265 = vector.broadcast %add3A_264 : i32 to vector<16xi32>
          %add3A_266 = arith.addi %iota3A, %add3A_265 : vector<16xi32>
          %gather3A_267 = tpu.vector_load_idx %arg9[%add3A_266, %broadcast_in_dim3A_23] : memref<512x16xf32, #tpu.memory_space<vmem>>[vector<16xi32>, vector<16xi32>], vector<16xf32>,
          %sub3A_268 = arith.subf %gather3A_267, %broadcast_in_dim3A_181 : vector<16xf32>
          %gather3A_269 = tpu.vector_load_idx %arg9[%add3A_266, %add3A_26] : memref<512x16xf32, #tpu.memory_space<vmem>>[vector<16xi32>, vector<16xi32>], vector<16xf32>,
          %sub3A_270 = arith.subf %gather3A_269, %broadcast_in_dim3A_184 : vector<16xf32>
          %gather3A_271 = tpu.vector_load_idx %arg9[%add3A_266, %add3A_29] : memref<512x16xf32, #tpu.memory_space<vmem>>[vector<16xi32>, vector<16xi32>], vector<16xf32>,
          %sub3A_272 = arith.subf %gather3A_271, %broadcast_in_dim3A_187 : vector<16xf32>
          %mul3A_273 = arith.mulf %sub3A_268, %sub3A_268 : vector<16xf32>
          %mul3A_274 = arith.mulf %sub3A_270, %sub3A_270 : vector<16xf32>
          %add3A_275 = arith.addf %mul3A_273, %mul3A_274 : vector<16xf32>
          %mul3A_276 = arith.mulf %sub3A_272, %sub3A_272 : vector<16xf32>
          %add3A_277 = arith.addf %add3A_275, %mul3A_276 : vector<16xf32>
          %mul3A_278 = arith.constant 64 : i32
          %mul3A_279 = arith.muli %add3A_175, %mul3A_278 : i32
          %add3A_280 = arith.constant 512 : i32
          %add3A_281 = arith.addi %add3A_280, %mul3A_279 : i32
          %add3A_282 = arith.constant 48 : i32
          %add3A_283 = arith.addi %add3A_281, %add3A_282 : i32
          %swap3A_284 = arith.index_cast %add3A_283 : i32 to index
          %swap3A_285 = tpu.vector_load %arg11[%swap3A_284] {strides = array<i32>} : memref<2048xf32, #tpu.memory_space<vmem>>, vector<16xf32>,
          tpu.vector_store %arg11[%swap3A_284], %add3A_277 {strides = array<i32>} : memref<2048xf32, #tpu.memory_space<vmem>>, vector<16xf32>,
        }
        %scan3A_134 = arith.constant 8 : i32
        %dma_start3A_135 = arith.constant 1536 : i32
        %dma_start3A_136 = tpu.memref_slice %arg6[%dma_start3A_135] : memref<2048xi32, #tpu.memory_space<vmem>> -> memref<512xi32, #tpu.memory_space<vmem>>
        %dma_start3A_137 = arith.constant 0 : i32
        %dma_start3A_138 = arith.constant 0 : i32
        %dma_start3A_139 = tpu.memref_slice %arg18[%dma_start3A_137, %dma_start3A_138] : memref<100096x16xf32, #tpu.memory_space<vmem_shared>> -> memref<100096x16xf32, #tpu.memory_space<vmem_shared>>
        tpu.enqueue_indirect_dma source(%dma_start3A_139 : memref<100096x16xf32, #tpu.memory_space<vmem_shared>>) target(%arg9 : memref<512x16xf32, #tpu.memory_space<vmem>>) offsets(%dma_start3A_136 : memref<512xi32, #tpu.memory_space<vmem>>) semaphore(%arg13 : memref<!tpu.dma_semaphore, #tpu.memory_space<semaphore_mem>>)
        %dma_wait3A_140 = arith.constant 0 : i32
        %dma_wait3A_141 = arith.constant 0 : i32
        %dma_wait3A_142 = tpu.memref_slice %arg2[%dma_wait3A_140, %dma_wait3A_141] : memref<100096x16xf32, #tpu.memory_space<hbm>> -> memref<512x16xf32, #tpu.memory_space<hbm>>
        %dma_wait3A_143 = arith.constant 0 : i32
        %dma_wait3A_144 = arith.constant 0 : i32
        %dma_wait3A_145 = tpu.memref_slice %arg2[%dma_wait3A_143, %dma_wait3A_144] : memref<100096x16xf32, #tpu.memory_space<hbm>> -> memref<512x16xf32, #tpu.memory_space<hbm>>
        tpu.wait_dma2 semaphore(%arg12 : memref<!tpu.dma_semaphore, #tpu.memory_space<semaphore_mem>>) src(%dma_wait3A_145 : memref<512x16xf32, #tpu.memory_space<hbm>>) dst(%arg8 : memref<512x16xf32, #tpu.memory_space<vmem>>)
        %scan3A_146 = arith.constant 0 : i32
        %scan3A_147 = arith.constant 8 : i32
        %scan3A_148 = arith.addi %scan3A_146, %scan3A_147 : i32
        %scan3A_149 = arith.constant 1 : i32
        scf.for %scan3A_171 = %scan3A_146 to %scan3A_148 step %scan3A_149  : i32 {
          %mul3A_172 = arith.constant 1 : i32
          %mul3A_173 = arith.muli %scan3A_171, %mul3A_172 : i32
          %add3A_174 = arith.constant 0 : i32
          %add3A_175 = arith.addi %add3A_174, %mul3A_173 : i32
          %add3A_176 = arith.constant 16 : i32
          %add3A_177 = arith.addi %sub3A_93, %add3A_176 : i32
          %add3A_178 = arith.addi %add3A_177, %add3A_175 : i32
          %get3A = arith.index_cast %add3A_178 : i32 to index
          %get3A_179 = arith.constant 0 : index
          %get3A_180 = tpu.vector_load %arg7[%get3A, %get3A_179] {strides = array<i32>} : memref<40x16xf32, #tpu.memory_space<vmem>>, vector<16xf32>,
          %slice3A = vector.extract_strided_slice %get3A_180 {offsets = [0], sizes = [1], strides = [1]} : vector<16xf32> to vector<1xf32>
          %squeeze3A = vector.extract %slice3A[0] : f32 from vector<1xf32>
          %broadcast_in_dim3A_181 = vector.broadcast %squeeze3A : f32 to vector<16xf32>
          %slice3A_182 = vector.extract_strided_slice %get3A_180 {offsets = [1], sizes = [1], strides = [1]} : vector<16xf32> to vector<1xf32>
          %squeeze3A_183 = vector.extract %slice3A_182[0] : f32 from vector<1xf32>
          %broadcast_in_dim3A_184 = vector.broadcast %squeeze3A_183 : f32 to vector<16xf32>
          %slice3A_185 = vector.extract_strided_slice %get3A_180 {offsets = [2], sizes = [1], strides = [1]} : vector<16xf32> to vector<1xf32>
          %squeeze3A_186 = vector.extract %slice3A_185[0] : f32 from vector<1xf32>
          %broadcast_in_dim3A_187 = vector.broadcast %squeeze3A_186 : f32 to vector<16xf32>
          %mul3A_188 = arith.constant 64 : i32
          %mul3A_189 = arith.muli %add3A_175, %mul3A_188 : i32
          %add3A_190 = arith.constant 0 : i32
          %add3A_191 = arith.addi %mul3A_189, %add3A_190 : i32
          %add3A_192 = vector.broadcast %add3A_191 : i32 to vector<16xi32>
          %add3A_193 = arith.addi %iota3A, %add3A_192 : vector<16xi32>
          %gather3A = tpu.vector_load_idx %arg8[%add3A_193, %broadcast_in_dim3A_23] : memref<512x16xf32, #tpu.memory_space<vmem>>[vector<16xi32>, vector<16xi32>], vector<16xf32>,
          %sub3A_194 = arith.subf %gather3A, %broadcast_in_dim3A_181 : vector<16xf32>
          %gather3A_195 = tpu.vector_load_idx %arg8[%add3A_193, %add3A_26] : memref<512x16xf32, #tpu.memory_space<vmem>>[vector<16xi32>, vector<16xi32>], vector<16xf32>,
          %sub3A_196 = arith.subf %gather3A_195, %broadcast_in_dim3A_184 : vector<16xf32>
          %gather3A_197 = tpu.vector_load_idx %arg8[%add3A_193, %add3A_29] : memref<512x16xf32, #tpu.memory_space<vmem>>[vector<16xi32>, vector<16xi32>], vector<16xf32>,
          %sub3A_198 = arith.subf %gather3A_197, %broadcast_in_dim3A_187 : vector<16xf32>
          %mul3A_199 = arith.mulf %sub3A_194, %sub3A_194 : vector<16xf32>
          %mul3A_200 = arith.mulf %sub3A_196, %sub3A_196 : vector<16xf32>
          %add3A_201 = arith.addf %mul3A_199, %mul3A_200 : vector<16xf32>
          %mul3A_202 = arith.mulf %sub3A_198, %sub3A_198 : vector<16xf32>
          %add3A_203 = arith.addf %add3A_201, %mul3A_202 : vector<16xf32>
          %mul3A_204 = arith.constant 64 : i32
          %mul3A_205 = arith.muli %add3A_175, %mul3A_204 : i32
          %add3A_206 = arith.constant 1024 : i32
          %add3A_207 = arith.addi %add3A_206, %mul3A_205 : i32
          %add3A_208 = arith.constant 0 : i32
          %add3A_209 = arith.addi %add3A_207, %add3A_208 : i32
          %swap3A = arith.index_cast %add3A_209 : i32 to index
          %swap3A_210 = tpu.vector_load %arg11[%swap3A] {strides = array<i32>} : memref<2048xf32, #tpu.memory_space<vmem>>, vector<16xf32>,
          tpu.vector_store %arg11[%swap3A], %add3A_203 {strides = array<i32>} : memref<2048xf32, #tpu.memory_space<vmem>>, vector<16xf32>,
          %mul3A_211 = arith.constant 64 : i32
          %mul3A_212 = arith.muli %add3A_175, %mul3A_211 : i32
          %add3A_213 = arith.constant 16 : i32
          %add3A_214 = arith.addi %mul3A_212, %add3A_213 : i32
          %add3A_215 = vector.broadcast %add3A_214 : i32 to vector<16xi32>
          %add3A_216 = arith.addi %iota3A, %add3A_215 : vector<16xi32>
          %gather3A_217 = tpu.vector_load_idx %arg8[%add3A_216, %broadcast_in_dim3A_23] : memref<512x16xf32, #tpu.memory_space<vmem>>[vector<16xi32>, vector<16xi32>], vector<16xf32>,
          %sub3A_218 = arith.subf %gather3A_217, %broadcast_in_dim3A_181 : vector<16xf32>
          %gather3A_219 = tpu.vector_load_idx %arg8[%add3A_216, %add3A_26] : memref<512x16xf32, #tpu.memory_space<vmem>>[vector<16xi32>, vector<16xi32>], vector<16xf32>,
          %sub3A_220 = arith.subf %gather3A_219, %broadcast_in_dim3A_184 : vector<16xf32>
          %gather3A_221 = tpu.vector_load_idx %arg8[%add3A_216, %add3A_29] : memref<512x16xf32, #tpu.memory_space<vmem>>[vector<16xi32>, vector<16xi32>], vector<16xf32>,
          %sub3A_222 = arith.subf %gather3A_221, %broadcast_in_dim3A_187 : vector<16xf32>
          %mul3A_223 = arith.mulf %sub3A_218, %sub3A_218 : vector<16xf32>
          %mul3A_224 = arith.mulf %sub3A_220, %sub3A_220 : vector<16xf32>
          %add3A_225 = arith.addf %mul3A_223, %mul3A_224 : vector<16xf32>
          %mul3A_226 = arith.mulf %sub3A_222, %sub3A_222 : vector<16xf32>
          %add3A_227 = arith.addf %add3A_225, %mul3A_226 : vector<16xf32>
          %mul3A_228 = arith.constant 64 : i32
          %mul3A_229 = arith.muli %add3A_175, %mul3A_228 : i32
          %add3A_230 = arith.constant 1024 : i32
          %add3A_231 = arith.addi %add3A_230, %mul3A_229 : i32
          %add3A_232 = arith.constant 16 : i32
          %add3A_233 = arith.addi %add3A_231, %add3A_232 : i32
          %swap3A_234 = arith.index_cast %add3A_233 : i32 to index
          %swap3A_235 = tpu.vector_load %arg11[%swap3A_234] {strides = array<i32>} : memref<2048xf32, #tpu.memory_space<vmem>>, vector<16xf32>,
          tpu.vector_store %arg11[%swap3A_234], %add3A_227 {strides = array<i32>} : memref<2048xf32, #tpu.memory_space<vmem>>, vector<16xf32>,
          %mul3A_236 = arith.constant 64 : i32
          %mul3A_237 = arith.muli %add3A_175, %mul3A_236 : i32
          %add3A_238 = arith.constant 32 : i32
          %add3A_239 = arith.addi %mul3A_237, %add3A_238 : i32
          %add3A_240 = vector.broadcast %add3A_239 : i32 to vector<16xi32>
          %add3A_241 = arith.addi %iota3A, %add3A_240 : vector<16xi32>
          %gather3A_242 = tpu.vector_load_idx %arg8[%add3A_241, %broadcast_in_dim3A_23] : memref<512x16xf32, #tpu.memory_space<vmem>>[vector<16xi32>, vector<16xi32>], vector<16xf32>,
          %sub3A_243 = arith.subf %gather3A_242, %broadcast_in_dim3A_181 : vector<16xf32>
          %gather3A_244 = tpu.vector_load_idx %arg8[%add3A_241, %add3A_26] : memref<512x16xf32, #tpu.memory_space<vmem>>[vector<16xi32>, vector<16xi32>], vector<16xf32>,
          %sub3A_245 = arith.subf %gather3A_244, %broadcast_in_dim3A_184 : vector<16xf32>
          %gather3A_246 = tpu.vector_load_idx %arg8[%add3A_241, %add3A_29] : memref<512x16xf32, #tpu.memory_space<vmem>>[vector<16xi32>, vector<16xi32>], vector<16xf32>,
          %sub3A_247 = arith.subf %gather3A_246, %broadcast_in_dim3A_187 : vector<16xf32>
          %mul3A_248 = arith.mulf %sub3A_243, %sub3A_243 : vector<16xf32>
          %mul3A_249 = arith.mulf %sub3A_245, %sub3A_245 : vector<16xf32>
          %add3A_250 = arith.addf %mul3A_248, %mul3A_249 : vector<16xf32>
          %mul3A_251 = arith.mulf %sub3A_247, %sub3A_247 : vector<16xf32>
          %add3A_252 = arith.addf %add3A_250, %mul3A_251 : vector<16xf32>
          %mul3A_253 = arith.constant 64 : i32
          %mul3A_254 = arith.muli %add3A_175, %mul3A_253 : i32
          %add3A_255 = arith.constant 1024 : i32
          %add3A_256 = arith.addi %add3A_255, %mul3A_254 : i32
          %add3A_257 = arith.constant 32 : i32
          %add3A_258 = arith.addi %add3A_256, %add3A_257 : i32
          %swap3A_259 = arith.index_cast %add3A_258 : i32 to index
          %swap3A_260 = tpu.vector_load %arg11[%swap3A_259] {strides = array<i32>} : memref<2048xf32, #tpu.memory_space<vmem>>, vector<16xf32>,
          tpu.vector_store %arg11[%swap3A_259], %add3A_252 {strides = array<i32>} : memref<2048xf32, #tpu.memory_space<vmem>>, vector<16xf32>,
          %mul3A_261 = arith.constant 64 : i32
          %mul3A_262 = arith.muli %add3A_175, %mul3A_261 : i32
          %add3A_263 = arith.constant 48 : i32
          %add3A_264 = arith.addi %mul3A_262, %add3A_263 : i32
          %add3A_265 = vector.broadcast %add3A_264 : i32 to vector<16xi32>
          %add3A_266 = arith.addi %iota3A, %add3A_265 : vector<16xi32>
          %gather3A_267 = tpu.vector_load_idx %arg8[%add3A_266, %broadcast_in_dim3A_23] : memref<512x16xf32, #tpu.memory_space<vmem>>[vector<16xi32>, vector<16xi32>], vector<16xf32>,
          %sub3A_268 = arith.subf %gather3A_267, %broadcast_in_dim3A_181 : vector<16xf32>
          %gather3A_269 = tpu.vector_load_idx %arg8[%add3A_266, %add3A_26] : memref<512x16xf32, #tpu.memory_space<vmem>>[vector<16xi32>, vector<16xi32>], vector<16xf32>,
          %sub3A_270 = arith.subf %gather3A_269, %broadcast_in_dim3A_184 : vector<16xf32>
          %gather3A_271 = tpu.vector_load_idx %arg8[%add3A_266, %add3A_29] : memref<512x16xf32, #tpu.memory_space<vmem>>[vector<16xi32>, vector<16xi32>], vector<16xf32>,
          %sub3A_272 = arith.subf %gather3A_271, %broadcast_in_dim3A_187 : vector<16xf32>
          %mul3A_273 = arith.mulf %sub3A_268, %sub3A_268 : vector<16xf32>
          %mul3A_274 = arith.mulf %sub3A_270, %sub3A_270 : vector<16xf32>
          %add3A_275 = arith.addf %mul3A_273, %mul3A_274 : vector<16xf32>
          %mul3A_276 = arith.mulf %sub3A_272, %sub3A_272 : vector<16xf32>
          %add3A_277 = arith.addf %add3A_275, %mul3A_276 : vector<16xf32>
          %mul3A_278 = arith.constant 64 : i32
          %mul3A_279 = arith.muli %add3A_175, %mul3A_278 : i32
          %add3A_280 = arith.constant 1024 : i32
          %add3A_281 = arith.addi %add3A_280, %mul3A_279 : i32
          %add3A_282 = arith.constant 48 : i32
          %add3A_283 = arith.addi %add3A_281, %add3A_282 : i32
          %swap3A_284 = arith.index_cast %add3A_283 : i32 to index
          %swap3A_285 = tpu.vector_load %arg11[%swap3A_284] {strides = array<i32>} : memref<2048xf32, #tpu.memory_space<vmem>>, vector<16xf32>,
          tpu.vector_store %arg11[%swap3A_284], %add3A_277 {strides = array<i32>} : memref<2048xf32, #tpu.memory_space<vmem>>, vector<16xf32>,
        }
        %scan3A_150 = arith.constant 8 : i32
        %add3A_151 = arith.constant 1 : i32
        %add3A_152 = arith.addi %add3A_51, %add3A_151 : i32
        %lt3A_153 = arith.constant 100 : i32
        %lt3A_154 = arith.cmpi slt, %add3A_152, %lt3A_153 : i32
        %convert_element_type3A_155 = arith.extui %lt3A_154 : i1 to i32
        %cond3A_156 = arith.constant 0 : i32
        %cond3A_157 = arith.cmpi ne, %convert_element_type3A_155, %cond3A_156 : i32
        scf.if %cond3A_157 {
          %dma_wait3A_171 = arith.constant 0 : i32
          %dma_wait3A_172 = tpu.memref_slice %arg3[%dma_wait3A_171] : memref<6400000xi32, #tpu.memory_space<hbm>> -> memref<2048xi32, #tpu.memory_space<hbm>>
          %dma_wait3A_173 = arith.constant 0 : i32
          %dma_wait3A_174 = tpu.memref_slice %arg3[%dma_wait3A_173] : memref<6400000xi32, #tpu.memory_space<hbm>> -> memref<2048xi32, #tpu.memory_space<hbm>>
          tpu.wait_dma2 semaphore(%arg14 : memref<!tpu.dma_semaphore, #tpu.memory_space<semaphore_mem>>) src(%dma_wait3A_174 : memref<2048xi32, #tpu.memory_space<hbm>>) dst(%arg5 : memref<2048xi32, #tpu.memory_space<vmem>>)
          %dma_start3A_175 = arith.constant 0 : i32
          %dma_start3A_176 = tpu.memref_slice %arg5[%dma_start3A_175] : memref<2048xi32, #tpu.memory_space<vmem>> -> memref<512xi32, #tpu.memory_space<vmem>>
          %dma_start3A_177 = arith.constant 0 : i32
          %dma_start3A_178 = arith.constant 0 : i32
          %dma_start3A_179 = tpu.memref_slice %arg18[%dma_start3A_177, %dma_start3A_178] : memref<100096x16xf32, #tpu.memory_space<vmem_shared>> -> memref<100096x16xf32, #tpu.memory_space<vmem_shared>>
          tpu.enqueue_indirect_dma source(%dma_start3A_179 : memref<100096x16xf32, #tpu.memory_space<vmem_shared>>) target(%arg8 : memref<512x16xf32, #tpu.memory_space<vmem>>) offsets(%dma_start3A_176 : memref<512xi32, #tpu.memory_space<vmem>>) semaphore(%arg12 : memref<!tpu.dma_semaphore, #tpu.memory_space<semaphore_mem>>)
        } else {
        }
        %dma_wait3A_158 = arith.constant 0 : i32
        %dma_wait3A_159 = arith.constant 0 : i32
        %dma_wait3A_160 = tpu.memref_slice %arg2[%dma_wait3A_158, %dma_wait3A_159] : memref<100096x16xf32, #tpu.memory_space<hbm>> -> memref<512x16xf32, #tpu.memory_space<hbm>>
        %dma_wait3A_161 = arith.constant 0 : i32
        %dma_wait3A_162 = arith.constant 0 : i32
        %dma_wait3A_163 = tpu.memref_slice %arg2[%dma_wait3A_161, %dma_wait3A_162] : memref<100096x16xf32, #tpu.memory_space<hbm>> -> memref<512x16xf32, #tpu.memory_space<hbm>>
        tpu.wait_dma2 semaphore(%arg13 : memref<!tpu.dma_semaphore, #tpu.memory_space<semaphore_mem>>) src(%dma_wait3A_163 : memref<512x16xf32, #tpu.memory_space<hbm>>) dst(%arg9 : memref<512x16xf32, #tpu.memory_space<vmem>>)
        %scan3A_164 = arith.constant 0 : i32
        %scan3A_165 = arith.constant 8 : i32
        %scan3A_166 = arith.addi %scan3A_164, %scan3A_165 : i32
        %scan3A_167 = arith.constant 1 : i32
        scf.for %scan3A_171 = %scan3A_164 to %scan3A_166 step %scan3A_167  : i32 {
          %mul3A_172 = arith.constant 1 : i32
          %mul3A_173 = arith.muli %scan3A_171, %mul3A_172 : i32
          %add3A_174 = arith.constant 0 : i32
          %add3A_175 = arith.addi %add3A_174, %mul3A_173 : i32
          %add3A_176 = arith.constant 24 : i32
          %add3A_177 = arith.addi %sub3A_93, %add3A_176 : i32
          %add3A_178 = arith.addi %add3A_177, %add3A_175 : i32
          %get3A = arith.index_cast %add3A_178 : i32 to index
          %get3A_179 = arith.constant 0 : index
          %get3A_180 = tpu.vector_load %arg7[%get3A, %get3A_179] {strides = array<i32>} : memref<40x16xf32, #tpu.memory_space<vmem>>, vector<16xf32>,
          %slice3A = vector.extract_strided_slice %get3A_180 {offsets = [0], sizes = [1], strides = [1]} : vector<16xf32> to vector<1xf32>
          %squeeze3A = vector.extract %slice3A[0] : f32 from vector<1xf32>
          %broadcast_in_dim3A_181 = vector.broadcast %squeeze3A : f32 to vector<16xf32>
          %slice3A_182 = vector.extract_strided_slice %get3A_180 {offsets = [1], sizes = [1], strides = [1]} : vector<16xf32> to vector<1xf32>
          %squeeze3A_183 = vector.extract %slice3A_182[0] : f32 from vector<1xf32>
          %broadcast_in_dim3A_184 = vector.broadcast %squeeze3A_183 : f32 to vector<16xf32>
          %slice3A_185 = vector.extract_strided_slice %get3A_180 {offsets = [2], sizes = [1], strides = [1]} : vector<16xf32> to vector<1xf32>
          %squeeze3A_186 = vector.extract %slice3A_185[0] : f32 from vector<1xf32>
          %broadcast_in_dim3A_187 = vector.broadcast %squeeze3A_186 : f32 to vector<16xf32>
          %mul3A_188 = arith.constant 64 : i32
          %mul3A_189 = arith.muli %add3A_175, %mul3A_188 : i32
          %add3A_190 = arith.constant 0 : i32
          %add3A_191 = arith.addi %mul3A_189, %add3A_190 : i32
          %add3A_192 = vector.broadcast %add3A_191 : i32 to vector<16xi32>
          %add3A_193 = arith.addi %iota3A, %add3A_192 : vector<16xi32>
          %gather3A = tpu.vector_load_idx %arg9[%add3A_193, %broadcast_in_dim3A_23] : memref<512x16xf32, #tpu.memory_space<vmem>>[vector<16xi32>, vector<16xi32>], vector<16xf32>,
          %sub3A_194 = arith.subf %gather3A, %broadcast_in_dim3A_181 : vector<16xf32>
          %gather3A_195 = tpu.vector_load_idx %arg9[%add3A_193, %add3A_26] : memref<512x16xf32, #tpu.memory_space<vmem>>[vector<16xi32>, vector<16xi32>], vector<16xf32>,
          %sub3A_196 = arith.subf %gather3A_195, %broadcast_in_dim3A_184 : vector<16xf32>
          %gather3A_197 = tpu.vector_load_idx %arg9[%add3A_193, %add3A_29] : memref<512x16xf32, #tpu.memory_space<vmem>>[vector<16xi32>, vector<16xi32>], vector<16xf32>,
          %sub3A_198 = arith.subf %gather3A_197, %broadcast_in_dim3A_187 : vector<16xf32>
          %mul3A_199 = arith.mulf %sub3A_194, %sub3A_194 : vector<16xf32>
          %mul3A_200 = arith.mulf %sub3A_196, %sub3A_196 : vector<16xf32>
          %add3A_201 = arith.addf %mul3A_199, %mul3A_200 : vector<16xf32>
          %mul3A_202 = arith.mulf %sub3A_198, %sub3A_198 : vector<16xf32>
          %add3A_203 = arith.addf %add3A_201, %mul3A_202 : vector<16xf32>
          %mul3A_204 = arith.constant 64 : i32
          %mul3A_205 = arith.muli %add3A_175, %mul3A_204 : i32
          %add3A_206 = arith.constant 1536 : i32
          %add3A_207 = arith.addi %add3A_206, %mul3A_205 : i32
          %add3A_208 = arith.constant 0 : i32
          %add3A_209 = arith.addi %add3A_207, %add3A_208 : i32
          %swap3A = arith.index_cast %add3A_209 : i32 to index
          %swap3A_210 = tpu.vector_load %arg11[%swap3A] {strides = array<i32>} : memref<2048xf32, #tpu.memory_space<vmem>>, vector<16xf32>,
          tpu.vector_store %arg11[%swap3A], %add3A_203 {strides = array<i32>} : memref<2048xf32, #tpu.memory_space<vmem>>, vector<16xf32>,
          %mul3A_211 = arith.constant 64 : i32
          %mul3A_212 = arith.muli %add3A_175, %mul3A_211 : i32
          %add3A_213 = arith.constant 16 : i32
          %add3A_214 = arith.addi %mul3A_212, %add3A_213 : i32
          %add3A_215 = vector.broadcast %add3A_214 : i32 to vector<16xi32>
          %add3A_216 = arith.addi %iota3A, %add3A_215 : vector<16xi32>
          %gather3A_217 = tpu.vector_load_idx %arg9[%add3A_216, %broadcast_in_dim3A_23] : memref<512x16xf32, #tpu.memory_space<vmem>>[vector<16xi32>, vector<16xi32>], vector<16xf32>,
          %sub3A_218 = arith.subf %gather3A_217, %broadcast_in_dim3A_181 : vector<16xf32>
          %gather3A_219 = tpu.vector_load_idx %arg9[%add3A_216, %add3A_26] : memref<512x16xf32, #tpu.memory_space<vmem>>[vector<16xi32>, vector<16xi32>], vector<16xf32>,
          %sub3A_220 = arith.subf %gather3A_219, %broadcast_in_dim3A_184 : vector<16xf32>
          %gather3A_221 = tpu.vector_load_idx %arg9[%add3A_216, %add3A_29] : memref<512x16xf32, #tpu.memory_space<vmem>>[vector<16xi32>, vector<16xi32>], vector<16xf32>,
          %sub3A_222 = arith.subf %gather3A_221, %broadcast_in_dim3A_187 : vector<16xf32>
          %mul3A_223 = arith.mulf %sub3A_218, %sub3A_218 : vector<16xf32>
          %mul3A_224 = arith.mulf %sub3A_220, %sub3A_220 : vector<16xf32>
          %add3A_225 = arith.addf %mul3A_223, %mul3A_224 : vector<16xf32>
          %mul3A_226 = arith.mulf %sub3A_222, %sub3A_222 : vector<16xf32>
          %add3A_227 = arith.addf %add3A_225, %mul3A_226 : vector<16xf32>
          %mul3A_228 = arith.constant 64 : i32
          %mul3A_229 = arith.muli %add3A_175, %mul3A_228 : i32
          %add3A_230 = arith.constant 1536 : i32
          %add3A_231 = arith.addi %add3A_230, %mul3A_229 : i32
          %add3A_232 = arith.constant 16 : i32
          %add3A_233 = arith.addi %add3A_231, %add3A_232 : i32
          %swap3A_234 = arith.index_cast %add3A_233 : i32 to index
          %swap3A_235 = tpu.vector_load %arg11[%swap3A_234] {strides = array<i32>} : memref<2048xf32, #tpu.memory_space<vmem>>, vector<16xf32>,
          tpu.vector_store %arg11[%swap3A_234], %add3A_227 {strides = array<i32>} : memref<2048xf32, #tpu.memory_space<vmem>>, vector<16xf32>,
          %mul3A_236 = arith.constant 64 : i32
          %mul3A_237 = arith.muli %add3A_175, %mul3A_236 : i32
          %add3A_238 = arith.constant 32 : i32
          %add3A_239 = arith.addi %mul3A_237, %add3A_238 : i32
          %add3A_240 = vector.broadcast %add3A_239 : i32 to vector<16xi32>
          %add3A_241 = arith.addi %iota3A, %add3A_240 : vector<16xi32>
          %gather3A_242 = tpu.vector_load_idx %arg9[%add3A_241, %broadcast_in_dim3A_23] : memref<512x16xf32, #tpu.memory_space<vmem>>[vector<16xi32>, vector<16xi32>], vector<16xf32>,
          %sub3A_243 = arith.subf %gather3A_242, %broadcast_in_dim3A_181 : vector<16xf32>
          %gather3A_244 = tpu.vector_load_idx %arg9[%add3A_241, %add3A_26] : memref<512x16xf32, #tpu.memory_space<vmem>>[vector<16xi32>, vector<16xi32>], vector<16xf32>,
          %sub3A_245 = arith.subf %gather3A_244, %broadcast_in_dim3A_184 : vector<16xf32>
          %gather3A_246 = tpu.vector_load_idx %arg9[%add3A_241, %add3A_29] : memref<512x16xf32, #tpu.memory_space<vmem>>[vector<16xi32>, vector<16xi32>], vector<16xf32>,
          %sub3A_247 = arith.subf %gather3A_246, %broadcast_in_dim3A_187 : vector<16xf32>
          %mul3A_248 = arith.mulf %sub3A_243, %sub3A_243 : vector<16xf32>
          %mul3A_249 = arith.mulf %sub3A_245, %sub3A_245 : vector<16xf32>
          %add3A_250 = arith.addf %mul3A_248, %mul3A_249 : vector<16xf32>
          %mul3A_251 = arith.mulf %sub3A_247, %sub3A_247 : vector<16xf32>
          %add3A_252 = arith.addf %add3A_250, %mul3A_251 : vector<16xf32>
          %mul3A_253 = arith.constant 64 : i32
          %mul3A_254 = arith.muli %add3A_175, %mul3A_253 : i32
          %add3A_255 = arith.constant 1536 : i32
          %add3A_256 = arith.addi %add3A_255, %mul3A_254 : i32
          %add3A_257 = arith.constant 32 : i32
          %add3A_258 = arith.addi %add3A_256, %add3A_257 : i32
          %swap3A_259 = arith.index_cast %add3A_258 : i32 to index
          %swap3A_260 = tpu.vector_load %arg11[%swap3A_259] {strides = array<i32>} : memref<2048xf32, #tpu.memory_space<vmem>>, vector<16xf32>,
          tpu.vector_store %arg11[%swap3A_259], %add3A_252 {strides = array<i32>} : memref<2048xf32, #tpu.memory_space<vmem>>, vector<16xf32>,
          %mul3A_261 = arith.constant 64 : i32
          %mul3A_262 = arith.muli %add3A_175, %mul3A_261 : i32
          %add3A_263 = arith.constant 48 : i32
          %add3A_264 = arith.addi %mul3A_262, %add3A_263 : i32
          %add3A_265 = vector.broadcast %add3A_264 : i32 to vector<16xi32>
          %add3A_266 = arith.addi %iota3A, %add3A_265 : vector<16xi32>
          %gather3A_267 = tpu.vector_load_idx %arg9[%add3A_266, %broadcast_in_dim3A_23] : memref<512x16xf32, #tpu.memory_space<vmem>>[vector<16xi32>, vector<16xi32>], vector<16xf32>,
          %sub3A_268 = arith.subf %gather3A_267, %broadcast_in_dim3A_181 : vector<16xf32>
          %gather3A_269 = tpu.vector_load_idx %arg9[%add3A_266, %add3A_26] : memref<512x16xf32, #tpu.memory_space<vmem>>[vector<16xi32>, vector<16xi32>], vector<16xf32>,
          %sub3A_270 = arith.subf %gather3A_269, %broadcast_in_dim3A_184 : vector<16xf32>
          %gather3A_271 = tpu.vector_load_idx %arg9[%add3A_266, %add3A_29] : memref<512x16xf32, #tpu.memory_space<vmem>>[vector<16xi32>, vector<16xi32>], vector<16xf32>,
          %sub3A_272 = arith.subf %gather3A_271, %broadcast_in_dim3A_187 : vector<16xf32>
          %mul3A_273 = arith.mulf %sub3A_268, %sub3A_268 : vector<16xf32>
          %mul3A_274 = arith.mulf %sub3A_270, %sub3A_270 : vector<16xf32>
          %add3A_275 = arith.addf %mul3A_273, %mul3A_274 : vector<16xf32>
          %mul3A_276 = arith.mulf %sub3A_272, %sub3A_272 : vector<16xf32>
          %add3A_277 = arith.addf %add3A_275, %mul3A_276 : vector<16xf32>
          %mul3A_278 = arith.constant 64 : i32
          %mul3A_279 = arith.muli %add3A_175, %mul3A_278 : i32
          %add3A_280 = arith.constant 1536 : i32
          %add3A_281 = arith.addi %add3A_280, %mul3A_279 : i32
          %add3A_282 = arith.constant 48 : i32
          %add3A_283 = arith.addi %add3A_281, %add3A_282 : i32
          %swap3A_284 = arith.index_cast %add3A_283 : i32 to index
          %swap3A_285 = tpu.vector_load %arg11[%swap3A_284] {strides = array<i32>} : memref<2048xf32, #tpu.memory_space<vmem>>, vector<16xf32>,
          tpu.vector_store %arg11[%swap3A_284], %add3A_277 {strides = array<i32>} : memref<2048xf32, #tpu.memory_space<vmem>>, vector<16xf32>,
        }
        %scan3A_168 = arith.constant 8 : i32
        %dma_start3A_169 = tpu.memref_slice %arg4[%mul3A_58] : memref<6400000xf32, #tpu.memory_space<hbm>> -> memref<2048xf32, #tpu.memory_space<hbm>>
        %dma_start3A_170 = tpu.memref_slice %arg4[%mul3A_58] : memref<6400000xf32, #tpu.memory_space<hbm>> -> memref<2048xf32, #tpu.memory_space<hbm>>
        tpu.enqueue_dma source(%arg11 : memref<2048xf32, #tpu.memory_space<vmem>>) target(%dma_start3A_170 : memref<2048xf32, #tpu.memory_space<hbm>>) target_semaphore(%arg17 : memref<!tpu.dma_semaphore, #tpu.memory_space<semaphore_mem>>)
      } else {
      }
    }
    %scan3A_39 = arith.constant 100 : i32
    %dma_wait3A = arith.constant 0 : i32
    %dma_wait3A_40 = tpu.memref_slice %arg4[%dma_wait3A] : memref<6400000xf32, #tpu.memory_space<hbm>> -> memref<2048xf32, #tpu.memory_space<hbm>>
    %dma_wait3A_41 = arith.constant 0 : i32
    %dma_wait3A_42 = tpu.memref_slice %arg4[%dma_wait3A_41] : memref<6400000xf32, #tpu.memory_space<hbm>> -> memref<2048xf32, #tpu.memory_space<hbm>>
    tpu.wait_dma2 semaphore(%arg16 : memref<!tpu.dma_semaphore, #tpu.memory_space<semaphore_mem>>) src(%arg10 : memref<2048xf32, #tpu.memory_space<vmem>>) dst(%dma_wait3A_42 : memref<2048xf32, #tpu.memory_space<hbm>>)
    %dma_wait3A_43 = arith.constant 0 : i32
    %dma_wait3A_44 = tpu.memref_slice %arg4[%dma_wait3A_43] : memref<6400000xf32, #tpu.memory_space<hbm>> -> memref<2048xf32, #tpu.memory_space<hbm>>
    %dma_wait3A_45 = arith.constant 0 : i32
    %dma_wait3A_46 = tpu.memref_slice %arg4[%dma_wait3A_45] : memref<6400000xf32, #tpu.memory_space<hbm>> -> memref<2048xf32, #tpu.memory_space<hbm>>
    tpu.wait_dma2 semaphore(%arg17 : memref<!tpu.dma_semaphore, #tpu.memory_space<semaphore_mem>>) src(%arg11 : memref<2048xf32, #tpu.memory_space<vmem>>) dst(%dma_wait3A_46 : memref<2048xf32, #tpu.memory_space<hbm>>)
    return
  }
}

</mosaic_0001>

<sc_bundles>
// kernel: kernel.3.cloned.1.call-start
scs
__scs_entry_jumppad:
0x0: {  	(pc) =	sbr.rel $0x88, $3  }
0x1: {  	(tag) =	ssettag $0x0;
	lr =	simm.s32 $0x1  }
0x2: {  	[smem:$0x3F9F] =	sst lr;
	_ =	strace $0xD0000000  }
0x3: {  	_ = 	snop  }
0x4: {  	_ = 	snop  }
0x5: {  	_ = 	snop  }
0x6: {  	_ = 	snop  }
0x7: {  	_ = 	snop  }
__scs_overlays_trampoline_lowered:
0x8: {  	[smem:$0x3FAE] =	sst s0  }
0x9: {  	[smem:$0x3FAF] =	sst s1  }
0xa: {  	[smem:$0x3FB0] =	sst s2  }
0xb: {  	[smem:$0x3FB1] =	sst s3  }
0xc: {  	[smem:$0x3FB2] =	sst s4  }
0xd: {  	[smem:$0x3FB3] =	sst s5  }
0xe: {  	[smem:$0x3FB4] =	sst s6  }
0xf: {  	[smem:$0x3FB5] =	sst s7  }
0x10: {  	[smem:$0x3FB6] =	sst s8  }
0x11: {  	[smem:$0x3FB7] =	sst s9;
	s0 =	simm.s32 @!p0 $0x0  }
0x12: {  	s1 =	sld [smem:$0x3F9D];
	s0 =	simm.s32 @p0 $0x1  }
0x13: {  	[smem:$0x3FB8] =	sst s0;
	s0 =	simm.s32 @!p1 $0x0  }
0x14: {  	s2 =	sld [smem:$0x3F9C];
	s0 =	simm.s32 @p1 $0x1  }
0x15: {  	[smem:$0x3FB9] =	sst s0;
	s0 =	simm.s32 @!p2 $0x0  }
0x16: {  	s3 =	sld [smem:$0x3FDB];
	s0 =	simm.s32 @p2 $0x1  }
0x17: {  	s4 =	simm.s32 $0x1BF5;
	[smem:$0x3FBB] =	sst s0  }
0x18: {  	s0 =	sld [smem:$0x3F9E];
	_ =	swait.ge [sflag:s4], $0x0  }
0x19: {  	s7 =	sld [smem:$0x3F9F]  }
0x1a: {  	s8 =	sadd.s32 $0xFFFFE003, lr  }
0x1b: {  	s9 =	sadd.s32 $0xFFFFFEF7, lr;
	s5 =	simm.s32 $0xFFFFFFFF;
	p2 =	slt.u32 s8, $0xFFFFF086  }
0x1c: {  	p1 =	slt.u32 s9, $0xF7A;
	s5 =	simm.s32 @!p2 $0x0  }
0x1d: {  	s5 =	simm.s32 @p1 $0x1;
	p0 =	seq.s32 s7, s2  }
0x1e: {  	s7 =	smul.u32 @!p0 $0xF7A, s2;
	p2 =	seq.s32 @!p0 s5, $0x0  }
0x1f: {  	s9 =	smul.u32 $0xF7A, s1;
	s8 =	simm.s32 @!p0 $0x1BF5;
	p2 =	por !p2, p0  }
0x20: {  	[sflag:s8] =	ssyncset.s32 @!p0 $0xFFFFF086;
	s6 =	sadd.s32 @!p0 s3, s7;
	s7 =	simm.s32 @!p0 $0x108  }
0x21: {  	s3 =	sadd.s32 s3, s9;
	s6 =	sadd.s32 @!p0 $0x88, s6;
	s7 =	simm.s32 @p2 $0x1082  }
0x22: {  	[simem:s7], [sflag:s8] =	dma.local @!p0 [hbm:s6], $0xF7A  }
0x23: {  	s9 =	sor.u32 $0xD0000000, s2;
	s6 =	simm.s32 $0x108;
	_ =	swait.ge @!p0 [sflag:s8], $0x0  }
0x24: {  	s3 =	sadd.s32 $0x88, s3;
	s6 =	simm.s32 @!p1 $0x1082;
	[sflag:s4] =	ssyncset.s32 $0xFFFFF086  }
0x25: {  	[simem:s6], [sflag:s4] =	dma.local [hbm:s3], $0xF7A  }
0x26: {  	[smem:$0x3F9F] =	sst s1;
	(tag) =	ssettag s2;
	_ =	strace s9  }
0x27: {  	s1 =	sld [smem:$0x3FAF]  }
0x28: {  	s2 =	sld [smem:$0x3FB0]  }
0x29: {  	s4 =	sld [smem:$0x3FB2]  }
0x2a: {  	p0 =	seq.s32 s5, $0x0;
	s5 =	sld [smem:$0x3FB3]  }
0x2b: {  	s6 =	sld [smem:$0x3FB4]  }
0x2c: {  	s7 =	sld [smem:$0x3FB5]  }
0x2d: {  	s3 =	simm.s32 $0x108;
	s8 =	sld [smem:$0x3FB6]  }
0x2e: {  	s3 =	simm.s32 @!p0 $0x1082;
	s9 =	sld [smem:$0x3FB7]  }
0x2f: {  	lr =	sadd.s32 s0, s3;
	s0 =	sld [smem:$0x3FAE]  }
0x30: {  	s3 =	sld [smem:$0x3FB1]  }
0x31: {  	[smem:$0x3FBA] =	sst s10  }
0x32: {  	s10 =	sld [smem:$0x3FB8];
	_ =	sdelay $0x3  }
0x33: {  	p0 =	seq.s32 s10, $0x1;
	s10 =	sld [smem:$0x3FBA];
	_ =	sdelay $0x3  }
0x34: {  	[smem:$0x3FBA] =	sst s10  }
0x35: {  	s10 =	sld [smem:$0x3FB9];
	_ =	sdelay $0x3  }
0x36: {  	p1 =	seq.s32 s10, $0x1;
	s10 =	sld [smem:$0x3FBA];
	_ =	sdelay $0x3  }
0x37: {  	[smem:$0x3FBA] =	sst s10  }
0x38: {  	s10 =	sld [smem:$0x3FBB]  }
0x39: {  	_ = 	snop;
	(pc) =	sbr.ind lr, $3  }
0x3a: {  	_ = 	snop  }
0x3b: {  	_ = 	snop  }
0x3c: {  	p2 =	seq.s32 s10, $0x1;
	s10 =	sld [smem:$0x3FBA]  }
0x3d: {  	_ =	shalt  }
0x3e: {  	_ =	shalt  }
0x3f: {  	_ =	shalt  }
0x40: {  	_ =	shalt  }
0x41: {  	_ =	shalt  }
0x42: {  	_ =	shalt  }
0x43: {  	_ =	shalt  }
0x44: {  	_ =	shalt  }
0x45: {  	_ =	shalt  }
0x46: {  	_ =	shalt  }
0x47: {  	_ =	shalt  }
0x48: {  	_ =	shalt  }
0x49: {  	_ =	shalt  }
0x4a: {  	_ =	shalt  }
0x4b: {  	_ =	shalt  }
0x4c: {  	_ =	shalt  }
0x4d: {  	_ =	shalt  }
0x4e: {  	_ =	shalt  }
0x4f: {  	_ =	shalt  }
0x50: {  	_ =	shalt  }
0x51: {  	_ =	shalt  }
0x52: {  	_ =	shalt  }
0x53: {  	_ =	shalt  }
0x54: {  	_ =	shalt  }
0x55: {  	_ =	shalt  }
0x56: {  	_ =	shalt  }
0x57: {  	_ =	shalt  }
0x58: {  	_ =	shalt  }
0x59: {  	_ =	shalt  }
0x5a: {  	_ =	shalt  }
0x5b: {  	_ =	shalt  }
0x5c: {  	_ =	shalt  }
0x5d: {  	_ =	shalt  }
0x5e: {  	_ =	shalt  }
0x5f: {  	_ =	shalt  }
0x60: {  	_ =	shalt  }
0x61: {  	_ =	shalt  }
0x62: {  	_ =	shalt  }
0x63: {  	_ =	shalt  }
0x64: {  	_ =	shalt  }
0x65: {  	_ =	shalt  }
0x66: {  	_ =	shalt  }
0x67: {  	_ =	shalt  }
0x68: {  	_ =	shalt  }
0x69: {  	_ =	shalt  }
0x6a: {  	_ =	shalt  }
0x6b: {  	_ =	shalt  }
0x6c: {  	_ =	shalt  }
0x6d: {  	_ =	shalt  }
0x6e: {  	_ =	shalt  }
0x6f: {  	_ =	shalt  }
0x70: {  	_ =	shalt  }
0x71: {  	_ =	shalt  }
0x72: {  	_ =	shalt  }
0x73: {  	_ =	shalt  }
0x74: {  	_ =	shalt  }
0x75: {  	_ =	shalt  }
0x76: {  	_ =	shalt  }
0x77: {  	_ =	shalt  }
0x78: {  	_ =	shalt  }
0x79: {  	_ =	shalt  }
0x7a: {  	_ =	shalt  }
0x7b: {  	_ =	shalt  }
0x7c: {  	_ =	shalt  }
0x7d: {  	_ =	shalt  }
0x7e: {  	_ =	shalt  }
0x7f: {  	_ =	shalt  }
0x80: {  	_ =	shalt  }
0x81: {  	_ =	shalt  }
0x82: {  	_ =	shalt  }
0x83: {  	_ =	shalt  }
0x84: {  	_ =	shalt  }
0x85: {  	_ =	shalt  }
0x86: {  	_ =	shalt  }
0x87: {  	_ =	shalt  }
.Lfunc_end0:
.L_simem_size_0:
called_computation_lowered:
.L_overlay_start_0:
0x88: {  	s2 =	sld [smem:$0x3FD9]  }
0x89: {  	s3 =	sld [smem:$0x3FFE];
	_ =	sdelay $0x1  }
0x8a: {  	s1 =	srdreg.scid  }
0x8b: {  	s0 =	sand.u32 $0x1, s1  }
0x8c: {  	s17 =	sshll.u32 s0, $0xA;
	s2 =	sadd.s32 s3, s2  }
0x8d: {  	s2 =	sadd.s32 s2, s17  }
0x8e: {  	[smem:$0x3FC6] =	sst s2  }
0x8f: {  	_ = 	snop  }
0x90: {  	s2 =	sld [smem:$0x3FD0];
	(tm) =	ssettm $0x1  }
0x91: {  	s18 =	sld [smem:$0x3FFB];
	_ =	sdelay $0x3  }
0x92: {  	_ =	strace s18  }
0x93: {  	s3 =	sld [smem:$0x3FFC];
	_ =	sdelay $0x3  }
0x94: {  	_ =	strace s3  }
0x95: {  	s3 =	sld [smem:$0x3FFD];
	_ =	sdelay $0x3  }
0x96: {  	_ =	strace s3  }
0x97: {  	_ =	strace $0x8FFFFFFF  }
0x98: {  	s19 =	sld [smem:$0x3FDB];
	_ =	sdelay $0x1  }
0x99: {  	s4 =	simm.s32 $_scs_section_size  }
0x9a: {  	s5 =	simm.s32 $_size__tile_overlayer_lowered;
	s6 =	simm.s32 $_tile_overlayer_lowered  }
0x9b: {  	s22 =	simm.s32 $0x1BFF;
	s21 =	sshll.u32 s6, $0x1;
	s3 =	sadd.s32 s4, s19  }
0x9c: {  	s7 =	simm.s32 $0x0;
	s20 =	sshll.u32 s5, $0x1;
	s5 =	sadd.s32 s21, s3  }
0x9d: {  	[timem:s7], [sflag:s22] =	dma.local [hbm:s5], s20  }
0x9e: {  	_ =	swait.ge [sflag:s22], s20  }
0x9f: {  	s4 =	ssub.s32 $0x0, s20;
	[sflag:s22] =	ssyncset.done $0x0  }
0xa0: {  	[sflag:s22] =	ssyncadd.s32 s4;
	_ =	sdelay $0x1  }
0xa1: {  	s23 =	simm.s32 $0x1B8B  }
0xa2: {  	_ =	swait.ge [sflag:s23], $0x1  }
0xa3: {  	[sflag:s23] =	ssyncset.done $0x0  }
0xa4: {  	s25 =	simm.s32 $0x1B8E;
	s24 =	sld [smem:$0x3FFE];
	[sflag:s23] =	ssyncadd.s32 $0xFFFFFFFF  }
0xa5: {  	s26 =	simm.s32 $execute0_lowered;
	[smem:$0x3FD2] =	sst s25  }
0xa6: {  	s5 =	sshll.u32 s26, $0x1;
	_ =	strace $0x80000046;
	[dreg:$0x1] =	wrdreg $0xFFFFFFFF  }
0xa7: {  	s28 =	simm.s32 $_size_execute0_lowered;
	s3 =	sadd.s32 s3, s5;
	[dreg:$0x0] =	wrdreg $0x0  }
0xa8: {  	s5 =	sshll.u32 s28, $0x1;
	[dreg:$0x2] =	wrdreg s3  }
0xa9: {  	[dreg:$0x3] =	wrdreg s5  }
0xaa: {  	[dreg:$0x4] =	wrdreg $0xC0  }
0xab: {  	_ =	task [dreg:s7], $0x5FFFF  }
0xac: {  	[dreg:$0x1] =	wrdreg $0xFFFFFFFF  }
0xad: {  	[dreg:$0x0] =	wrdreg $0x60  }
0xae: {  	[dreg:$0x2] =	wrdreg s24  }
0xaf: {  	[dreg:$0x3] =	wrdreg s2  }
0xb0: {  	[dreg:$0x4] =	wrdreg $0x62800  }
0xb1: {  	[dreg:$0x5] =	wrdreg $0x9  }
0xb2: {  	_ =	task.clear_ibuf [dreg:s7], $0x6FFFF;
	_ =	strace $0x90000046  }
0xb3: {  	s29 =	simm.s32 $0x9;
	_ =	strace $0x80000048  }
0xb4: {  	_ =	swait.ge [sflag:s29], $0x1  }
0xb5: {  	[sflag:s29] =	ssyncadd.s32 $0xFFFFFFFF  }
0xb6: {  	_ =	strace $0x90000048  }
0xb7: {  	_ =	sfence  }
0xb8: {  	s30 =	sld [smem:$0x0];
	_ =	sdelay $0x2  }
0xb9: {  	s31 =	sshll.u32 s1, $0xD;
	s1 =	sshrl.u32 s1, $0x2  }
0xba: {  	s3 =	sand.u32 $0x4000, s31;
	s1 =	sadd.s32 s1, s30  }
0xbb: {  	s0 =	sor.u32 s3, s0;
	s1 =	sshll.u32 s1, $0x11  }
0xbc: {  	s0 =	sor.u32 s1, s0  }
0xbd: {  	s0 =	sadd.s32 $0x8F2B, s0  }
0xbe: {  	[sflag:s0] =	ssyncadd.remote.s32 $0x1  }
0xbf: {  	_ =	sfence.sel $0xFFFF  }
0xc0: {  	[dreg:$0x0] =	wrdreg $0xFFFFFFFF;
	(pc) =	sbr.abs _section_cstart, $3  }
0xc1: {  	[dreg:$0x1] =	wrdreg $0xFFFFFFFF  }
0xc2: {  	_ =	task.clear_ibuf [dreg:s7], $0x2FFFF;
	_ =	strace $0x9FFFFFFF  }
0xc3: {  	(tm) =	ssettm $0x7FFFFFFF  }
tec
execute0_lowered:
.L_overlay_start_1:
0x0: {  	(tag) =	ssettag $0x1  }
0x1: {  	s0 =	rddreg [dreg:$0x0]  }
0x2: {  	s11 =	stileid.u32;
	s12 =	rddreg [dreg:$0x1]  }
0x3: {  	s1 =	srdreg.scid;
	s3 =	rddreg [dreg:$0x2]  }
0x4: {  	s4 =	simm.s32 $0x0;
	s28 =	simm.s32 $0x5A80;
	s31 =	simm.s32 $0x400  }
0x5: {  	s1 =	sand.u32 $0x1, s1;
	s2 =	sshll.u32 s11, $0x1;
	s7 =	smul.u32 $0x18700, s11  }
0x6: {  	[smem:$0x7FF] =	sst s4;
	s8 =	smul.u32 $0x2F440, s11;
	s18 =	sshll.u32 s11, $0x6  }
0x7: {  	s24 =	smov.u32 s12;
	s2 =	sor.u32 s1, s2;
	s9 =	smul.u32 $0x17A20, s1  }
0x8: {  	_ =	strace $0x80000047;
	s13 =	ssub.s32 $0x2, s1;
	s2 =	smul.u32 $0x17A20, s2  }
0x9: {  	s5 =	sshrl.u32 s7, $0x3;
	s1 =	sshrl.u32 s13, $0x1;
	s15 =	sadd.s32 s7, s3  }
0xa: {  	s10 =	sadd.s32 s5, s0;
	s5 =	sadd.s32 $0x32E00, s0;
	s14 =	sadd.s32 s9, s8  }
0xb: {  	s0 =	ssub.s32 s13, s1;
	s8 =	sor.u32 $0x1C07, s18;
	s30 =	sshrl.u32 s15, $0x3  }
0xc: {  	s18 =	simm.s32 $0x200;
	s1 =	simm.s32 $0x600;
	[dreg:$0x5] =	wrdreg s8  }
0xd: {  	s6 =	smulhi.u32 $0x8421085, s2;
	s17 =	sadd.s32 $0x2000, s10;
	[dreg:$0xd] =	wrdreg s30  }
0xe: {  	s16 =	smulhi.u32 $0x8421085, s14;
	s0 =	smax.u32 s0, $0x1;
	[dreg:$0x4] =	wrdreg s17  }
0xf: {  	s23 =	smulhi.u32 $0x1084211, s14;
	s8 =	simm.s32 $0x0;
	[dreg:$0x7] =	wrdreg s0  }
0x10: {  	s17 =	simm.s32 $0x7;
	s0 =	simm.s32 $0x5280;
	s19 =	sshll.u32 s6, $0x3  }
0x11: {  	s7 =	sshll.u32 s16, $0x4;
	[dreg:$0x9] =	wrdreg s23;
	s20 =	sadd.s32 s12, s19  }
0x12: {  	s21 =	sand.u32 $0x7, s6;
	s22 =	sadd.s32 $0x1000, s7;
	[dreg:$0x6] =	wrdreg s20  }
.Ltmp0:
0x13: {  	s25 =	sadd.s32 $0x1080, s7;
	[dreg:$0x8] =	wrdreg s22;
	(pc) =	sbr.rel .LBB2_1-.Ltmp0, $4  }
0x14: {  	s23 =	simm.s32 $0x3280;
	s26 =	sadd.s32 $0x1100, s7;
	[dreg:$0xa] =	wrdreg s25  }
0x15: {  	s29 =	sadd.s32 $0x1180, s7;
	s19 =	simm.s32 $0x1280;
	[dreg:$0xb] =	wrdreg s26  }
0x16: {  	v0 =	vlaneseq.u32;
	p0 =	sne.s32 s21, $0x0;
	s21 =	simm.s32 $0x1000;
	[dreg:$0xc] =	wrdreg s29  }
0x17: {  	v0 =	vmul.u32 $0x10, v0;
	s20 =	simm.s32 $0x1;
	s25 =	simm.s32 $0x2;
	s26 =	simm.s32 $0xE00  }
.LBB2_27:
0x18: {  	s2 =	simm.s32 $0x5  }
0x19: {  	_ =	swait.ge [sflag:s2], $0x800  }
0x1a: {  	[sflag:s2] =	ssyncset.done $0x0  }
0x1b: {  	s7 =	simm.s32 $0x6;
	[sflag:s2] =	ssyncadd.s32 $0xFFFFF800  }
0x1c: {  	_ =	swait.ge [sflag:s7], $0x800  }
0x1d: {  	s8 =	rddreg [dreg:$0xe]  }
0x1e: {  	s30 =	rddreg [dreg:$0x7];
	s8 =	sadd.s32 $0x1, s8  }
0x1f: {  	p1 =	sne.s32 s8, s30  }
.Ltmp1:
0x20: {  	_ = 	snop;
	(pc) =	sbr.rel @!p1 .LBB2_28-.Ltmp1, $3  }
0x21: {  	_ =	sdelay $0x1  }
0x22: {  	[sflag:s7] =	ssyncset.done $0x0  }
0x23: {  	[sflag:s7] =	ssyncadd.s32 $0xFFFFF800  }
.LBB2_1:
0x24: {  	[dreg:$0xe] =	wrdreg s8  }
0x25: {  	s2 =	rddreg [dreg:$0x4]  }
0x26: {  	s7 =	rddreg [dreg:$0x5]  }
0x27: {  	s29 =	rddreg [dreg:$0xd]  }
0x28: {  	[spmem:s29], [sflag:s7] =	dma.local [hbm:s2], $0x30E0  }
0x29: {  	_ =	swait.ge [sflag:s17], $0x30E0  }
0x2a: {  	[sflag:s17] =	ssyncset.done $0x0  }
0x2b: {  	[sflag:s17] =	ssyncadd.s32 $0xFFFFCF20  }
0x2c: {  	[bflag:$0x0] =	sbarrier.arrive $0xFFFF  }
0x2d: {  	s30 =	rddreg [dreg:$0x6]  }
0x2e: {  	[tilespmem:s4], [sflag:$0x7] =	stream.linear.gather [hbm4b:s30+s4], $0x800, $0x38;
	[tilespmem:$0x1E980] =	vst v63  }
0x2f: {  	_ =	swait.ge [sflag:s17], $0x800  }
0x30: {  	s15 =	rddreg [dreg:$0xc]  }
.Ltmp2:
0x31: {  	s14 =	rddreg [dreg:$0xb];
	(pc) =	sbr.rel .LBB2_2-.Ltmp2, $4  }
0x32: {  	s13 =	rddreg [dreg:$0xa]  }
0x33: {  	[sflag:s17] =	ssyncset.done $0x0;
	s12 =	rddreg [dreg:$0x9]  }
0x34: {  	s16 =	simm.s32 $0x0;
	s11 =	rddreg [dreg:$0x8];
	[sflag:s17] =	ssyncadd.s32 $0xFFFFF800  }
0x35: {  	[tilespmem:s19], [sflag:$0x1] =	stream.indirect.gather [spmem:s3], $0x10, s4, s18, $0xb8;
	[tilespmem:$0x1E980] =	vst v63  }
.LBB2_16:
0x36: {  	_ =	sdelay $0x3  }
0x37: {  	v7 =	vld.idx.msk [tilespmem:v7+s23+$0x0], $0xffff;
	_ =	sdelay $0x2  }
0x38: {  	v3 =	vsub.f32 v5, v3;
	v2 =	vsub.f32 v6, v2;
	_ =	sdelay $0x1  }
0x39: {  	v3 =	vmul.f32 v3, v3;
	v2 =	vmul.f32 v2, v2;
	v4 =	vsub.f32 v7, v4;
	_ =	sdelay $0x1  }
0x3a: {  	v2 =	vadd.f32 v2, v3;
	v4 =	vmul.f32 v4, v4  }
0x3b: {  	v3 =	vor.u32 v0, v8  }
0x3c: {  	v54 =	vor.u32 $0x1, v3;
	v2 =	vadd.f32 v4, v2;
	_ =	sdelay $0x1  }
0x3d: {  	s2 =	sshra.s32 s29, $0x2;
	v55 =	vor.u32 $0x2, v3;
	[tilespmem:s7+$0x0] =	vst v2  }
0x3e: {  	v1 =	vld.idx.msk [tilespmem:v1+s2+$0x0 ss:$0x1], $0xffff  }
0x3f: {  	v2 =	vld.idx.msk [tilespmem:v3+s23+$0x0], $0xffff  }
0x40: {  	v3 =	vld.idx.msk [tilespmem:v54+s23+$0x0], $0xffff;
	_ =	sdelay $0x1  }
0x41: {  	v4 =	vld.idx.msk [tilespmem:v55+s23+$0x0], $0xffff  }
0x42: {  	v56 =	vbroadcast v1, $0x0;
	v57 =	vbroadcast v1, $0x1;
	_ =	sdelay $0x1  }
0x43: {  	s7 =	sadd.s32 $0x10, s29;
	v1 =	vbroadcast v1, $0x2;
	v2 =	vsub.f32 v2, v56;
	v3 =	vsub.f32 v3, v57  }
0x44: {  	v58 =	vmov s7  }
0x45: {  	v4 =	vsub.f32 v4, v1;
	v2 =	vmul.f32 v2, v2;
	v3 =	vmul.f32 v3, v3  }
0x46: {  	v7 =	vshll.u32 v58, $0x4  }
0x47: {  	v7 =	vor.u32 v0, v7;
	v2 =	vadd.f32 v3, v2;
	v3 =	vmul.f32 v4, v4  }
0x48: {  	v59 =	vor.u32 $0x1, v7  }
0x49: {  	v2 =	vadd.f32 v3, v2  }
0x4a: {  	s8 =	sadd.s32 $0x40, s9;
	v3 =	vor.u32 $0x2, v7  }
0x4b: {  	[tilespmem:s8+$0xFFFFFFD0] =	vst v2  }
0x4c: {  	v2 =	vld.idx.msk [tilespmem:v7+s23+$0x0], $0xffff  }
0x4d: {  	v4 =	vld.idx.msk [tilespmem:v59+s23+$0x0], $0xffff;
	_ =	sdelay $0x1  }
0x4e: {  	v3 =	vld.idx.msk [tilespmem:v3+s23+$0x0], $0xffff;
	_ =	sdelay $0x2  }
0x4f: {  	s9 =	sadd.s32 $0x20, s29;
	v2 =	vsub.f32 v2, v56;
	v4 =	vsub.f32 v4, v57  }
0x50: {  	v60 =	vmov s9  }
0x51: {  	v2 =	vmul.f32 v2, v2;
	v3 =	vsub.f32 v3, v1;
	v4 =	vmul.f32 v4, v4  }
0x52: {  	v7 =	vshll.u32 v60, $0x4  }
0x53: {  	v7 =	vor.u32 v0, v7;
	v2 =	vadd.f32 v4, v2;
	v3 =	vmul.f32 v3, v3  }
0x54: {  	v61 =	vor.u32 $0x1, v7  }
0x55: {  	v2 =	vadd.f32 v3, v2  }
0x56: {  	v3 =	vor.u32 $0x2, v7  }
0x57: {  	[tilespmem:s8+$0xFFFFFFE0] =	vst v2  }
0x58: {  	v2 =	vld.idx.msk [tilespmem:v7+s23+$0x0], $0xffff  }
0x59: {  	v4 =	vld.idx.msk [tilespmem:v61+s23+$0x0], $0xffff;
	_ =	sdelay $0x1  }
0x5a: {  	v3 =	vld.idx.msk [tilespmem:v3+s23+$0x0], $0xffff;
	_ =	sdelay $0x2  }
0x5b: {  	s22 =	sadd.s32 $0x30, s29;
	v2 =	vsub.f32 v2, v56;
	v4 =	vsub.f32 v4, v57  }
0x5c: {  	v62 =	vmov s22  }
0x5d: {  	v2 =	vmul.f32 v2, v2;
	v3 =	vsub.f32 v3, v1;
	v4 =	vmul.f32 v4, v4  }
0x5e: {  	v7 =	vshll.u32 v62, $0x4  }
0x5f: {  	v7 =	vor.u32 v0, v7;
	v2 =	vadd.f32 v4, v2;
	v3 =	vmul.f32 v3, v3  }
0x60: {  	v63 =	vor.u32 $0x1, v7  }
0x61: {  	v2 =	vadd.f32 v3, v2  }
0x62: {  	v3 =	vor.u32 $0x2, v7  }
0x63: {  	[tilespmem:s8+$0xFFFFFFF0] =	vst v2  }
0x64: {  	v2 =	vld.idx.msk [tilespmem:v7+s23+$0x0], $0xffff  }
0x65: {  	v4 =	vld.idx.msk [tilespmem:v63+s23+$0x0], $0xffff;
	_ =	sdelay $0x1  }
0x66: {  	v3 =	vld.idx.msk [tilespmem:v3+s23+$0x0], $0xffff;
	_ =	sdelay $0x2  }
0x67: {  	v2 =	vsub.f32 v2, v56;
	v4 =	vsub.f32 v4, v57;
	_ =	sdelay $0x1  }
0x68: {  	v1 =	vsub.f32 v3, v1;
	v2 =	vmul.f32 v2, v2;
	v3 =	vmul.f32 v4, v4;
	_ =	sdelay $0x1  }
0x69: {  	v1 =	vmul.f32 v1, v1;
	v2 =	vadd.f32 v3, v2;
	_ =	sdelay $0x1  }
0x6a: {  	v1 =	vadd.f32 v1, v2  }
0x6b: {  	s29 =	sshll.u32 s10, $0x3  }
0x6c: {  	s30 =	sadd.s32 s5, s29;
	[tilespmem:s8+$0x0] =	vst v1  }
0x6d: {  	[hbm4b:s30+s4] =	stream.linear.scatter [tilespmem:s0], [sflag:$0x5], $0x800, $0x38;
	[tilespmem:$0x1E980] =	vst v63  }
.LBB2_26:
0x6e: {  	s16 =	sadd.s32 $0x1, s16  }
0x6f: {  	p1 =	sne.s32 s16, $0x64  }
.Ltmp3:
0x70: {  	_ = 	snop;
	(pc) =	sbr.rel @!p1 .LBB2_27-.Ltmp3, $3  }
0x71: {  	_ =	sdelay $0x1  }
0x72: {  	s11 =	sadd.s32 $0x200, s11;
	s12 =	sadd.s32 $0x4, s12  }
0x73: {  	s13 =	sadd.s32 $0x200, s13;
	s14 =	sadd.s32 $0x200, s14;
	s15 =	sadd.s32 $0x200, s15  }
.LBB2_2:
0x74: {  	p1 =	seq.s32 s16, $0x63  }
.Ltmp4:
0x75: {  	_ = 	snop;
	(pc) =	sbr.rel @!p1 .LBB2_3-.Ltmp4, $3  }
0x76: {  	_ =	sdelay $0x1  }
0x77: {  	s2 =	sshll.u32 s16, $0x5  }
0x78: {  	p2 =	por $0x1, $0x1;
	s10 =	sadd.s32 s6, s2;
	s2 =	simm.s32 $0x6  }
.LBB2_6:
0x79: {  	_ =	swait.ge [sflag:s2], $0x800  }
0x7a: {  	[sflag:s2] =	ssyncset.done $0x0  }
0x7b: {  	[sflag:s2] =	ssyncadd.s32 $0xFFFFF800  }
.LBB2_7:
0x7c: {  	p3 =	seq.s32 s10, $0x0  }
0x7d: {  	p3 =	por !p0, !p3  }
0x7e: {  	s2 =	simm.s32 $0x1;
	p3 =	por !p3, !p3  }
0x7f: {  	s7 =	sshrl.u32 s10, $0x3;
	s2 =	simm.s32 @!p3 $0x0  }
0x80: {  	s2 =	ssub.s32 s7, s2  }
0x81: {  	s2 =	sshll.u32 s2, $0x9  }
0x82: {  	s2 =	sshra.s32 s2, $0x2  }
0x83: {  	s2 =	sadd.s32 s2, s3  }
0x84: {  	[tilespmem:s21], [sflag:$0x7] =	stream.linear.gather [spmem:s2], $0x280, $0x38;
	[tilespmem:$0x1E980] =	vst v63  }
0x85: {  	s2 =	simm.s32 $0xFFFFFFFF  }
0x86: {  	s2 =	simm.s32 @!p3 $0x0  }
0x87: {  	s2 =	sadd.s32 s2, s12  }
.Ltmp5:
0x88: {  	s2 =	sshll.u32 s2, $0x9;
	(pc) =	sbr.rel @!p2 .LBB2_8-.Ltmp5, $4  }
0x89: {  	s2 =	ssub.s32 $0x0, s2  }
0x8a: {  	s29 =	simm.s32 $0x0;
	_ =	swait.ge [sflag:s17], $0x280;
	s9 =	sshra.s32 s2, $0x2  }
0x8b: {  	v2 =	vmov s29;
	[sflag:s17] =	ssyncset.done $0x0;
	s30 =	sadd.s32 s9, s11  }
0x8c: {  	v2 =	vshll.u32 v2, $0x4;
	[sflag:s17] =	ssyncadd.s32 $0xFFFFFD80;
	v1 =	vmov s30  }
0x8d: {  	s2 =	simm.s32 $0xA00  }
0x8e: {  	v2 =	vor.u32 v0, v2;
	[tilespmem:s23], [sflag:$0x2] =	stream.indirect.gather [spmem:s3], $0x10, s2, s18, $0xb8;
	[tilespmem:$0x1E980] =	vst v63  }
0x8f: {  	v3 =	vor.u32 $0x1, v2;
	_ =	swait.ge [sflag:s20], $0x2000  }
0x90: {  	[sflag:s20] =	ssyncset.done $0x0  }
0x91: {  	s22 =	simm.s32 $0x0;
	v4 =	vor.u32 $0x2, v2;
	[sflag:s20] =	ssyncadd.s32 $0xFFFFE000  }
0x92: {  	v5 =	vld.idx.msk [tilespmem:v1+s22+$0x0 ss:$0x1], $0xffff  }
0x93: {  	v6 =	vld.idx.msk [tilespmem:v2+s19+$0x0], $0xffff  }
0x94: {  	v7 =	vld.idx.msk [tilespmem:v3+s19+$0x0], $0xffff;
	_ =	sdelay $0x1  }
0x95: {  	v8 =	vld.idx.msk [tilespmem:v4+s19+$0x0], $0xffff  }
0x96: {  	v3 =	vbroadcast v5, $0x0;
	v2 =	vbroadcast v5, $0x1;
	_ =	sdelay $0x1  }
0x97: {  	s7 =	simm.s32 $0x10;
	v4 =	vbroadcast v5, $0x2;
	v5 =	vsub.f32 v6, v3;
	v6 =	vsub.f32 v7, v2  }
0x98: {  	v7 =	vmov s7  }
0x99: {  	v8 =	vsub.f32 v8, v4;
	v5 =	vmul.f32 v5, v5;
	v6 =	vmul.f32 v6, v6  }
0x9a: {  	v7 =	vshll.u32 v7, $0x4  }
0x9b: {  	v7 =	vor.u32 v0, v7;
	v5 =	vadd.f32 v6, v5;
	v6 =	vmul.f32 v8, v8  }
0x9c: {  	v8 =	vor.u32 $0x1, v7  }
0x9d: {  	v5 =	vadd.f32 v6, v5  }
0x9e: {  	s29 =	simm.s32 $0x5AA0;
	v6 =	vor.u32 $0x2, v7  }
0x9f: {  	[tilespmem:s29+$0xFFFFFFE0] =	vst v5  }
0xa0: {  	v5 =	vld.idx.msk [tilespmem:v7+s19+$0x0], $0xffff  }
0xa1: {  	v7 =	vld.idx.msk [tilespmem:v8+s19+$0x0], $0xffff;
	_ =	sdelay $0x1  }
0xa2: {  	v6 =	vld.idx.msk [tilespmem:v6+s19+$0x0], $0xffff;
	_ =	sdelay $0x2  }
0xa3: {  	s8 =	simm.s32 $0x20;
	v5 =	vsub.f32 v5, v3;
	v7 =	vsub.f32 v7, v2  }
0xa4: {  	v8 =	vmov s8  }
0xa5: {  	v5 =	vmul.f32 v5, v5;
	v6 =	vsub.f32 v6, v4;
	v7 =	vmul.f32 v7, v7  }
0xa6: {  	v8 =	vshll.u32 v8, $0x4  }
0xa7: {  	v8 =	vor.u32 v0, v8;
	v5 =	vadd.f32 v7, v5;
	v6 =	vmul.f32 v6, v6  }
0xa8: {  	v7 =	vor.u32 $0x1, v8  }
0xa9: {  	v5 =	vadd.f32 v6, v5  }
0xaa: {  	v6 =	vor.u32 $0x2, v8  }
0xab: {  	[tilespmem:s29+$0xFFFFFFF0] =	vst v5  }
0xac: {  	v5 =	vld.idx.msk [tilespmem:v8+s19+$0x0], $0xffff  }
0xad: {  	v7 =	vld.idx.msk [tilespmem:v7+s19+$0x0], $0xffff;
	_ =	sdelay $0x1  }
0xae: {  	v6 =	vld.idx.msk [tilespmem:v6+s19+$0x0], $0xffff;
	_ =	sdelay $0x2  }
0xaf: {  	s22 =	simm.s32 $0x30;
	v5 =	vsub.f32 v5, v3;
	v7 =	vsub.f32 v7, v2  }
0xb0: {  	v8 =	vmov s22  }
0xb1: {  	v5 =	vmul.f32 v5, v5;
	v6 =	vsub.f32 v6, v4;
	v7 =	vmul.f32 v7, v7  }
0xb2: {  	v8 =	vshll.u32 v8, $0x4  }
0xb3: {  	v8 =	vor.u32 v0, v8;
	v5 =	vadd.f32 v7, v5;
	v6 =	vmul.f32 v6, v6  }
0xb4: {  	v9 =	vor.u32 $0x1, v8  }
0xb5: {  	v5 =	vadd.f32 v6, v5  }
0xb6: {  	v7 =	vor.u32 $0x2, v8  }
0xb7: {  	s30 =	simm.s32 $0x40;
	[tilespmem:s29+$0x0] =	vst v5  }
0xb8: {  	v6 =	vmov s30;
	v5 =	vld.idx.msk [tilespmem:v8+s19+$0x0], $0xffff  }
0xb9: {  	s7 =	simm.s32 $0x5AA0;
	s8 =	simm.s32 $0x80;
	v8 =	vshll.u32 v6, $0x4;
	v6 =	vld.idx.msk [tilespmem:v9+s19+$0x0], $0xffff  }
.LBB2_18:
0xba: {  	p2 =	sne.s32 s8, $0x1C0  }
0xbb: {  	v8 =	vor.u32 v0, v8;
	v7 =	vld.idx.msk [tilespmem:v7+s19+$0x0], $0xffff;
	s29 =	sadd.s32 $0x40, s29;
	s2 =	smov.u32 s8;
	s8 =	sadd.s32 $0x40, s8  }
0xbc: {  	v9 =	vor.u32 $0x1, v8;
	_ =	sdelay $0x2  }
0xbd: {  	v3 =	vsub.f32 v5, v3  }
0xbe: {  	v2 =	vsub.f32 v6, v2  }
0xbf: {  	v4 =	vsub.f32 v7, v4;
	v3 =	vmul.f32 v3, v3  }
0xc0: {  	v2 =	vmul.f32 v2, v2  }
0xc1: {  	v4 =	vmul.f32 v4, v4  }
0xc2: {  	v5 =	vor.u32 $0x2, v8;
	v2 =	vadd.f32 v2, v3  }
0xc3: {  	s22 =	sshra.s32 s30, $0x2  }
0xc4: {  	v2 =	vadd.f32 v4, v2;
	_ =	sdelay $0x1  }
0xc5: {  	[tilespmem:s7+$0x10] =	vst v2;
	s7 =	smov.u32 s29  }
0xc6: {  	v4 =	vld.idx.msk [tilespmem:v1+s22+$0x0 ss:$0x1], $0xffff  }
0xc7: {  	v6 =	vld.idx.msk [tilespmem:v8+s19+$0x0], $0xffff  }
0xc8: {  	v7 =	vld.idx.msk [tilespmem:v9+s19+$0x0], $0xffff  }
0xc9: {  	v5 =	vld.idx.msk [tilespmem:v5+s19+$0x0], $0xffff;
	_ =	sdelay $0x2  }
0xca: {  	s22 =	sadd.s32 $0x10, s30;
	v3 =	vbroadcast v4, $0x0;
	v2 =	vbroadcast v4, $0x1  }
0xcb: {  	v8 =	vmov s22;
	v4 =	vbroadcast v4, $0x2  }
0xcc: {  	v8 =	vshll.u32 v8, $0x4;
	v6 =	vsub.f32 v6, v3;
	v7 =	vsub.f32 v7, v2  }
0xcd: {  	v8 =	vor.u32 v0, v8;
	v5 =	vsub.f32 v5, v4  }
0xce: {  	v9 =	vor.u32 $0x1, v8;
	v6 =	vmul.f32 v6, v6;
	v7 =	vmul.f32 v7, v7;
	_ =	sdelay $0x1  }
0xcf: {  	v5 =	vmul.f32 v5, v5;
	v6 =	vadd.f32 v7, v6;
	v7 =	vor.u32 $0x2, v8;
	_ =	sdelay $0x1  }
0xd0: {  	v5 =	vadd.f32 v5, v6;
	_ =	sdelay $0x1  }
0xd1: {  	[tilespmem:s29+$0xFFFFFFE0] =	vst v5  }
0xd2: {  	v5 =	vld.idx.msk [tilespmem:v8+s19+$0x0], $0xffff  }
0xd3: {  	v6 =	vld.idx.msk [tilespmem:v9+s19+$0x0], $0xffff;
	_ =	sdelay $0x1  }
0xd4: {  	v7 =	vld.idx.msk [tilespmem:v7+s19+$0x0], $0xffff;
	_ =	sdelay $0x1  }
0xd5: {  	s22 =	sadd.s32 $0x20, s30  }
0xd6: {  	v5 =	vsub.f32 v5, v3  }
0xd7: {  	v8 =	vmov s22;
	v6 =	vsub.f32 v6, v2  }
0xd8: {  	v8 =	vshll.u32 v8, $0x4;
	v5 =	vmul.f32 v5, v5  }
0xd9: {  	v8 =	vor.u32 v0, v8;
	v7 =	vsub.f32 v7, v4;
	v6 =	vmul.f32 v6, v6  }
0xda: {  	v9 =	vor.u32 $0x1, v8  }
0xdb: {  	v5 =	vadd.f32 v6, v5;
	v6 =	vmul.f32 v7, v7;
	_ =	sdelay $0x1  }
0xdc: {  	v5 =	vadd.f32 v6, v5  }
0xdd: {  	v6 =	vor.u32 $0x2, v8  }
0xde: {  	[tilespmem:s29+$0xFFFFFFF0] =	vst v5  }
0xdf: {  	v5 =	vld.idx.msk [tilespmem:v8+s19+$0x0], $0xffff  }
0xe0: {  	v7 =	vld.idx.msk [tilespmem:v9+s19+$0x0], $0xffff;
	_ =	sdelay $0x1  }
0xe1: {  	v6 =	vld.idx.msk [tilespmem:v6+s19+$0x0], $0xffff;
	_ =	sdelay $0x2  }
0xe2: {  	v5 =	vsub.f32 v5, v3  }
0xe3: {  	s22 =	sadd.s32 $0x30, s30;
	s30 =	smov.u32 s2;
	v7 =	vsub.f32 v7, v2  }
0xe4: {  	v8 =	vmov s22;
	v5 =	vmul.f32 v5, v5  }
0xe5: {  	v8 =	vshll.u32 v8, $0x4;
	v6 =	vsub.f32 v6, v4;
	v7 =	vmul.f32 v7, v7  }
0xe6: {  	v8 =	vor.u32 v0, v8  }
0xe7: {  	v9 =	vor.u32 $0x1, v8;
	v5 =	vadd.f32 v7, v5;
	v6 =	vmul.f32 v6, v6;
	_ =	sdelay $0x1  }
.Ltmp6:
0xe8: {  	v7 =	vor.u32 $0x2, v8;
	v5 =	vadd.f32 v6, v5;
	(pc) =	sbr.rel @p2 .LBB2_18-.Ltmp6, $4  }
0xe9: {  	_ = 	snop  }
0xea: {  	[tilespmem:s29+$0x0] =	vst v5  }
0xeb: {  	v6 =	vmov s30;
	v5 =	vld.idx.msk [tilespmem:v8+s19+$0x0], $0xffff  }
0xec: {  	v8 =	vshll.u32 v6, $0x4;
	v6 =	vld.idx.msk [tilespmem:v9+s19+$0x0], $0xffff  }
0xed: {  	_ =	sdelay $0x3  }
0xee: {  	v7 =	vld.idx.msk [tilespmem:v7+s19+$0x0], $0xffff;
	_ =	sdelay $0x2  }
0xef: {  	v3 =	vsub.f32 v5, v3;
	v2 =	vsub.f32 v6, v2;
	_ =	sdelay $0x1  }
0xf0: {  	v4 =	vsub.f32 v7, v4;
	v3 =	vmul.f32 v3, v3;
	v2 =	vmul.f32 v2, v2;
	_ =	sdelay $0x1  }
0xf1: {  	v4 =	vmul.f32 v4, v4;
	v2 =	vadd.f32 v2, v3  }
0xf2: {  	v3 =	vor.u32 v0, v8  }
0xf3: {  	v5 =	vor.u32 $0x1, v3;
	v2 =	vadd.f32 v4, v2;
	_ =	sdelay $0x1  }
0xf4: {  	s2 =	sshra.s32 s30, $0x2;
	v4 =	vor.u32 $0x2, v3;
	[tilespmem:s7+$0x10] =	vst v2  }
0xf5: {  	v1 =	vld.idx.msk [tilespmem:v1+s2+$0x0 ss:$0x1], $0xffff  }
0xf6: {  	v2 =	vld.idx.msk [tilespmem:v3+s19+$0x0], $0xffff  }
0xf7: {  	v3 =	vld.idx.msk [tilespmem:v5+s19+$0x0], $0xffff;
	_ =	sdelay $0x1  }
0xf8: {  	v4 =	vld.idx.msk [tilespmem:v4+s19+$0x0], $0xffff  }
0xf9: {  	v5 =	vbroadcast v1, $0x0;
	v6 =	vbroadcast v1, $0x1;
	_ =	sdelay $0x1  }
0xfa: {  	s8 =	sadd.s32 $0x10, s30;
	v1 =	vbroadcast v1, $0x2;
	v2 =	vsub.f32 v2, v5;
	v3 =	vsub.f32 v3, v6  }
0xfb: {  	v7 =	vmov s8  }
0xfc: {  	v4 =	vsub.f32 v4, v1;
	v2 =	vmul.f32 v2, v2;
	v3 =	vmul.f32 v3, v3  }
0xfd: {  	v7 =	vshll.u32 v7, $0x4  }
0xfe: {  	v7 =	vor.u32 v0, v7;
	v2 =	vadd.f32 v3, v2;
	v3 =	vmul.f32 v4, v4  }
0xff: {  	v4 =	vor.u32 $0x1, v7  }
0x100: {  	v2 =	vadd.f32 v3, v2  }
0x101: {  	s2 =	sadd.s32 $0x40, s29;
	v3 =	vor.u32 $0x2, v7  }
0x102: {  	[tilespmem:s2+$0xFFFFFFE0] =	vst v2  }
0x103: {  	v2 =	vld.idx.msk [tilespmem:v7+s19+$0x0], $0xffff  }
0x104: {  	v4 =	vld.idx.msk [tilespmem:v4+s19+$0x0], $0xffff;
	_ =	sdelay $0x1  }
0x105: {  	v3 =	vld.idx.msk [tilespmem:v3+s19+$0x0], $0xffff;
	_ =	sdelay $0x2  }
0x106: {  	s22 =	sadd.s32 $0x20, s30;
	v2 =	vsub.f32 v2, v5;
	v4 =	vsub.f32 v4, v6  }
0x107: {  	v7 =	vmov s22  }
0x108: {  	v2 =	vmul.f32 v2, v2;
	v3 =	vsub.f32 v3, v1;
	v4 =	vmul.f32 v4, v4  }
0x109: {  	v7 =	vshll.u32 v7, $0x4  }
0x10a: {  	v7 =	vor.u32 v0, v7;
	v2 =	vadd.f32 v4, v2;
	v3 =	vmul.f32 v3, v3  }
0x10b: {  	v4 =	vor.u32 $0x1, v7  }
0x10c: {  	v2 =	vadd.f32 v3, v2  }
0x10d: {  	v3 =	vor.u32 $0x2, v7  }
0x10e: {  	[tilespmem:s2+$0xFFFFFFF0] =	vst v2  }
0x10f: {  	v2 =	vld.idx.msk [tilespmem:v7+s19+$0x0], $0xffff  }
0x110: {  	v4 =	vld.idx.msk [tilespmem:v4+s19+$0x0], $0xffff;
	_ =	sdelay $0x1  }
0x111: {  	v3 =	vld.idx.msk [tilespmem:v3+s19+$0x0], $0xffff;
	_ =	sdelay $0x2  }
0x112: {  	s8 =	sadd.s32 $0x30, s30;
	v2 =	vsub.f32 v2, v5;
	v4 =	vsub.f32 v4, v6  }
0x113: {  	v7 =	vmov s8  }
0x114: {  	v2 =	vmul.f32 v2, v2;
	v3 =	vsub.f32 v3, v1;
	v4 =	vmul.f32 v4, v4  }
0x115: {  	v7 =	vshll.u32 v7, $0x4  }
0x116: {  	v7 =	vor.u32 v0, v7;
	v2 =	vadd.f32 v4, v2;
	v3 =	vmul.f32 v3, v3  }
0x117: {  	v4 =	vor.u32 $0x1, v7  }
0x118: {  	v2 =	vadd.f32 v3, v2  }
0x119: {  	v3 =	vor.u32 $0x2, v7  }
0x11a: {  	[tilespmem:s2+$0x0] =	vst v2  }
0x11b: {  	v2 =	vld.idx.msk [tilespmem:v7+s19+$0x0], $0xffff  }
0x11c: {  	v4 =	vld.idx.msk [tilespmem:v4+s19+$0x0], $0xffff;
	_ =	sdelay $0x1  }
0x11d: {  	v3 =	vld.idx.msk [tilespmem:v3+s19+$0x0], $0xffff;
	_ =	sdelay $0x2  }
0x11e: {  	v2 =	vsub.f32 v2, v5;
	v4 =	vsub.f32 v4, v6;
	_ =	sdelay $0x1  }
0x11f: {  	v1 =	vsub.f32 v3, v1;
	v2 =	vmul.f32 v2, v2;
	v3 =	vmul.f32 v4, v4;
	_ =	sdelay $0x1  }
0x120: {  	v1 =	vmul.f32 v1, v1;
	v2 =	vadd.f32 v3, v2;
	_ =	sdelay $0x1  }
0x121: {  	s22 =	simm.s32 $0x0;
	v1 =	vadd.f32 v1, v2  }
0x122: {  	s8 =	sadd.s32 s9, s13;
	v2 =	vmov s22  }
0x123: {  	v2 =	vshll.u32 v2, $0x4;
	[tilespmem:s2+$0x10] =	vst v1;
	v1 =	vmov s8;
	s8 =	simm.s32 $0xC00  }
0x124: {  	v2 =	vor.u32 v0, v2;
	[tilespmem:s19], [sflag:$0x1] =	stream.indirect.gather [spmem:s3], $0x10, s8, s18, $0xb8;
	[tilespmem:$0x1E980] =	vst v63  }
0x125: {  	v3 =	vor.u32 $0x1, v2;
	_ =	swait.ge [sflag:s25], $0x2000  }
0x126: {  	[sflag:s25] =	ssyncset.done $0x0  }
0x127: {  	s22 =	simm.s32 $0x0;
	v4 =	vor.u32 $0x2, v2;
	[sflag:s25] =	ssyncadd.s32 $0xFFFFE000  }
0x128: {  	v5 =	vld.idx.msk [tilespmem:v1+s22+$0x0 ss:$0x1], $0xffff  }
0x129: {  	v6 =	vld.idx.msk [tilespmem:v2+s23+$0x0], $0xffff  }
0x12a: {  	v7 =	vld.idx.msk [tilespmem:v3+s23+$0x0], $0xffff;
	_ =	sdelay $0x1  }
0x12b: {  	v8 =	vld.idx.msk [tilespmem:v4+s23+$0x0], $0xffff  }
0x12c: {  	v3 =	vbroadcast v5, $0x0;
	v2 =	vbroadcast v5, $0x1;
	_ =	sdelay $0x1  }
0x12d: {  	s7 =	simm.s32 $0x10;
	v4 =	vbroadcast v5, $0x2;
	v5 =	vsub.f32 v6, v3;
	v6 =	vsub.f32 v7, v2  }
0x12e: {  	v7 =	vmov s7  }
0x12f: {  	v8 =	vsub.f32 v8, v4;
	v5 =	vmul.f32 v5, v5;
	v6 =	vmul.f32 v6, v6  }
0x130: {  	v7 =	vshll.u32 v7, $0x4  }
0x131: {  	v7 =	vor.u32 v0, v7;
	v5 =	vadd.f32 v6, v5;
	v6 =	vmul.f32 v8, v8  }
0x132: {  	v8 =	vor.u32 $0x1, v7  }
0x133: {  	v5 =	vadd.f32 v6, v5  }
0x134: {  	s29 =	simm.s32 $0x5CB0;
	v6 =	vor.u32 $0x2, v7  }
0x135: {  	[tilespmem:s29+$0xFFFFFFD0] =	vst v5  }
0x136: {  	v5 =	vld.idx.msk [tilespmem:v7+s23+$0x0], $0xffff  }
0x137: {  	v7 =	vld.idx.msk [tilespmem:v8+s23+$0x0], $0xffff;
	_ =	sdelay $0x1  }
0x138: {  	v6 =	vld.idx.msk [tilespmem:v6+s23+$0x0], $0xffff;
	_ =	sdelay $0x2  }
0x139: {  	s8 =	simm.s32 $0x20;
	v5 =	vsub.f32 v5, v3;
	v7 =	vsub.f32 v7, v2  }
0x13a: {  	v8 =	vmov s8  }
0x13b: {  	v5 =	vmul.f32 v5, v5;
	v6 =	vsub.f32 v6, v4;
	v7 =	vmul.f32 v7, v7  }
0x13c: {  	v8 =	vshll.u32 v8, $0x4  }
0x13d: {  	v8 =	vor.u32 v0, v8;
	v5 =	vadd.f32 v7, v5;
	v6 =	vmul.f32 v6, v6  }
0x13e: {  	v7 =	vor.u32 $0x1, v8  }
0x13f: {  	v5 =	vadd.f32 v6, v5  }
0x140: {  	v6 =	vor.u32 $0x2, v8  }
0x141: {  	[tilespmem:s29+$0xFFFFFFE0] =	vst v5  }
0x142: {  	v5 =	vld.idx.msk [tilespmem:v8+s23+$0x0], $0xffff  }
0x143: {  	v7 =	vld.idx.msk [tilespmem:v7+s23+$0x0], $0xffff;
	_ =	sdelay $0x1  }
0x144: {  	v6 =	vld.idx.msk [tilespmem:v6+s23+$0x0], $0xffff;
	_ =	sdelay $0x2  }
0x145: {  	s22 =	simm.s32 $0x30;
	v5 =	vsub.f32 v5, v3;
	v7 =	vsub.f32 v7, v2  }
0x146: {  	v8 =	vmov s22  }
0x147: {  	v5 =	vmul.f32 v5, v5;
	v6 =	vsub.f32 v6, v4;
	v7 =	vmul.f32 v7, v7  }
0x148: {  	v8 =	vshll.u32 v8, $0x4  }
0x149: {  	v8 =	vor.u32 v0, v8;
	v5 =	vadd.f32 v7, v5;
	v6 =	vmul.f32 v6, v6  }
0x14a: {  	v9 =	vor.u32 $0x1, v8  }
0x14b: {  	v5 =	vadd.f32 v6, v5  }
0x14c: {  	v7 =	vor.u32 $0x2, v8  }
0x14d: {  	s30 =	simm.s32 $0x40;
	[tilespmem:s29+$0xFFFFFFF0] =	vst v5  }
0x14e: {  	v6 =	vmov s30;
	v5 =	vld.idx.msk [tilespmem:v8+s23+$0x0], $0xffff  }
0x14f: {  	s7 =	simm.s32 $0x5CB0;
	s8 =	simm.s32 $0x80;
	v8 =	vshll.u32 v6, $0x4;
	v6 =	vld.idx.msk [tilespmem:v9+s23+$0x0], $0xffff  }
.LBB2_20:
0x150: {  	p2 =	sne.s32 s8, $0x1C0  }
0x151: {  	v8 =	vor.u32 v0, v8;
	v7 =	vld.idx.msk [tilespmem:v7+s23+$0x0], $0xffff;
	s29 =	sadd.s32 $0x40, s29;
	s2 =	smov.u32 s8;
	s8 =	sadd.s32 $0x40, s8  }
0x152: {  	v9 =	vor.u32 $0x1, v8;
	_ =	sdelay $0x2  }
0x153: {  	v3 =	vsub.f32 v5, v3  }
0x154: {  	v2 =	vsub.f32 v6, v2  }
0x155: {  	v4 =	vsub.f32 v7, v4;
	v3 =	vmul.f32 v3, v3  }
0x156: {  	v2 =	vmul.f32 v2, v2  }
0x157: {  	v4 =	vmul.f32 v4, v4  }
0x158: {  	v5 =	vor.u32 $0x2, v8;
	v2 =	vadd.f32 v2, v3  }
0x159: {  	s22 =	sshra.s32 s30, $0x2  }
0x15a: {  	v2 =	vadd.f32 v4, v2;
	_ =	sdelay $0x1  }
0x15b: {  	[tilespmem:s7+$0x0] =	vst v2;
	s7 =	smov.u32 s29  }
0x15c: {  	v4 =	vld.idx.msk [tilespmem:v1+s22+$0x0 ss:$0x1], $0xffff  }
0x15d: {  	v6 =	vld.idx.msk [tilespmem:v8+s23+$0x0], $0xffff  }
0x15e: {  	v7 =	vld.idx.msk [tilespmem:v9+s23+$0x0], $0xffff  }
0x15f: {  	v5 =	vld.idx.msk [tilespmem:v5+s23+$0x0], $0xffff;
	_ =	sdelay $0x2  }
0x160: {  	s22 =	sadd.s32 $0x10, s30;
	v3 =	vbroadcast v4, $0x0;
	v2 =	vbroadcast v4, $0x1  }
0x161: {  	v8 =	vmov s22;
	v4 =	vbroadcast v4, $0x2  }
0x162: {  	v8 =	vshll.u32 v8, $0x4;
	v6 =	vsub.f32 v6, v3;
	v7 =	vsub.f32 v7, v2  }
0x163: {  	v8 =	vor.u32 v0, v8;
	v5 =	vsub.f32 v5, v4  }
0x164: {  	v9 =	vor.u32 $0x1, v8;
	v6 =	vmul.f32 v6, v6;
	v7 =	vmul.f32 v7, v7;
	_ =	sdelay $0x1  }
0x165: {  	v5 =	vmul.f32 v5, v5;
	v6 =	vadd.f32 v7, v6;
	v7 =	vor.u32 $0x2, v8;
	_ =	sdelay $0x1  }
0x166: {  	v5 =	vadd.f32 v5, v6;
	_ =	sdelay $0x1  }
0x167: {  	[tilespmem:s29+$0xFFFFFFD0] =	vst v5  }
0x168: {  	v5 =	vld.idx.msk [tilespmem:v8+s23+$0x0], $0xffff  }
0x169: {  	v6 =	vld.idx.msk [tilespmem:v9+s23+$0x0], $0xffff;
	_ =	sdelay $0x1  }
0x16a: {  	v7 =	vld.idx.msk [tilespmem:v7+s23+$0x0], $0xffff;
	_ =	sdelay $0x1  }
0x16b: {  	s22 =	sadd.s32 $0x20, s30  }
0x16c: {  	v5 =	vsub.f32 v5, v3  }
0x16d: {  	v8 =	vmov s22;
	v6 =	vsub.f32 v6, v2  }
0x16e: {  	v8 =	vshll.u32 v8, $0x4;
	v5 =	vmul.f32 v5, v5  }
0x16f: {  	v8 =	vor.u32 v0, v8;
	v7 =	vsub.f32 v7, v4;
	v6 =	vmul.f32 v6, v6  }
0x170: {  	v9 =	vor.u32 $0x1, v8  }
0x171: {  	v5 =	vadd.f32 v6, v5;
	v6 =	vmul.f32 v7, v7;
	_ =	sdelay $0x1  }
0x172: {  	v5 =	vadd.f32 v6, v5  }
0x173: {  	v6 =	vor.u32 $0x2, v8  }
0x174: {  	[tilespmem:s29+$0xFFFFFFE0] =	vst v5  }
0x175: {  	v5 =	vld.idx.msk [tilespmem:v8+s23+$0x0], $0xffff  }
0x176: {  	v7 =	vld.idx.msk [tilespmem:v9+s23+$0x0], $0xffff;
	_ =	sdelay $0x1  }
0x177: {  	v6 =	vld.idx.msk [tilespmem:v6+s23+$0x0], $0xffff;
	_ =	sdelay $0x2  }
0x178: {  	v5 =	vsub.f32 v5, v3  }
0x179: {  	s22 =	sadd.s32 $0x30, s30;
	s30 =	smov.u32 s2;
	v7 =	vsub.f32 v7, v2  }
0x17a: {  	v8 =	vmov s22;
	v5 =	vmul.f32 v5, v5  }
0x17b: {  	v8 =	vshll.u32 v8, $0x4;
	v6 =	vsub.f32 v6, v4;
	v7 =	vmul.f32 v7, v7  }
0x17c: {  	v8 =	vor.u32 v0, v8  }
0x17d: {  	v9 =	vor.u32 $0x1, v8;
	v5 =	vadd.f32 v7, v5;
	v6 =	vmul.f32 v6, v6;
	_ =	sdelay $0x1  }
.Ltmp7:
0x17e: {  	v7 =	vor.u32 $0x2, v8;
	v5 =	vadd.f32 v6, v5;
	(pc) =	sbr.rel @p2 .LBB2_20-.Ltmp7, $4  }
0x17f: {  	_ = 	snop  }
0x180: {  	[tilespmem:s29+$0xFFFFFFF0] =	vst v5  }
0x181: {  	v6 =	vmov s30;
	v5 =	vld.idx.msk [tilespmem:v8+s23+$0x0], $0xffff  }
0x182: {  	v8 =	vshll.u32 v6, $0x4;
	v6 =	vld.idx.msk [tilespmem:v9+s23+$0x0], $0xffff  }
0x183: {  	_ =	sdelay $0x3  }
0x184: {  	v7 =	vld.idx.msk [tilespmem:v7+s23+$0x0], $0xffff;
	_ =	sdelay $0x2  }
0x185: {  	v3 =	vsub.f32 v5, v3;
	v2 =	vsub.f32 v6, v2;
	_ =	sdelay $0x1  }
0x186: {  	v4 =	vsub.f32 v7, v4;
	v3 =	vmul.f32 v3, v3;
	v2 =	vmul.f32 v2, v2;
	_ =	sdelay $0x1  }
0x187: {  	v4 =	vmul.f32 v4, v4;
	v2 =	vadd.f32 v2, v3  }
0x188: {  	v3 =	vor.u32 v0, v8  }
0x189: {  	v5 =	vor.u32 $0x1, v3;
	v2 =	vadd.f32 v4, v2;
	_ =	sdelay $0x1  }
0x18a: {  	s2 =	sshra.s32 s30, $0x2;
	v4 =	vor.u32 $0x2, v3;
	[tilespmem:s7+$0x0] =	vst v2  }
0x18b: {  	v1 =	vld.idx.msk [tilespmem:v1+s2+$0x0 ss:$0x1], $0xffff  }
0x18c: {  	v2 =	vld.idx.msk [tilespmem:v3+s23+$0x0], $0xffff  }
0x18d: {  	v3 =	vld.idx.msk [tilespmem:v5+s23+$0x0], $0xffff;
	_ =	sdelay $0x1  }
0x18e: {  	v4 =	vld.idx.msk [tilespmem:v4+s23+$0x0], $0xffff  }
0x18f: {  	v5 =	vbroadcast v1, $0x0;
	v6 =	vbroadcast v1, $0x1;
	_ =	sdelay $0x1  }
0x190: {  	s8 =	sadd.s32 $0x10, s30;
	v1 =	vbroadcast v1, $0x2;
	v2 =	vsub.f32 v2, v5;
	v3 =	vsub.f32 v3, v6  }
0x191: {  	v7 =	vmov s8  }
0x192: {  	v4 =	vsub.f32 v4, v1;
	v2 =	vmul.f32 v2, v2;
	v3 =	vmul.f32 v3, v3  }
0x193: {  	v7 =	vshll.u32 v7, $0x4  }
0x194: {  	v7 =	vor.u32 v0, v7;
	v2 =	vadd.f32 v3, v2;
	v3 =	vmul.f32 v4, v4  }
0x195: {  	v4 =	vor.u32 $0x1, v7  }
0x196: {  	v2 =	vadd.f32 v3, v2  }
0x197: {  	s2 =	sadd.s32 $0x40, s29;
	v3 =	vor.u32 $0x2, v7  }
0x198: {  	[tilespmem:s2+$0xFFFFFFD0] =	vst v2  }
0x199: {  	v2 =	vld.idx.msk [tilespmem:v7+s23+$0x0], $0xffff  }
0x19a: {  	v4 =	vld.idx.msk [tilespmem:v4+s23+$0x0], $0xffff;
	_ =	sdelay $0x1  }
0x19b: {  	v3 =	vld.idx.msk [tilespmem:v3+s23+$0x0], $0xffff;
	_ =	sdelay $0x2  }
0x19c: {  	s22 =	sadd.s32 $0x20, s30;
	v2 =	vsub.f32 v2, v5;
	v4 =	vsub.f32 v4, v6  }
0x19d: {  	v7 =	vmov s22  }
0x19e: {  	v2 =	vmul.f32 v2, v2;
	v3 =	vsub.f32 v3, v1;
	v4 =	vmul.f32 v4, v4  }
0x19f: {  	v7 =	vshll.u32 v7, $0x4  }
0x1a0: {  	v7 =	vor.u32 v0, v7;
	v2 =	vadd.f32 v4, v2;
	v3 =	vmul.f32 v3, v3  }
0x1a1: {  	v4 =	vor.u32 $0x1, v7  }
0x1a2: {  	v2 =	vadd.f32 v3, v2  }
0x1a3: {  	v3 =	vor.u32 $0x2, v7  }
0x1a4: {  	[tilespmem:s2+$0xFFFFFFE0] =	vst v2  }
0x1a5: {  	v2 =	vld.idx.msk [tilespmem:v7+s23+$0x0], $0xffff  }
0x1a6: {  	v4 =	vld.idx.msk [tilespmem:v4+s23+$0x0], $0xffff;
	_ =	sdelay $0x1  }
0x1a7: {  	v3 =	vld.idx.msk [tilespmem:v3+s23+$0x0], $0xffff;
	_ =	sdelay $0x2  }
0x1a8: {  	s8 =	sadd.s32 $0x30, s30;
	v2 =	vsub.f32 v2, v5;
	v4 =	vsub.f32 v4, v6  }
0x1a9: {  	v7 =	vmov s8  }
0x1aa: {  	v2 =	vmul.f32 v2, v2;
	v3 =	vsub.f32 v3, v1;
	v4 =	vmul.f32 v4, v4  }
0x1ab: {  	v7 =	vshll.u32 v7, $0x4  }
0x1ac: {  	v7 =	vor.u32 v0, v7;
	v2 =	vadd.f32 v4, v2;
	v3 =	vmul.f32 v3, v3  }
0x1ad: {  	v4 =	vor.u32 $0x1, v7  }
0x1ae: {  	v2 =	vadd.f32 v3, v2  }
0x1af: {  	v3 =	vor.u32 $0x2, v7  }
0x1b0: {  	[tilespmem:s2+$0xFFFFFFF0] =	vst v2  }
0x1b1: {  	v2 =	vld.idx.msk [tilespmem:v7+s23+$0x0], $0xffff  }
0x1b2: {  	v4 =	vld.idx.msk [tilespmem:v4+s23+$0x0], $0xffff;
	_ =	sdelay $0x1  }
0x1b3: {  	v3 =	vld.idx.msk [tilespmem:v3+s23+$0x0], $0xffff;
	_ =	sdelay $0x2  }
0x1b4: {  	v2 =	vsub.f32 v2, v5;
	v4 =	vsub.f32 v4, v6;
	_ =	sdelay $0x1  }
0x1b5: {  	v1 =	vsub.f32 v3, v1;
	v2 =	vmul.f32 v2, v2;
	v3 =	vmul.f32 v4, v4;
	_ =	sdelay $0x1  }
0x1b6: {  	v1 =	vmul.f32 v1, v1;
	v2 =	vadd.f32 v3, v2;
	_ =	sdelay $0x1  }
0x1b7: {  	s22 =	simm.s32 $0x0;
	v1 =	vadd.f32 v1, v2  }
0x1b8: {  	s8 =	sadd.s32 s9, s14;
	v2 =	vmov s22  }
0x1b9: {  	v2 =	vshll.u32 v2, $0x4;
	[tilespmem:s2+$0x0] =	vst v1;
	v1 =	vmov s8  }
0x1ba: {  	v2 =	vor.u32 v0, v2;
	[tilespmem:s23], [sflag:$0x2] =	stream.indirect.gather [spmem:s3], $0x10, s26, s18, $0xb8;
	[tilespmem:$0x1E980] =	vst v63  }
0x1bb: {  	v3 =	vor.u32 $0x1, v2;
	_ =	swait.ge [sflag:s20], $0x2000  }
0x1bc: {  	[sflag:s20] =	ssyncset.done $0x0  }
0x1bd: {  	s22 =	simm.s32 $0x0;
	v4 =	vor.u32 $0x2, v2;
	[sflag:s20] =	ssyncadd.s32 $0xFFFFE000  }
0x1be: {  	v5 =	vld.idx.msk [tilespmem:v1+s22+$0x0 ss:$0x1], $0xffff  }
0x1bf: {  	v6 =	vld.idx.msk [tilespmem:v2+s19+$0x0], $0xffff  }
0x1c0: {  	v7 =	vld.idx.msk [tilespmem:v3+s19+$0x0], $0xffff;
	_ =	sdelay $0x1  }
0x1c1: {  	v8 =	vld.idx.msk [tilespmem:v4+s19+$0x0], $0xffff  }
0x1c2: {  	v3 =	vbroadcast v5, $0x0;
	v2 =	vbroadcast v5, $0x1;
	_ =	sdelay $0x1  }
0x1c3: {  	s7 =	simm.s32 $0x10;
	v4 =	vbroadcast v5, $0x2;
	v5 =	vsub.f32 v6, v3;
	v6 =	vsub.f32 v7, v2  }
0x1c4: {  	v7 =	vmov s7  }
0x1c5: {  	v8 =	vsub.f32 v8, v4;
	v5 =	vmul.f32 v5, v5;
	v6 =	vmul.f32 v6, v6  }
0x1c6: {  	v7 =	vshll.u32 v7, $0x4  }
0x1c7: {  	v7 =	vor.u32 v0, v7;
	v5 =	vadd.f32 v6, v5;
	v6 =	vmul.f32 v8, v8  }
0x1c8: {  	v8 =	vor.u32 $0x1, v7  }
0x1c9: {  	v5 =	vadd.f32 v6, v5  }
0x1ca: {  	s29 =	simm.s32 $0x5EB0;
	v6 =	vor.u32 $0x2, v7  }
0x1cb: {  	[tilespmem:s29+$0xFFFFFFD0] =	vst v5  }
0x1cc: {  	v5 =	vld.idx.msk [tilespmem:v7+s19+$0x0], $0xffff  }
0x1cd: {  	v7 =	vld.idx.msk [tilespmem:v8+s19+$0x0], $0xffff;
	_ =	sdelay $0x1  }
0x1ce: {  	v6 =	vld.idx.msk [tilespmem:v6+s19+$0x0], $0xffff;
	_ =	sdelay $0x2  }
0x1cf: {  	s8 =	simm.s32 $0x20;
	v5 =	vsub.f32 v5, v3;
	v7 =	vsub.f32 v7, v2  }
0x1d0: {  	v8 =	vmov s8  }
0x1d1: {  	v5 =	vmul.f32 v5, v5;
	v6 =	vsub.f32 v6, v4;
	v7 =	vmul.f32 v7, v7  }
0x1d2: {  	v8 =	vshll.u32 v8, $0x4  }
0x1d3: {  	v8 =	vor.u32 v0, v8;
	v5 =	vadd.f32 v7, v5;
	v6 =	vmul.f32 v6, v6  }
0x1d4: {  	v7 =	vor.u32 $0x1, v8  }
0x1d5: {  	v5 =	vadd.f32 v6, v5  }
0x1d6: {  	v6 =	vor.u32 $0x2, v8  }
0x1d7: {  	[tilespmem:s29+$0xFFFFFFE0] =	vst v5  }
0x1d8: {  	v5 =	vld.idx.msk [tilespmem:v8+s19+$0x0], $0xffff  }
0x1d9: {  	v7 =	vld.idx.msk [tilespmem:v7+s19+$0x0], $0xffff;
	_ =	sdelay $0x1  }
0x1da: {  	v6 =	vld.idx.msk [tilespmem:v6+s19+$0x0], $0xffff;
	_ =	sdelay $0x2  }
0x1db: {  	s22 =	simm.s32 $0x30;
	v5 =	vsub.f32 v5, v3;
	v7 =	vsub.f32 v7, v2  }
0x1dc: {  	v8 =	vmov s22  }
0x1dd: {  	v5 =	vmul.f32 v5, v5;
	v6 =	vsub.f32 v6, v4;
	v7 =	vmul.f32 v7, v7  }
0x1de: {  	v8 =	vshll.u32 v8, $0x4  }
0x1df: {  	v8 =	vor.u32 v0, v8;
	v5 =	vadd.f32 v7, v5;
	v6 =	vmul.f32 v6, v6  }
0x1e0: {  	v9 =	vor.u32 $0x1, v8  }
0x1e1: {  	v5 =	vadd.f32 v6, v5  }
0x1e2: {  	v7 =	vor.u32 $0x2, v8  }
0x1e3: {  	s30 =	simm.s32 $0x40;
	[tilespmem:s29+$0xFFFFFFF0] =	vst v5  }
0x1e4: {  	v6 =	vmov s30;
	v5 =	vld.idx.msk [tilespmem:v8+s19+$0x0], $0xffff  }
0x1e5: {  	s7 =	simm.s32 $0x5EB0;
	s8 =	simm.s32 $0x80;
	v8 =	vshll.u32 v6, $0x4;
	v6 =	vld.idx.msk [tilespmem:v9+s19+$0x0], $0xffff  }
.LBB2_22:
0x1e6: {  	p2 =	sne.s32 s8, $0x1C0  }
0x1e7: {  	v8 =	vor.u32 v0, v8;
	v7 =	vld.idx.msk [tilespmem:v7+s19+$0x0], $0xffff;
	s29 =	sadd.s32 $0x40, s29;
	s2 =	smov.u32 s8;
	s8 =	sadd.s32 $0x40, s8  }
0x1e8: {  	v9 =	vor.u32 $0x1, v8;
	_ =	sdelay $0x2  }
0x1e9: {  	v3 =	vsub.f32 v5, v3  }
0x1ea: {  	v2 =	vsub.f32 v6, v2  }
0x1eb: {  	v4 =	vsub.f32 v7, v4;
	v3 =	vmul.f32 v3, v3  }
0x1ec: {  	v2 =	vmul.f32 v2, v2  }
0x1ed: {  	v4 =	vmul.f32 v4, v4  }
0x1ee: {  	v5 =	vor.u32 $0x2, v8;
	v2 =	vadd.f32 v2, v3  }
0x1ef: {  	s22 =	sshra.s32 s30, $0x2  }
0x1f0: {  	v2 =	vadd.f32 v4, v2;
	_ =	sdelay $0x1  }
0x1f1: {  	[tilespmem:s7+$0x0] =	vst v2;
	s7 =	smov.u32 s29  }
0x1f2: {  	v4 =	vld.idx.msk [tilespmem:v1+s22+$0x0 ss:$0x1], $0xffff  }
0x1f3: {  	v6 =	vld.idx.msk [tilespmem:v8+s19+$0x0], $0xffff  }
0x1f4: {  	v7 =	vld.idx.msk [tilespmem:v9+s19+$0x0], $0xffff  }
0x1f5: {  	v5 =	vld.idx.msk [tilespmem:v5+s19+$0x0], $0xffff;
	_ =	sdelay $0x2  }
0x1f6: {  	s22 =	sadd.s32 $0x10, s30;
	v3 =	vbroadcast v4, $0x0;
	v2 =	vbroadcast v4, $0x1  }
0x1f7: {  	v8 =	vmov s22;
	v4 =	vbroadcast v4, $0x2  }
0x1f8: {  	v8 =	vshll.u32 v8, $0x4;
	v6 =	vsub.f32 v6, v3;
	v7 =	vsub.f32 v7, v2  }
0x1f9: {  	v8 =	vor.u32 v0, v8;
	v5 =	vsub.f32 v5, v4  }
0x1fa: {  	v9 =	vor.u32 $0x1, v8;
	v6 =	vmul.f32 v6, v6;
	v7 =	vmul.f32 v7, v7;
	_ =	sdelay $0x1  }
0x1fb: {  	v5 =	vmul.f32 v5, v5;
	v6 =	vadd.f32 v7, v6;
	v7 =	vor.u32 $0x2, v8;
	_ =	sdelay $0x1  }
0x1fc: {  	v5 =	vadd.f32 v5, v6;
	_ =	sdelay $0x1  }
0x1fd: {  	[tilespmem:s29+$0xFFFFFFD0] =	vst v5  }
0x1fe: {  	v5 =	vld.idx.msk [tilespmem:v8+s19+$0x0], $0xffff  }
0x1ff: {  	v6 =	vld.idx.msk [tilespmem:v9+s19+$0x0], $0xffff;
	_ =	sdelay $0x1  }
0x200: {  	v7 =	vld.idx.msk [tilespmem:v7+s19+$0x0], $0xffff;
	_ =	sdelay $0x1  }
0x201: {  	s22 =	sadd.s32 $0x20, s30  }
0x202: {  	v5 =	vsub.f32 v5, v3  }
0x203: {  	v8 =	vmov s22;
	v6 =	vsub.f32 v6, v2  }
0x204: {  	v8 =	vshll.u32 v8, $0x4;
	v5 =	vmul.f32 v5, v5  }
0x205: {  	v8 =	vor.u32 v0, v8;
	v7 =	vsub.f32 v7, v4;
	v6 =	vmul.f32 v6, v6  }
0x206: {  	v9 =	vor.u32 $0x1, v8  }
0x207: {  	v5 =	vadd.f32 v6, v5;
	v6 =	vmul.f32 v7, v7;
	_ =	sdelay $0x1  }
0x208: {  	v5 =	vadd.f32 v6, v5  }
0x209: {  	v6 =	vor.u32 $0x2, v8  }
0x20a: {  	[tilespmem:s29+$0xFFFFFFE0] =	vst v5  }
0x20b: {  	v5 =	vld.idx.msk [tilespmem:v8+s19+$0x0], $0xffff  }
0x20c: {  	v7 =	vld.idx.msk [tilespmem:v9+s19+$0x0], $0xffff;
	_ =	sdelay $0x1  }
0x20d: {  	v6 =	vld.idx.msk [tilespmem:v6+s19+$0x0], $0xffff;
	_ =	sdelay $0x2  }
0x20e: {  	v5 =	vsub.f32 v5, v3  }
0x20f: {  	s22 =	sadd.s32 $0x30, s30;
	s30 =	smov.u32 s2;
	v7 =	vsub.f32 v7, v2  }
0x210: {  	v8 =	vmov s22;
	v5 =	vmul.f32 v5, v5  }
0x211: {  	v8 =	vshll.u32 v8, $0x4;
	v6 =	vsub.f32 v6, v4;
	v7 =	vmul.f32 v7, v7  }
0x212: {  	v8 =	vor.u32 v0, v8  }
0x213: {  	v9 =	vor.u32 $0x1, v8;
	v5 =	vadd.f32 v7, v5;
	v6 =	vmul.f32 v6, v6;
	_ =	sdelay $0x1  }
.Ltmp8:
0x214: {  	v7 =	vor.u32 $0x2, v8;
	v5 =	vadd.f32 v6, v5;
	(pc) =	sbr.rel @p2 .LBB2_22-.Ltmp8, $4  }
0x215: {  	_ = 	snop  }
0x216: {  	[tilespmem:s29+$0xFFFFFFF0] =	vst v5  }
0x217: {  	v6 =	vmov s30;
	v5 =	vld.idx.msk [tilespmem:v8+s19+$0x0], $0xffff  }
0x218: {  	v8 =	vshll.u32 v6, $0x4;
	v6 =	vld.idx.msk [tilespmem:v9+s19+$0x0], $0xffff  }
0x219: {  	_ =	sdelay $0x3  }
0x21a: {  	v7 =	vld.idx.msk [tilespmem:v7+s19+$0x0], $0xffff;
	_ =	sdelay $0x2  }
0x21b: {  	v3 =	vsub.f32 v5, v3;
	v2 =	vsub.f32 v6, v2;
	_ =	sdelay $0x1  }
0x21c: {  	v4 =	vsub.f32 v7, v4;
	v3 =	vmul.f32 v3, v3;
	v2 =	vmul.f32 v2, v2;
	_ =	sdelay $0x1  }
0x21d: {  	v4 =	vmul.f32 v4, v4;
	v2 =	vadd.f32 v2, v3  }
0x21e: {  	v3 =	vor.u32 v0, v8  }
0x21f: {  	v5 =	vor.u32 $0x1, v3;
	v2 =	vadd.f32 v4, v2;
	_ =	sdelay $0x1  }
0x220: {  	s2 =	sshra.s32 s30, $0x2;
	v4 =	vor.u32 $0x2, v3;
	[tilespmem:s7+$0x0] =	vst v2  }
0x221: {  	v1 =	vld.idx.msk [tilespmem:v1+s2+$0x0 ss:$0x1], $0xffff  }
0x222: {  	v2 =	vld.idx.msk [tilespmem:v3+s19+$0x0], $0xffff  }
0x223: {  	v3 =	vld.idx.msk [tilespmem:v5+s19+$0x0], $0xffff;
	_ =	sdelay $0x1  }
0x224: {  	v4 =	vld.idx.msk [tilespmem:v4+s19+$0x0], $0xffff  }
0x225: {  	v5 =	vbroadcast v1, $0x0;
	v6 =	vbroadcast v1, $0x1;
	_ =	sdelay $0x1  }
0x226: {  	s8 =	sadd.s32 $0x10, s30;
	v1 =	vbroadcast v1, $0x2;
	v2 =	vsub.f32 v2, v5;
	v3 =	vsub.f32 v3, v6  }
0x227: {  	v7 =	vmov s8  }
0x228: {  	v4 =	vsub.f32 v4, v1;
	v2 =	vmul.f32 v2, v2;
	v3 =	vmul.f32 v3, v3  }
0x229: {  	v7 =	vshll.u32 v7, $0x4  }
0x22a: {  	v7 =	vor.u32 v0, v7;
	v2 =	vadd.f32 v3, v2;
	v3 =	vmul.f32 v4, v4  }
0x22b: {  	v4 =	vor.u32 $0x1, v7  }
0x22c: {  	v2 =	vadd.f32 v3, v2  }
0x22d: {  	s2 =	sadd.s32 $0x40, s29;
	v3 =	vor.u32 $0x2, v7  }
0x22e: {  	[tilespmem:s2+$0xFFFFFFD0] =	vst v2  }
0x22f: {  	v2 =	vld.idx.msk [tilespmem:v7+s19+$0x0], $0xffff  }
0x230: {  	v4 =	vld.idx.msk [tilespmem:v4+s19+$0x0], $0xffff;
	_ =	sdelay $0x1  }
0x231: {  	v3 =	vld.idx.msk [tilespmem:v3+s19+$0x0], $0xffff;
	_ =	sdelay $0x2  }
0x232: {  	s22 =	sadd.s32 $0x20, s30;
	v2 =	vsub.f32 v2, v5;
	v4 =	vsub.f32 v4, v6  }
0x233: {  	v7 =	vmov s22  }
0x234: {  	v2 =	vmul.f32 v2, v2;
	v3 =	vsub.f32 v3, v1;
	v4 =	vmul.f32 v4, v4  }
0x235: {  	v7 =	vshll.u32 v7, $0x4  }
0x236: {  	v7 =	vor.u32 v0, v7;
	v2 =	vadd.f32 v4, v2;
	v3 =	vmul.f32 v3, v3  }
0x237: {  	v4 =	vor.u32 $0x1, v7  }
0x238: {  	v2 =	vadd.f32 v3, v2  }
0x239: {  	v3 =	vor.u32 $0x2, v7  }
0x23a: {  	[tilespmem:s2+$0xFFFFFFE0] =	vst v2  }
0x23b: {  	v2 =	vld.idx.msk [tilespmem:v7+s19+$0x0], $0xffff  }
0x23c: {  	v4 =	vld.idx.msk [tilespmem:v4+s19+$0x0], $0xffff;
	_ =	sdelay $0x1  }
0x23d: {  	v3 =	vld.idx.msk [tilespmem:v3+s19+$0x0], $0xffff;
	_ =	sdelay $0x2  }
0x23e: {  	s8 =	sadd.s32 $0x30, s30;
	v2 =	vsub.f32 v2, v5;
	v4 =	vsub.f32 v4, v6  }
0x23f: {  	v7 =	vmov s8  }
0x240: {  	v2 =	vmul.f32 v2, v2;
	v3 =	vsub.f32 v3, v1;
	v4 =	vmul.f32 v4, v4  }
0x241: {  	v7 =	vshll.u32 v7, $0x4  }
0x242: {  	v7 =	vor.u32 v0, v7;
	v2 =	vadd.f32 v4, v2;
	v3 =	vmul.f32 v3, v3  }
0x243: {  	v4 =	vor.u32 $0x1, v7  }
0x244: {  	v2 =	vadd.f32 v3, v2  }
0x245: {  	v3 =	vor.u32 $0x2, v7  }
0x246: {  	[tilespmem:s2+$0xFFFFFFF0] =	vst v2  }
0x247: {  	v2 =	vld.idx.msk [tilespmem:v7+s19+$0x0], $0xffff  }
0x248: {  	v4 =	vld.idx.msk [tilespmem:v4+s19+$0x0], $0xffff;
	_ =	sdelay $0x1  }
0x249: {  	v3 =	vld.idx.msk [tilespmem:v3+s19+$0x0], $0xffff;
	_ =	sdelay $0x2  }
0x24a: {  	v2 =	vsub.f32 v2, v5;
	v4 =	vsub.f32 v4, v6;
	_ =	sdelay $0x1  }
0x24b: {  	v1 =	vsub.f32 v3, v1;
	v2 =	vmul.f32 v2, v2;
	v3 =	vmul.f32 v4, v4;
	_ =	sdelay $0x1  }
0x24c: {  	v1 =	vmul.f32 v1, v1;
	v2 =	vadd.f32 v3, v2;
	_ =	sdelay $0x1  }
0x24d: {  	v1 =	vadd.f32 v1, v2;
	_ =	sdelay $0x1  }
0x24e: {  	[tilespmem:s2+$0x0] =	vst v1;
	s2 =	simm.s32 @!p1 $0x3  }
0x24f: {  	s22 =	simm.s32 $0x0;
	_ =	swait.ge @!p1 [sflag:s2], $0x800  }
0x250: {  	s30 =	sadd.s32 s9, s15;
	s9 =	simm.s32 @!p1 $0x1280;
	v2 =	vmov s22;
	[sflag:s2] =	ssyncset.done @!p1 $0x0  }
0x251: {  	s7 =	simm.s32 @!p1 $0x200;
	s8 =	simm.s32 @!p1 $0x0;
	v2 =	vshll.u32 v2, $0x4;
	v1 =	vmov s30;
	[sflag:s2] =	ssyncadd.s32 @!p1 $0xFFFFF800  }
0x252: {  	v2 =	vor.u32 v0, v2;
	[tilespmem:s9], [sflag:$0x1] =	stream.indirect.gather @!p1 [spmem:s3], $0x10, s8, s7, $0xb8;
	[tilespmem:$0x1E980] =	vst v63  }
0x253: {  	v3 =	vor.u32 $0x1, v2;
	_ =	swait.ge [sflag:s25], $0x2000  }
0x254: {  	[sflag:s25] =	ssyncset.done $0x0  }
0x255: {  	v4 =	vor.u32 $0x2, v2;
	s8 =	simm.s32 $0x0;
	[sflag:s25] =	ssyncadd.s32 $0xFFFFE000  }
0x256: {  	v5 =	vld.idx.msk [tilespmem:v1+s8+$0x0 ss:$0x1], $0xffff  }
0x257: {  	v6 =	vld.idx.msk [tilespmem:v2+s23+$0x0], $0xffff  }
0x258: {  	v7 =	vld.idx.msk [tilespmem:v3+s23+$0x0], $0xffff;
	_ =	sdelay $0x1  }
0x259: {  	v8 =	vld.idx.msk [tilespmem:v4+s23+$0x0], $0xffff  }
0x25a: {  	v3 =	vbroadcast v5, $0x0;
	v2 =	vbroadcast v5, $0x1;
	_ =	sdelay $0x1  }
0x25b: {  	s9 =	simm.s32 $0x10;
	v4 =	vbroadcast v5, $0x2;
	v5 =	vsub.f32 v6, v3;
	v6 =	vsub.f32 v7, v2  }
0x25c: {  	v7 =	vmov s9  }
0x25d: {  	v8 =	vsub.f32 v8, v4;
	v5 =	vmul.f32 v5, v5;
	v6 =	vmul.f32 v6, v6  }
0x25e: {  	v7 =	vshll.u32 v7, $0x4  }
0x25f: {  	v7 =	vor.u32 v0, v7;
	v5 =	vadd.f32 v6, v5;
	v6 =	vmul.f32 v8, v8  }
0x260: {  	v8 =	vor.u32 $0x1, v7  }
0x261: {  	v5 =	vadd.f32 v6, v5  }
0x262: {  	s9 =	simm.s32 $0x60B0;
	v6 =	vor.u32 $0x2, v7  }
0x263: {  	[tilespmem:s9+$0xFFFFFFD0] =	vst v5  }
0x264: {  	v5 =	vld.idx.msk [tilespmem:v7+s23+$0x0], $0xffff  }
0x265: {  	v7 =	vld.idx.msk [tilespmem:v8+s23+$0x0], $0xffff;
	_ =	sdelay $0x1  }
0x266: {  	v6 =	vld.idx.msk [tilespmem:v6+s23+$0x0], $0xffff;
	_ =	sdelay $0x2  }
0x267: {  	s22 =	simm.s32 $0x20;
	v5 =	vsub.f32 v5, v3;
	v7 =	vsub.f32 v7, v2  }
0x268: {  	v8 =	vmov s22  }
0x269: {  	v5 =	vmul.f32 v5, v5;
	v6 =	vsub.f32 v6, v4;
	v7 =	vmul.f32 v7, v7  }
0x26a: {  	v8 =	vshll.u32 v8, $0x4  }
0x26b: {  	v8 =	vor.u32 v0, v8;
	v5 =	vadd.f32 v7, v5;
	v6 =	vmul.f32 v6, v6  }
0x26c: {  	v7 =	vor.u32 $0x1, v8  }
0x26d: {  	v5 =	vadd.f32 v6, v5  }
0x26e: {  	v6 =	vor.u32 $0x2, v8  }
0x26f: {  	[tilespmem:s9+$0xFFFFFFE0] =	vst v5  }
0x270: {  	v5 =	vld.idx.msk [tilespmem:v8+s23+$0x0], $0xffff  }
0x271: {  	v7 =	vld.idx.msk [tilespmem:v7+s23+$0x0], $0xffff;
	_ =	sdelay $0x1  }
0x272: {  	v6 =	vld.idx.msk [tilespmem:v6+s23+$0x0], $0xffff;
	_ =	sdelay $0x2  }
0x273: {  	s30 =	simm.s32 $0x30;
	v5 =	vsub.f32 v5, v3;
	v7 =	vsub.f32 v7, v2  }
0x274: {  	v8 =	vmov s30  }
0x275: {  	v5 =	vmul.f32 v5, v5;
	v6 =	vsub.f32 v6, v4;
	v7 =	vmul.f32 v7, v7  }
0x276: {  	v8 =	vshll.u32 v8, $0x4  }
0x277: {  	v8 =	vor.u32 v0, v8;
	v5 =	vadd.f32 v7, v5;
	v6 =	vmul.f32 v6, v6  }
0x278: {  	v9 =	vor.u32 $0x1, v8  }
0x279: {  	v5 =	vadd.f32 v6, v5  }
0x27a: {  	v7 =	vor.u32 $0x2, v8  }
0x27b: {  	s29 =	simm.s32 $0x40;
	[tilespmem:s9+$0xFFFFFFF0] =	vst v5  }
0x27c: {  	v6 =	vmov s29;
	v5 =	vld.idx.msk [tilespmem:v8+s23+$0x0], $0xffff  }
0x27d: {  	s7 =	simm.s32 $0x60B0;
	s8 =	simm.s32 $0x80;
	v8 =	vshll.u32 v6, $0x4;
	v6 =	vld.idx.msk [tilespmem:v9+s23+$0x0], $0xffff  }
.LBB2_24:
0x27e: {  	p1 =	sne.s32 s8, $0x1C0  }
0x27f: {  	v8 =	vor.u32 v0, v8;
	v7 =	vld.idx.msk [tilespmem:v7+s23+$0x0], $0xffff;
	s9 =	sadd.s32 $0x40, s9;
	s2 =	smov.u32 s8;
	s8 =	sadd.s32 $0x40, s8  }
0x280: {  	v9 =	vor.u32 $0x1, v8;
	_ =	sdelay $0x2  }
0x281: {  	v3 =	vsub.f32 v5, v3  }
0x282: {  	v2 =	vsub.f32 v6, v2  }
0x283: {  	v4 =	vsub.f32 v7, v4;
	v3 =	vmul.f32 v3, v3  }
0x284: {  	v2 =	vmul.f32 v2, v2  }
0x285: {  	v4 =	vmul.f32 v4, v4  }
0x286: {  	v5 =	vor.u32 $0x2, v8;
	v2 =	vadd.f32 v2, v3  }
0x287: {  	s22 =	sshra.s32 s29, $0x2  }
0x288: {  	v2 =	vadd.f32 v4, v2;
	_ =	sdelay $0x1  }
0x289: {  	[tilespmem:s7+$0x0] =	vst v2;
	s7 =	smov.u32 s9  }
0x28a: {  	v4 =	vld.idx.msk [tilespmem:v1+s22+$0x0 ss:$0x1], $0xffff  }
0x28b: {  	v6 =	vld.idx.msk [tilespmem:v8+s23+$0x0], $0xffff  }
0x28c: {  	v7 =	vld.idx.msk [tilespmem:v9+s23+$0x0], $0xffff  }
0x28d: {  	v5 =	vld.idx.msk [tilespmem:v5+s23+$0x0], $0xffff;
	_ =	sdelay $0x2  }
0x28e: {  	s22 =	sadd.s32 $0x10, s29;
	v3 =	vbroadcast v4, $0x0;
	v2 =	vbroadcast v4, $0x1  }
0x28f: {  	v8 =	vmov s22;
	v4 =	vbroadcast v4, $0x2  }
0x290: {  	v8 =	vshll.u32 v8, $0x4;
	v6 =	vsub.f32 v6, v3;
	v7 =	vsub.f32 v7, v2  }
0x291: {  	v8 =	vor.u32 v0, v8;
	v5 =	vsub.f32 v5, v4  }
0x292: {  	v9 =	vor.u32 $0x1, v8;
	v6 =	vmul.f32 v6, v6;
	v7 =	vmul.f32 v7, v7;
	_ =	sdelay $0x1  }
0x293: {  	v5 =	vmul.f32 v5, v5;
	v6 =	vadd.f32 v7, v6;
	v7 =	vor.u32 $0x2, v8;
	_ =	sdelay $0x1  }
0x294: {  	v5 =	vadd.f32 v5, v6;
	_ =	sdelay $0x1  }
0x295: {  	[tilespmem:s9+$0xFFFFFFD0] =	vst v5  }
0x296: {  	v5 =	vld.idx.msk [tilespmem:v8+s23+$0x0], $0xffff  }
0x297: {  	v6 =	vld.idx.msk [tilespmem:v9+s23+$0x0], $0xffff;
	_ =	sdelay $0x1  }
0x298: {  	v7 =	vld.idx.msk [tilespmem:v7+s23+$0x0], $0xffff;
	_ =	sdelay $0x1  }
0x299: {  	s22 =	sadd.s32 $0x20, s29  }
0x29a: {  	v5 =	vsub.f32 v5, v3  }
0x29b: {  	v8 =	vmov s22;
	v6 =	vsub.f32 v6, v2  }
0x29c: {  	v8 =	vshll.u32 v8, $0x4;
	v5 =	vmul.f32 v5, v5  }
0x29d: {  	v8 =	vor.u32 v0, v8;
	v7 =	vsub.f32 v7, v4;
	v6 =	vmul.f32 v6, v6  }
0x29e: {  	v9 =	vor.u32 $0x1, v8  }
0x29f: {  	v5 =	vadd.f32 v6, v5;
	v6 =	vmul.f32 v7, v7;
	_ =	sdelay $0x1  }
0x2a0: {  	v5 =	vadd.f32 v6, v5  }
0x2a1: {  	v6 =	vor.u32 $0x2, v8  }
0x2a2: {  	[tilespmem:s9+$0xFFFFFFE0] =	vst v5  }
0x2a3: {  	v5 =	vld.idx.msk [tilespmem:v8+s23+$0x0], $0xffff  }
0x2a4: {  	v7 =	vld.idx.msk [tilespmem:v9+s23+$0x0], $0xffff;
	_ =	sdelay $0x1  }
0x2a5: {  	v6 =	vld.idx.msk [tilespmem:v6+s23+$0x0], $0xffff;
	_ =	sdelay $0x2  }
0x2a6: {  	v5 =	vsub.f32 v5, v3  }
0x2a7: {  	s22 =	sadd.s32 $0x30, s29;
	s29 =	smov.u32 s2;
	v7 =	vsub.f32 v7, v2  }
0x2a8: {  	v8 =	vmov s22;
	v5 =	vmul.f32 v5, v5  }
0x2a9: {  	v8 =	vshll.u32 v8, $0x4;
	v6 =	vsub.f32 v6, v4;
	v7 =	vmul.f32 v7, v7  }
0x2aa: {  	v8 =	vor.u32 v0, v8  }
0x2ab: {  	v9 =	vor.u32 $0x1, v8;
	v5 =	vadd.f32 v7, v5;
	v6 =	vmul.f32 v6, v6;
	_ =	sdelay $0x1  }
.Ltmp9:
0x2ac: {  	v7 =	vor.u32 $0x2, v8;
	v5 =	vadd.f32 v6, v5;
	(pc) =	sbr.rel @p1 .LBB2_24-.Ltmp9, $4  }
0x2ad: {  	_ = 	snop  }
0x2ae: {  	[tilespmem:s9+$0xFFFFFFF0] =	vst v5  }
0x2af: {  	v6 =	vmov s29;
	v5 =	vld.idx.msk [tilespmem:v8+s23+$0x0], $0xffff  }
0x2b0: {  	v8 =	vshll.u32 v6, $0x4;
	v6 =	vld.idx.msk [tilespmem:v9+s23+$0x0], $0xffff  }
0x2b1: {  	_ =	sdelay $0x3  }
0x2b2: {  	v7 =	vld.idx.msk [tilespmem:v7+s23+$0x0], $0xffff;
	_ =	sdelay $0x2  }
0x2b3: {  	v3 =	vsub.f32 v5, v3;
	v2 =	vsub.f32 v6, v2;
	_ =	sdelay $0x1  }
0x2b4: {  	v4 =	vsub.f32 v7, v4;
	v3 =	vmul.f32 v3, v3;
	v2 =	vmul.f32 v2, v2;
	_ =	sdelay $0x1  }
0x2b5: {  	v4 =	vmul.f32 v4, v4;
	v2 =	vadd.f32 v2, v3  }
0x2b6: {  	v3 =	vor.u32 v0, v8  }
0x2b7: {  	v54 =	vor.u32 $0x1, v3;
	v2 =	vadd.f32 v4, v2;
	_ =	sdelay $0x1  }
0x2b8: {  	s2 =	sshra.s32 s29, $0x2;
	v55 =	vor.u32 $0x2, v3;
	[tilespmem:s7+$0x0] =	vst v2  }
0x2b9: {  	v1 =	vld.idx.msk [tilespmem:v1+s2+$0x0 ss:$0x1], $0xffff  }
0x2ba: {  	v2 =	vld.idx.msk [tilespmem:v3+s23+$0x0], $0xffff  }
0x2bb: {  	v3 =	vld.idx.msk [tilespmem:v54+s23+$0x0], $0xffff;
	_ =	sdelay $0x1  }
0x2bc: {  	v4 =	vld.idx.msk [tilespmem:v55+s23+$0x0], $0xffff  }
0x2bd: {  	v56 =	vbroadcast v1, $0x0;
	v57 =	vbroadcast v1, $0x1;
	_ =	sdelay $0x1  }
0x2be: {  	s7 =	sadd.s32 $0x10, s29;
	v1 =	vbroadcast v1, $0x2;
	v2 =	vsub.f32 v2, v56;
	v3 =	vsub.f32 v3, v57  }
0x2bf: {  	v58 =	vmov s7  }
0x2c0: {  	v4 =	vsub.f32 v4, v1;
	v2 =	vmul.f32 v2, v2;
	v3 =	vmul.f32 v3, v3  }
0x2c1: {  	v7 =	vshll.u32 v58, $0x4  }
0x2c2: {  	v7 =	vor.u32 v0, v7;
	v2 =	vadd.f32 v3, v2;
	v3 =	vmul.f32 v4, v4  }
0x2c3: {  	v59 =	vor.u32 $0x1, v7  }
0x2c4: {  	v2 =	vadd.f32 v3, v2  }
0x2c5: {  	s8 =	sadd.s32 $0x40, s9;
	v3 =	vor.u32 $0x2, v7  }
0x2c6: {  	[tilespmem:s8+$0xFFFFFFD0] =	vst v2  }
0x2c7: {  	v2 =	vld.idx.msk [tilespmem:v7+s23+$0x0], $0xffff  }
0x2c8: {  	v4 =	vld.idx.msk [tilespmem:v59+s23+$0x0], $0xffff;
	_ =	sdelay $0x1  }
0x2c9: {  	v3 =	vld.idx.msk [tilespmem:v3+s23+$0x0], $0xffff;
	_ =	sdelay $0x2  }
0x2ca: {  	s9 =	sadd.s32 $0x20, s29;
	v2 =	vsub.f32 v2, v56;
	v4 =	vsub.f32 v4, v57  }
0x2cb: {  	v60 =	vmov s9  }
0x2cc: {  	v2 =	vmul.f32 v2, v2;
	v3 =	vsub.f32 v3, v1;
	v4 =	vmul.f32 v4, v4  }
0x2cd: {  	v7 =	vshll.u32 v60, $0x4  }
0x2ce: {  	v7 =	vor.u32 v0, v7;
	v2 =	vadd.f32 v4, v2;
	v3 =	vmul.f32 v3, v3  }
0x2cf: {  	v61 =	vor.u32 $0x1, v7  }
0x2d0: {  	v2 =	vadd.f32 v3, v2  }
0x2d1: {  	v3 =	vor.u32 $0x2, v7  }
0x2d2: {  	[tilespmem:s8+$0xFFFFFFE0] =	vst v2  }
0x2d3: {  	v2 =	vld.idx.msk [tilespmem:v7+s23+$0x0], $0xffff  }
0x2d4: {  	v4 =	vld.idx.msk [tilespmem:v61+s23+$0x0], $0xffff;
	_ =	sdelay $0x1  }
0x2d5: {  	v3 =	vld.idx.msk [tilespmem:v3+s23+$0x0], $0xffff;
	_ =	sdelay $0x2  }
0x2d6: {  	s22 =	sadd.s32 $0x30, s29;
	v2 =	vsub.f32 v2, v56;
	v4 =	vsub.f32 v4, v57  }
0x2d7: {  	v62 =	vmov s22  }
0x2d8: {  	v2 =	vmul.f32 v2, v2;
	v3 =	vsub.f32 v3, v1;
	v4 =	vmul.f32 v4, v4  }
0x2d9: {  	v7 =	vshll.u32 v62, $0x4  }
0x2da: {  	v7 =	vor.u32 v0, v7;
	v2 =	vadd.f32 v4, v2;
	v3 =	vmul.f32 v3, v3  }
0x2db: {  	v63 =	vor.u32 $0x1, v7  }
0x2dc: {  	v2 =	vadd.f32 v3, v2  }
0x2dd: {  	v3 =	vor.u32 $0x2, v7  }
0x2de: {  	[tilespmem:s8+$0xFFFFFFF0] =	vst v2  }
0x2df: {  	v2 =	vld.idx.msk [tilespmem:v7+s23+$0x0], $0xffff  }
0x2e0: {  	v4 =	vld.idx.msk [tilespmem:v63+s23+$0x0], $0xffff;
	_ =	sdelay $0x1  }
0x2e1: {  	v3 =	vld.idx.msk [tilespmem:v3+s23+$0x0], $0xffff;
	_ =	sdelay $0x2  }
0x2e2: {  	v2 =	vsub.f32 v2, v56;
	v4 =	vsub.f32 v4, v57;
	_ =	sdelay $0x1  }
0x2e3: {  	v1 =	vsub.f32 v3, v1;
	v2 =	vmul.f32 v2, v2;
	v3 =	vmul.f32 v4, v4;
	_ =	sdelay $0x1  }
0x2e4: {  	v1 =	vmul.f32 v1, v1;
	v2 =	vadd.f32 v3, v2  }
.Ltmp10:
0x2e5: {  	_ = 	snop;
	(pc) =	sbr.rel .LBB2_26-.Ltmp10, $4  }
0x2e6: {  	v1 =	vadd.f32 v1, v2  }
0x2e7: {  	s29 =	sshll.u32 s10, $0x3  }
0x2e8: {  	s30 =	sadd.s32 s5, s29;
	[tilespmem:s8+$0x0] =	vst v1  }
0x2e9: {  	[hbm4b:s30+s4] =	stream.linear.scatter [tilespmem:s28], [sflag:$0x6], $0x800, $0x38;
	[tilespmem:$0x1E980] =	vst v63  }
.LBB2_3:
0x2ea: {  	s8 =	sand.u32 $0x1, s16  }
0x2eb: {  	p2 =	seq.s32 s8, $0x0  }
.Ltmp11:
0x2ec: {  	_ = 	snop;
	(pc) =	sbr.rel @p2 .LBB2_5-.Ltmp11, $4  }
0x2ed: {  	s7 =	sshll.u32 s10, $0x3  }
0x2ee: {  	s7 =	sand.u32 $0x1FFFFFF8, s7  }
0x2ef: {  	s7 =	sadd.s32 s24, s7  }
0x2f0: {  	s7 =	sadd.s32 $0x100, s7  }
0x2f1: {  	p3 =	sgt.u32 s16, $0x1  }
.Ltmp12:
0x2f2: {  	_ = 	snop;
	(pc) =	sbr.rel @p3 .LBB2_6-.Ltmp12, $4  }
.Ltmp13:
0x2f3: {  	_ = 	snop;
	(pc) =	sbr.rel @!p3 .LBB2_7-.Ltmp13, $4  }
0x2f4: {  	_ = 	snop  }
0x2f5: {  	[tilespmem:s4], [sflag:$0x3] =	stream.linear.gather [hbm4b:s7+s4], $0x800, $0x38;
	[tilespmem:$0x1E980] =	vst v63  }
0x2f6: {  	p2 =	por $0x1, $0x1  }
0x2f7: {  	_ = 	snop  }
.LBB2_8:
0x2f8: {  	[tilespmem:s23], [sflag:$0x2] =	stream.indirect.gather [spmem:s3], $0x10, s18, s18, $0xb8;
	v2 =	vor.u32 v0, v2;
	[tilespmem:$0x1E980] =	vst v63  }
0x2f9: {  	_ =	swait.ge [sflag:s20], $0x2000;
	v3 =	vor.u32 $0x1, v2  }
0x2fa: {  	[sflag:s20] =	ssyncset.done $0x0  }
0x2fb: {  	s2 =	simm.s32 $0x0;
	v4 =	vor.u32 $0x2, v2;
	[sflag:s20] =	ssyncadd.s32 $0xFFFFE000  }
0x2fc: {  	v5 =	vld.idx.msk [tilespmem:v1+s2+$0x0 ss:$0x1], $0xffff  }
0x2fd: {  	v6 =	vld.idx.msk [tilespmem:v2+s19+$0x0], $0xffff  }
0x2fe: {  	v7 =	vld.idx.msk [tilespmem:v3+s19+$0x0], $0xffff;
	_ =	sdelay $0x1  }
0x2ff: {  	v8 =	vld.idx.msk [tilespmem:v4+s19+$0x0], $0xffff  }
0x300: {  	v3 =	vbroadcast v5, $0x0;
	v2 =	vbroadcast v5, $0x1;
	_ =	sdelay $0x1  }
0x301: {  	s7 =	simm.s32 $0x10;
	v4 =	vbroadcast v5, $0x2;
	v5 =	vsub.f32 v6, v3;
	v6 =	vsub.f32 v7, v2  }
0x302: {  	v7 =	vmov s7  }
0x303: {  	v8 =	vsub.f32 v8, v4;
	v5 =	vmul.f32 v5, v5;
	v6 =	vmul.f32 v6, v6  }
0x304: {  	v7 =	vshll.u32 v7, $0x4  }
0x305: {  	v7 =	vor.u32 v0, v7;
	v5 =	vadd.f32 v6, v5;
	v6 =	vmul.f32 v8, v8  }
0x306: {  	v8 =	vor.u32 $0x1, v7  }
0x307: {  	v5 =	vadd.f32 v6, v5  }
0x308: {  	s29 =	simm.s32 $0x52A0;
	v6 =	vor.u32 $0x2, v7  }
0x309: {  	[tilespmem:s29+$0xFFFFFFE0] =	vst v5  }
0x30a: {  	v5 =	vld.idx.msk [tilespmem:v7+s19+$0x0], $0xffff  }
0x30b: {  	v7 =	vld.idx.msk [tilespmem:v8+s19+$0x0], $0xffff;
	_ =	sdelay $0x1  }
0x30c: {  	v6 =	vld.idx.msk [tilespmem:v6+s19+$0x0], $0xffff;
	_ =	sdelay $0x2  }
0x30d: {  	s8 =	simm.s32 $0x20;
	v5 =	vsub.f32 v5, v3;
	v7 =	vsub.f32 v7, v2  }
0x30e: {  	v8 =	vmov s8  }
0x30f: {  	v5 =	vmul.f32 v5, v5;
	v6 =	vsub.f32 v6, v4;
	v7 =	vmul.f32 v7, v7  }
0x310: {  	v8 =	vshll.u32 v8, $0x4  }
0x311: {  	v8 =	vor.u32 v0, v8;
	v5 =	vadd.f32 v7, v5;
	v6 =	vmul.f32 v6, v6  }
0x312: {  	v7 =	vor.u32 $0x1, v8  }
0x313: {  	v5 =	vadd.f32 v6, v5  }
0x314: {  	v6 =	vor.u32 $0x2, v8  }
0x315: {  	[tilespmem:s29+$0xFFFFFFF0] =	vst v5  }
0x316: {  	v5 =	vld.idx.msk [tilespmem:v8+s19+$0x0], $0xffff  }
0x317: {  	v7 =	vld.idx.msk [tilespmem:v7+s19+$0x0], $0xffff;
	_ =	sdelay $0x1  }
0x318: {  	v6 =	vld.idx.msk [tilespmem:v6+s19+$0x0], $0xffff;
	_ =	sdelay $0x2  }
0x319: {  	s22 =	simm.s32 $0x30;
	v5 =	vsub.f32 v5, v3;
	v7 =	vsub.f32 v7, v2  }
0x31a: {  	v8 =	vmov s22  }
0x31b: {  	v5 =	vmul.f32 v5, v5;
	v6 =	vsub.f32 v6, v4;
	v7 =	vmul.f32 v7, v7  }
0x31c: {  	v8 =	vshll.u32 v8, $0x4  }
0x31d: {  	v8 =	vor.u32 v0, v8;
	v5 =	vadd.f32 v7, v5;
	v6 =	vmul.f32 v6, v6  }
0x31e: {  	v9 =	vor.u32 $0x1, v8  }
0x31f: {  	v5 =	vadd.f32 v6, v5  }
0x320: {  	v7 =	vor.u32 $0x2, v8  }
0x321: {  	s30 =	simm.s32 $0x40;
	[tilespmem:s29+$0x0] =	vst v5  }
0x322: {  	v6 =	vmov s30;
	v5 =	vld.idx.msk [tilespmem:v8+s19+$0x0], $0xffff  }
0x323: {  	s7 =	simm.s32 $0x52A0;
	s8 =	simm.s32 $0x80;
	v8 =	vshll.u32 v6, $0x4;
	v6 =	vld.idx.msk [tilespmem:v9+s19+$0x0], $0xffff  }
.LBB2_9:
0x324: {  	p2 =	sne.s32 s8, $0x1C0  }
0x325: {  	v8 =	vor.u32 v0, v8;
	v7 =	vld.idx.msk [tilespmem:v7+s19+$0x0], $0xffff;
	s29 =	sadd.s32 $0x40, s29;
	s2 =	smov.u32 s8;
	s8 =	sadd.s32 $0x40, s8  }
0x326: {  	v9 =	vor.u32 $0x1, v8;
	_ =	sdelay $0x2  }
0x327: {  	v3 =	vsub.f32 v5, v3  }
0x328: {  	v2 =	vsub.f32 v6, v2  }
0x329: {  	v4 =	vsub.f32 v7, v4;
	v3 =	vmul.f32 v3, v3  }
0x32a: {  	v2 =	vmul.f32 v2, v2  }
0x32b: {  	v4 =	vmul.f32 v4, v4  }
0x32c: {  	v5 =	vor.u32 $0x2, v8;
	v2 =	vadd.f32 v2, v3  }
0x32d: {  	s22 =	sshra.s32 s30, $0x2  }
0x32e: {  	v2 =	vadd.f32 v4, v2;
	_ =	sdelay $0x1  }
0x32f: {  	[tilespmem:s7+$0x10] =	vst v2;
	s7 =	smov.u32 s29  }
0x330: {  	v4 =	vld.idx.msk [tilespmem:v1+s22+$0x0 ss:$0x1], $0xffff  }
0x331: {  	v6 =	vld.idx.msk [tilespmem:v8+s19+$0x0], $0xffff  }
0x332: {  	v7 =	vld.idx.msk [tilespmem:v9+s19+$0x0], $0xffff  }
0x333: {  	v5 =	vld.idx.msk [tilespmem:v5+s19+$0x0], $0xffff;
	_ =	sdelay $0x2  }
0x334: {  	s22 =	sadd.s32 $0x10, s30;
	v3 =	vbroadcast v4, $0x0;
	v2 =	vbroadcast v4, $0x1  }
0x335: {  	v8 =	vmov s22;
	v4 =	vbroadcast v4, $0x2  }
0x336: {  	v8 =	vshll.u32 v8, $0x4;
	v6 =	vsub.f32 v6, v3;
	v7 =	vsub.f32 v7, v2  }
0x337: {  	v8 =	vor.u32 v0, v8;
	v5 =	vsub.f32 v5, v4  }
0x338: {  	v9 =	vor.u32 $0x1, v8;
	v6 =	vmul.f32 v6, v6;
	v7 =	vmul.f32 v7, v7;
	_ =	sdelay $0x1  }
0x339: {  	v5 =	vmul.f32 v5, v5;
	v6 =	vadd.f32 v7, v6;
	v7 =	vor.u32 $0x2, v8;
	_ =	sdelay $0x1  }
0x33a: {  	v5 =	vadd.f32 v5, v6;
	_ =	sdelay $0x1  }
0x33b: {  	[tilespmem:s29+$0xFFFFFFE0] =	vst v5  }
0x33c: {  	v5 =	vld.idx.msk [tilespmem:v8+s19+$0x0], $0xffff  }
0x33d: {  	v6 =	vld.idx.msk [tilespmem:v9+s19+$0x0], $0xffff;
	_ =	sdelay $0x1  }
0x33e: {  	v7 =	vld.idx.msk [tilespmem:v7+s19+$0x0], $0xffff;
	_ =	sdelay $0x1  }
0x33f: {  	s22 =	sadd.s32 $0x20, s30  }
0x340: {  	v5 =	vsub.f32 v5, v3  }
0x341: {  	v8 =	vmov s22;
	v6 =	vsub.f32 v6, v2  }
0x342: {  	v8 =	vshll.u32 v8, $0x4;
	v5 =	vmul.f32 v5, v5  }
0x343: {  	v8 =	vor.u32 v0, v8;
	v7 =	vsub.f32 v7, v4;
	v6 =	vmul.f32 v6, v6  }
0x344: {  	v9 =	vor.u32 $0x1, v8  }
0x345: {  	v5 =	vadd.f32 v6, v5;
	v6 =	vmul.f32 v7, v7;
	_ =	sdelay $0x1  }
0x346: {  	v5 =	vadd.f32 v6, v5  }
0x347: {  	v6 =	vor.u32 $0x2, v8  }
0x348: {  	[tilespmem:s29+$0xFFFFFFF0] =	vst v5  }
0x349: {  	v5 =	vld.idx.msk [tilespmem:v8+s19+$0x0], $0xffff  }
0x34a: {  	v7 =	vld.idx.msk [tilespmem:v9+s19+$0x0], $0xffff;
	_ =	sdelay $0x1  }
0x34b: {  	v6 =	vld.idx.msk [tilespmem:v6+s19+$0x0], $0xffff;
	_ =	sdelay $0x2  }
0x34c: {  	v5 =	vsub.f32 v5, v3  }
0x34d: {  	s22 =	sadd.s32 $0x30, s30;
	s30 =	smov.u32 s2;
	v7 =	vsub.f32 v7, v2  }
0x34e: {  	v8 =	vmov s22;
	v5 =	vmul.f32 v5, v5  }
0x34f: {  	v8 =	vshll.u32 v8, $0x4;
	v6 =	vsub.f32 v6, v4;
	v7 =	vmul.f32 v7, v7  }
0x350: {  	v8 =	vor.u32 v0, v8  }
0x351: {  	v9 =	vor.u32 $0x1, v8;
	v5 =	vadd.f32 v7, v5;
	v6 =	vmul.f32 v6, v6;
	_ =	sdelay $0x1  }
.Ltmp14:
0x352: {  	v7 =	vor.u32 $0x2, v8;
	v5 =	vadd.f32 v6, v5;
	(pc) =	sbr.rel @p2 .LBB2_9-.Ltmp14, $4  }
0x353: {  	_ = 	snop  }
0x354: {  	[tilespmem:s29+$0x0] =	vst v5  }
0x355: {  	v6 =	vmov s30;
	v5 =	vld.idx.msk [tilespmem:v8+s19+$0x0], $0xffff  }
0x356: {  	v8 =	vshll.u32 v6, $0x4;
	v6 =	vld.idx.msk [tilespmem:v9+s19+$0x0], $0xffff  }
0x357: {  	_ =	sdelay $0x3  }
0x358: {  	v7 =	vld.idx.msk [tilespmem:v7+s19+$0x0], $0xffff;
	_ =	sdelay $0x2  }
0x359: {  	v3 =	vsub.f32 v5, v3;
	v2 =	vsub.f32 v6, v2;
	_ =	sdelay $0x1  }
0x35a: {  	v4 =	vsub.f32 v7, v4;
	v3 =	vmul.f32 v3, v3;
	v2 =	vmul.f32 v2, v2;
	_ =	sdelay $0x1  }
0x35b: {  	v4 =	vmul.f32 v4, v4;
	v2 =	vadd.f32 v2, v3  }
0x35c: {  	v3 =	vor.u32 v0, v8  }
0x35d: {  	v5 =	vor.u32 $0x1, v3;
	v2 =	vadd.f32 v4, v2;
	_ =	sdelay $0x1  }
0x35e: {  	s2 =	sshra.s32 s30, $0x2;
	v4 =	vor.u32 $0x2, v3;
	[tilespmem:s7+$0x10] =	vst v2  }
0x35f: {  	v1 =	vld.idx.msk [tilespmem:v1+s2+$0x0 ss:$0x1], $0xffff  }
0x360: {  	v2 =	vld.idx.msk [tilespmem:v3+s19+$0x0], $0xffff  }
0x361: {  	v3 =	vld.idx.msk [tilespmem:v5+s19+$0x0], $0xffff;
	_ =	sdelay $0x1  }
0x362: {  	v4 =	vld.idx.msk [tilespmem:v4+s19+$0x0], $0xffff  }
0x363: {  	v5 =	vbroadcast v1, $0x0;
	v6 =	vbroadcast v1, $0x1;
	_ =	sdelay $0x1  }
0x364: {  	s8 =	sadd.s32 $0x10, s30;
	v1 =	vbroadcast v1, $0x2;
	v2 =	vsub.f32 v2, v5;
	v3 =	vsub.f32 v3, v6  }
0x365: {  	v7 =	vmov s8  }
0x366: {  	v4 =	vsub.f32 v4, v1;
	v2 =	vmul.f32 v2, v2;
	v3 =	vmul.f32 v3, v3  }
0x367: {  	v7 =	vshll.u32 v7, $0x4  }
0x368: {  	v7 =	vor.u32 v0, v7;
	v2 =	vadd.f32 v3, v2;
	v3 =	vmul.f32 v4, v4  }
0x369: {  	v4 =	vor.u32 $0x1, v7  }
0x36a: {  	v2 =	vadd.f32 v3, v2  }
0x36b: {  	s2 =	sadd.s32 $0x40, s29;
	v3 =	vor.u32 $0x2, v7  }
0x36c: {  	[tilespmem:s2+$0xFFFFFFE0] =	vst v2  }
0x36d: {  	v2 =	vld.idx.msk [tilespmem:v7+s19+$0x0], $0xffff  }
0x36e: {  	v4 =	vld.idx.msk [tilespmem:v4+s19+$0x0], $0xffff;
	_ =	sdelay $0x1  }
0x36f: {  	v3 =	vld.idx.msk [tilespmem:v3+s19+$0x0], $0xffff;
	_ =	sdelay $0x2  }
0x370: {  	s22 =	sadd.s32 $0x20, s30;
	v2 =	vsub.f32 v2, v5;
	v4 =	vsub.f32 v4, v6  }
0x371: {  	v7 =	vmov s22  }
0x372: {  	v2 =	vmul.f32 v2, v2;
	v3 =	vsub.f32 v3, v1;
	v4 =	vmul.f32 v4, v4  }
0x373: {  	v7 =	vshll.u32 v7, $0x4  }
0x374: {  	v7 =	vor.u32 v0, v7;
	v2 =	vadd.f32 v4, v2;
	v3 =	vmul.f32 v3, v3  }
0x375: {  	v4 =	vor.u32 $0x1, v7  }
0x376: {  	v2 =	vadd.f32 v3, v2  }
0x377: {  	v3 =	vor.u32 $0x2, v7  }
0x378: {  	[tilespmem:s2+$0xFFFFFFF0] =	vst v2  }
0x379: {  	v2 =	vld.idx.msk [tilespmem:v7+s19+$0x0], $0xffff  }
0x37a: {  	v4 =	vld.idx.msk [tilespmem:v4+s19+$0x0], $0xffff;
	_ =	sdelay $0x1  }
0x37b: {  	v3 =	vld.idx.msk [tilespmem:v3+s19+$0x0], $0xffff;
	_ =	sdelay $0x2  }
0x37c: {  	s8 =	sadd.s32 $0x30, s30;
	v2 =	vsub.f32 v2, v5;
	v4 =	vsub.f32 v4, v6  }
0x37d: {  	v7 =	vmov s8  }
0x37e: {  	v2 =	vmul.f32 v2, v2;
	v3 =	vsub.f32 v3, v1;
	v4 =	vmul.f32 v4, v4  }
0x37f: {  	v7 =	vshll.u32 v7, $0x4  }
0x380: {  	v7 =	vor.u32 v0, v7;
	v2 =	vadd.f32 v4, v2;
	v3 =	vmul.f32 v3, v3  }
0x381: {  	v4 =	vor.u32 $0x1, v7  }
0x382: {  	v2 =	vadd.f32 v3, v2  }
0x383: {  	v3 =	vor.u32 $0x2, v7  }
0x384: {  	[tilespmem:s2+$0x0] =	vst v2  }
0x385: {  	v2 =	vld.idx.msk [tilespmem:v7+s19+$0x0], $0xffff  }
0x386: {  	v4 =	vld.idx.msk [tilespmem:v4+s19+$0x0], $0xffff;
	_ =	sdelay $0x1  }
0x387: {  	v3 =	vld.idx.msk [tilespmem:v3+s19+$0x0], $0xffff;
	_ =	sdelay $0x2  }
0x388: {  	v2 =	vsub.f32 v2, v5;
	v4 =	vsub.f32 v4, v6;
	_ =	sdelay $0x1  }
0x389: {  	v1 =	vsub.f32 v3, v1;
	v2 =	vmul.f32 v2, v2;
	v3 =	vmul.f32 v4, v4;
	_ =	sdelay $0x1  }
0x38a: {  	v1 =	vmul.f32 v1, v1;
	v2 =	vadd.f32 v3, v2;
	_ =	sdelay $0x1  }
0x38b: {  	s22 =	simm.s32 $0x0;
	v1 =	vadd.f32 v1, v2  }
0x38c: {  	s8 =	sadd.s32 s9, s13;
	v2 =	vmov s22  }
0x38d: {  	v2 =	vshll.u32 v2, $0x4;
	[tilespmem:s2+$0x10] =	vst v1;
	v1 =	vmov s8  }
0x38e: {  	v2 =	vor.u32 v0, v2;
	[tilespmem:s19], [sflag:$0x1] =	stream.indirect.gather [spmem:s3], $0x10, s31, s18, $0xb8;
	[tilespmem:$0x1E980] =	vst v63  }
0x38f: {  	v3 =	vor.u32 $0x1, v2;
	_ =	swait.ge [sflag:s25], $0x2000  }
0x390: {  	[sflag:s25] =	ssyncset.done $0x0  }
0x391: {  	s22 =	simm.s32 $0x0;
	v4 =	vor.u32 $0x2, v2;
	[sflag:s25] =	ssyncadd.s32 $0xFFFFE000  }
0x392: {  	v5 =	vld.idx.msk [tilespmem:v1+s22+$0x0 ss:$0x1], $0xffff  }
0x393: {  	v6 =	vld.idx.msk [tilespmem:v2+s23+$0x0], $0xffff  }
0x394: {  	v7 =	vld.idx.msk [tilespmem:v3+s23+$0x0], $0xffff;
	_ =	sdelay $0x1  }
0x395: {  	v8 =	vld.idx.msk [tilespmem:v4+s23+$0x0], $0xffff  }
0x396: {  	v3 =	vbroadcast v5, $0x0;
	v2 =	vbroadcast v5, $0x1;
	_ =	sdelay $0x1  }
0x397: {  	s7 =	simm.s32 $0x10;
	v4 =	vbroadcast v5, $0x2;
	v5 =	vsub.f32 v6, v3;
	v6 =	vsub.f32 v7, v2  }
0x398: {  	v7 =	vmov s7  }
0x399: {  	v8 =	vsub.f32 v8, v4;
	v5 =	vmul.f32 v5, v5;
	v6 =	vmul.f32 v6, v6  }
0x39a: {  	v7 =	vshll.u32 v7, $0x4  }
0x39b: {  	v7 =	vor.u32 v0, v7;
	v5 =	vadd.f32 v6, v5;
	v6 =	vmul.f32 v8, v8  }
0x39c: {  	v8 =	vor.u32 $0x1, v7  }
0x39d: {  	v5 =	vadd.f32 v6, v5  }
0x39e: {  	s29 =	simm.s32 $0x54B0;
	v6 =	vor.u32 $0x2, v7  }
0x39f: {  	[tilespmem:s29+$0xFFFFFFD0] =	vst v5  }
0x3a0: {  	v5 =	vld.idx.msk [tilespmem:v7+s23+$0x0], $0xffff  }
0x3a1: {  	v7 =	vld.idx.msk [tilespmem:v8+s23+$0x0], $0xffff;
	_ =	sdelay $0x1  }
0x3a2: {  	v6 =	vld.idx.msk [tilespmem:v6+s23+$0x0], $0xffff;
	_ =	sdelay $0x2  }
0x3a3: {  	s8 =	simm.s32 $0x20;
	v5 =	vsub.f32 v5, v3;
	v7 =	vsub.f32 v7, v2  }
0x3a4: {  	v8 =	vmov s8  }
0x3a5: {  	v5 =	vmul.f32 v5, v5;
	v6 =	vsub.f32 v6, v4;
	v7 =	vmul.f32 v7, v7  }
0x3a6: {  	v8 =	vshll.u32 v8, $0x4  }
0x3a7: {  	v8 =	vor.u32 v0, v8;
	v5 =	vadd.f32 v7, v5;
	v6 =	vmul.f32 v6, v6  }
0x3a8: {  	v7 =	vor.u32 $0x1, v8  }
0x3a9: {  	v5 =	vadd.f32 v6, v5  }
0x3aa: {  	v6 =	vor.u32 $0x2, v8  }
0x3ab: {  	[tilespmem:s29+$0xFFFFFFE0] =	vst v5  }
0x3ac: {  	v5 =	vld.idx.msk [tilespmem:v8+s23+$0x0], $0xffff  }
0x3ad: {  	v7 =	vld.idx.msk [tilespmem:v7+s23+$0x0], $0xffff;
	_ =	sdelay $0x1  }
0x3ae: {  	v6 =	vld.idx.msk [tilespmem:v6+s23+$0x0], $0xffff;
	_ =	sdelay $0x2  }
0x3af: {  	s22 =	simm.s32 $0x30;
	v5 =	vsub.f32 v5, v3;
	v7 =	vsub.f32 v7, v2  }
0x3b0: {  	v8 =	vmov s22  }
0x3b1: {  	v5 =	vmul.f32 v5, v5;
	v6 =	vsub.f32 v6, v4;
	v7 =	vmul.f32 v7, v7  }
0x3b2: {  	v8 =	vshll.u32 v8, $0x4  }
0x3b3: {  	v8 =	vor.u32 v0, v8;
	v5 =	vadd.f32 v7, v5;
	v6 =	vmul.f32 v6, v6  }
0x3b4: {  	v9 =	vor.u32 $0x1, v8  }
0x3b5: {  	v5 =	vadd.f32 v6, v5  }
0x3b6: {  	v7 =	vor.u32 $0x2, v8  }
0x3b7: {  	s30 =	simm.s32 $0x40;
	[tilespmem:s29+$0xFFFFFFF0] =	vst v5  }
0x3b8: {  	v6 =	vmov s30;
	v5 =	vld.idx.msk [tilespmem:v8+s23+$0x0], $0xffff  }
0x3b9: {  	s7 =	simm.s32 $0x54B0;
	s8 =	simm.s32 $0x80;
	v8 =	vshll.u32 v6, $0x4;
	v6 =	vld.idx.msk [tilespmem:v9+s23+$0x0], $0xffff  }
.LBB2_11:
0x3ba: {  	p2 =	sne.s32 s8, $0x1C0  }
0x3bb: {  	v8 =	vor.u32 v0, v8;
	v7 =	vld.idx.msk [tilespmem:v7+s23+$0x0], $0xffff;
	s29 =	sadd.s32 $0x40, s29;
	s2 =	smov.u32 s8;
	s8 =	sadd.s32 $0x40, s8  }
0x3bc: {  	v9 =	vor.u32 $0x1, v8;
	_ =	sdelay $0x2  }
0x3bd: {  	v3 =	vsub.f32 v5, v3  }
0x3be: {  	v2 =	vsub.f32 v6, v2  }
0x3bf: {  	v4 =	vsub.f32 v7, v4;
	v3 =	vmul.f32 v3, v3  }
0x3c0: {  	v2 =	vmul.f32 v2, v2  }
0x3c1: {  	v4 =	vmul.f32 v4, v4  }
0x3c2: {  	v5 =	vor.u32 $0x2, v8;
	v2 =	vadd.f32 v2, v3  }
0x3c3: {  	s22 =	sshra.s32 s30, $0x2  }
0x3c4: {  	v2 =	vadd.f32 v4, v2;
	_ =	sdelay $0x1  }
0x3c5: {  	[tilespmem:s7+$0x0] =	vst v2;
	s7 =	smov.u32 s29  }
0x3c6: {  	v4 =	vld.idx.msk [tilespmem:v1+s22+$0x0 ss:$0x1], $0xffff  }
0x3c7: {  	v6 =	vld.idx.msk [tilespmem:v8+s23+$0x0], $0xffff  }
0x3c8: {  	v7 =	vld.idx.msk [tilespmem:v9+s23+$0x0], $0xffff  }
0x3c9: {  	v5 =	vld.idx.msk [tilespmem:v5+s23+$0x0], $0xffff;
	_ =	sdelay $0x2  }
0x3ca: {  	s22 =	sadd.s32 $0x10, s30;
	v3 =	vbroadcast v4, $0x0;
	v2 =	vbroadcast v4, $0x1  }
0x3cb: {  	v8 =	vmov s22;
	v4 =	vbroadcast v4, $0x2  }
0x3cc: {  	v8 =	vshll.u32 v8, $0x4;
	v6 =	vsub.f32 v6, v3;
	v7 =	vsub.f32 v7, v2  }
0x3cd: {  	v8 =	vor.u32 v0, v8;
	v5 =	vsub.f32 v5, v4  }
0x3ce: {  	v9 =	vor.u32 $0x1, v8;
	v6 =	vmul.f32 v6, v6;
	v7 =	vmul.f32 v7, v7;
	_ =	sdelay $0x1  }
0x3cf: {  	v5 =	vmul.f32 v5, v5;
	v6 =	vadd.f32 v7, v6;
	v7 =	vor.u32 $0x2, v8;
	_ =	sdelay $0x1  }
0x3d0: {  	v5 =	vadd.f32 v5, v6;
	_ =	sdelay $0x1  }
0x3d1: {  	[tilespmem:s29+$0xFFFFFFD0] =	vst v5  }
0x3d2: {  	v5 =	vld.idx.msk [tilespmem:v8+s23+$0x0], $0xffff  }
0x3d3: {  	v6 =	vld.idx.msk [tilespmem:v9+s23+$0x0], $0xffff;
	_ =	sdelay $0x1  }
0x3d4: {  	v7 =	vld.idx.msk [tilespmem:v7+s23+$0x0], $0xffff;
	_ =	sdelay $0x1  }
0x3d5: {  	s22 =	sadd.s32 $0x20, s30  }
0x3d6: {  	v5 =	vsub.f32 v5, v3  }
0x3d7: {  	v8 =	vmov s22;
	v6 =	vsub.f32 v6, v2  }
0x3d8: {  	v8 =	vshll.u32 v8, $0x4;
	v5 =	vmul.f32 v5, v5  }
0x3d9: {  	v8 =	vor.u32 v0, v8;
	v7 =	vsub.f32 v7, v4;
	v6 =	vmul.f32 v6, v6  }
0x3da: {  	v9 =	vor.u32 $0x1, v8  }
0x3db: {  	v5 =	vadd.f32 v6, v5;
	v6 =	vmul.f32 v7, v7;
	_ =	sdelay $0x1  }
0x3dc: {  	v5 =	vadd.f32 v6, v5  }
0x3dd: {  	v6 =	vor.u32 $0x2, v8  }
0x3de: {  	[tilespmem:s29+$0xFFFFFFE0] =	vst v5  }
0x3df: {  	v5 =	vld.idx.msk [tilespmem:v8+s23+$0x0], $0xffff  }
0x3e0: {  	v7 =	vld.idx.msk [tilespmem:v9+s23+$0x0], $0xffff;
	_ =	sdelay $0x1  }
0x3e1: {  	v6 =	vld.idx.msk [tilespmem:v6+s23+$0x0], $0xffff;
	_ =	sdelay $0x2  }
0x3e2: {  	v5 =	vsub.f32 v5, v3  }
0x3e3: {  	s22 =	sadd.s32 $0x30, s30;
	s30 =	smov.u32 s2;
	v7 =	vsub.f32 v7, v2  }
0x3e4: {  	v8 =	vmov s22;
	v5 =	vmul.f32 v5, v5  }
0x3e5: {  	v8 =	vshll.u32 v8, $0x4;
	v6 =	vsub.f32 v6, v4;
	v7 =	vmul.f32 v7, v7  }
0x3e6: {  	v8 =	vor.u32 v0, v8  }
0x3e7: {  	v9 =	vor.u32 $0x1, v8;
	v5 =	vadd.f32 v7, v5;
	v6 =	vmul.f32 v6, v6;
	_ =	sdelay $0x1  }
.Ltmp15:
0x3e8: {  	v7 =	vor.u32 $0x2, v8;
	v5 =	vadd.f32 v6, v5;
	(pc) =	sbr.rel @p2 .LBB2_11-.Ltmp15, $4  }
0x3e9: {  	_ = 	snop  }
0x3ea: {  	[tilespmem:s29+$0xFFFFFFF0] =	vst v5  }
0x3eb: {  	v6 =	vmov s30;
	v5 =	vld.idx.msk [tilespmem:v8+s23+$0x0], $0xffff  }
0x3ec: {  	v8 =	vshll.u32 v6, $0x4;
	v6 =	vld.idx.msk [tilespmem:v9+s23+$0x0], $0xffff  }
0x3ed: {  	_ =	sdelay $0x3  }
0x3ee: {  	v7 =	vld.idx.msk [tilespmem:v7+s23+$0x0], $0xffff;
	_ =	sdelay $0x2  }
0x3ef: {  	v3 =	vsub.f32 v5, v3;
	v2 =	vsub.f32 v6, v2;
	_ =	sdelay $0x1  }
0x3f0: {  	v4 =	vsub.f32 v7, v4;
	v3 =	vmul.f32 v3, v3;
	v2 =	vmul.f32 v2, v2;
	_ =	sdelay $0x1  }
0x3f1: {  	v4 =	vmul.f32 v4, v4;
	v2 =	vadd.f32 v2, v3  }
0x3f2: {  	v3 =	vor.u32 v0, v8  }
0x3f3: {  	v5 =	vor.u32 $0x1, v3;
	v2 =	vadd.f32 v4, v2;
	_ =	sdelay $0x1  }
0x3f4: {  	s2 =	sshra.s32 s30, $0x2;
	v4 =	vor.u32 $0x2, v3;
	[tilespmem:s7+$0x0] =	vst v2  }
0x3f5: {  	v1 =	vld.idx.msk [tilespmem:v1+s2+$0x0 ss:$0x1], $0xffff  }
0x3f6: {  	v2 =	vld.idx.msk [tilespmem:v3+s23+$0x0], $0xffff  }
0x3f7: {  	v3 =	vld.idx.msk [tilespmem:v5+s23+$0x0], $0xffff;
	_ =	sdelay $0x1  }
0x3f8: {  	v4 =	vld.idx.msk [tilespmem:v4+s23+$0x0], $0xffff  }
0x3f9: {  	v5 =	vbroadcast v1, $0x0;
	v6 =	vbroadcast v1, $0x1;
	_ =	sdelay $0x1  }
0x3fa: {  	s8 =	sadd.s32 $0x10, s30;
	v1 =	vbroadcast v1, $0x2;
	v2 =	vsub.f32 v2, v5;
	v3 =	vsub.f32 v3, v6  }
0x3fb: {  	v7 =	vmov s8  }
0x3fc: {  	v4 =	vsub.f32 v4, v1;
	v2 =	vmul.f32 v2, v2;
	v3 =	vmul.f32 v3, v3  }
0x3fd: {  	v7 =	vshll.u32 v7, $0x4  }
0x3fe: {  	v7 =	vor.u32 v0, v7;
	v2 =	vadd.f32 v3, v2;
	v3 =	vmul.f32 v4, v4  }
0x3ff: {  	v4 =	vor.u32 $0x1, v7  }
0x400: {  	v2 =	vadd.f32 v3, v2  }
0x401: {  	s2 =	sadd.s32 $0x40, s29;
	v3 =	vor.u32 $0x2, v7  }
0x402: {  	[tilespmem:s2+$0xFFFFFFD0] =	vst v2  }
0x403: {  	v2 =	vld.idx.msk [tilespmem:v7+s23+$0x0], $0xffff  }
0x404: {  	v4 =	vld.idx.msk [tilespmem:v4+s23+$0x0], $0xffff;
	_ =	sdelay $0x1  }
0x405: {  	v3 =	vld.idx.msk [tilespmem:v3+s23+$0x0], $0xffff;
	_ =	sdelay $0x2  }
0x406: {  	s22 =	sadd.s32 $0x20, s30;
	v2 =	vsub.f32 v2, v5;
	v4 =	vsub.f32 v4, v6  }
0x407: {  	v7 =	vmov s22  }
0x408: {  	v2 =	vmul.f32 v2, v2;
	v3 =	vsub.f32 v3, v1;
	v4 =	vmul.f32 v4, v4  }
0x409: {  	v7 =	vshll.u32 v7, $0x4  }
0x40a: {  	v7 =	vor.u32 v0, v7;
	v2 =	vadd.f32 v4, v2;
	v3 =	vmul.f32 v3, v3  }
0x40b: {  	v4 =	vor.u32 $0x1, v7  }
0x40c: {  	v2 =	vadd.f32 v3, v2  }
0x40d: {  	v3 =	vor.u32 $0x2, v7  }
0x40e: {  	[tilespmem:s2+$0xFFFFFFE0] =	vst v2  }
0x40f: {  	v2 =	vld.idx.msk [tilespmem:v7+s23+$0x0], $0xffff  }
0x410: {  	v4 =	vld.idx.msk [tilespmem:v4+s23+$0x0], $0xffff;
	_ =	sdelay $0x1  }
0x411: {  	v3 =	vld.idx.msk [tilespmem:v3+s23+$0x0], $0xffff;
	_ =	sdelay $0x2  }
0x412: {  	s8 =	sadd.s32 $0x30, s30;
	v2 =	vsub.f32 v2, v5;
	v4 =	vsub.f32 v4, v6  }
0x413: {  	v7 =	vmov s8  }
0x414: {  	v2 =	vmul.f32 v2, v2;
	v3 =	vsub.f32 v3, v1;
	v4 =	vmul.f32 v4, v4  }
0x415: {  	v7 =	vshll.u32 v7, $0x4  }
0x416: {  	v7 =	vor.u32 v0, v7;
	v2 =	vadd.f32 v4, v2;
	v3 =	vmul.f32 v3, v3  }
0x417: {  	v4 =	vor.u32 $0x1, v7  }
0x418: {  	v2 =	vadd.f32 v3, v2  }
0x419: {  	v3 =	vor.u32 $0x2, v7  }
0x41a: {  	[tilespmem:s2+$0xFFFFFFF0] =	vst v2  }
0x41b: {  	v2 =	vld.idx.msk [tilespmem:v7+s23+$0x0], $0xffff  }
0x41c: {  	v4 =	vld.idx.msk [tilespmem:v4+s23+$0x0], $0xffff;
	_ =	sdelay $0x1  }
0x41d: {  	v3 =	vld.idx.msk [tilespmem:v3+s23+$0x0], $0xffff;
	_ =	sdelay $0x2  }
0x41e: {  	v2 =	vsub.f32 v2, v5;
	v4 =	vsub.f32 v4, v6;
	_ =	sdelay $0x1  }
0x41f: {  	v1 =	vsub.f32 v3, v1;
	v2 =	vmul.f32 v2, v2;
	v3 =	vmul.f32 v4, v4;
	_ =	sdelay $0x1  }
0x420: {  	v1 =	vmul.f32 v1, v1;
	v2 =	vadd.f32 v3, v2;
	_ =	sdelay $0x1  }
0x421: {  	s22 =	simm.s32 $0x0;
	v1 =	vadd.f32 v1, v2  }
0x422: {  	s8 =	sadd.s32 s9, s14;
	v2 =	vmov s22  }
0x423: {  	v2 =	vshll.u32 v2, $0x4;
	[tilespmem:s2+$0x0] =	vst v1;
	v1 =	vmov s8  }
0x424: {  	v2 =	vor.u32 v0, v2;
	[tilespmem:s23], [sflag:$0x2] =	stream.indirect.gather [spmem:s3], $0x10, s1, s18, $0xb8;
	[tilespmem:$0x1E980] =	vst v63  }
0x425: {  	v3 =	vor.u32 $0x1, v2;
	_ =	swait.ge [sflag:s20], $0x2000  }
0x426: {  	[sflag:s20] =	ssyncset.done $0x0  }
0x427: {  	s22 =	simm.s32 $0x0;
	v4 =	vor.u32 $0x2, v2;
	[sflag:s20] =	ssyncadd.s32 $0xFFFFE000  }
0x428: {  	v5 =	vld.idx.msk [tilespmem:v1+s22+$0x0 ss:$0x1], $0xffff  }
0x429: {  	v6 =	vld.idx.msk [tilespmem:v2+s19+$0x0], $0xffff  }
0x42a: {  	v7 =	vld.idx.msk [tilespmem:v3+s19+$0x0], $0xffff;
	_ =	sdelay $0x1  }
0x42b: {  	v8 =	vld.idx.msk [tilespmem:v4+s19+$0x0], $0xffff  }
0x42c: {  	v3 =	vbroadcast v5, $0x0;
	v2 =	vbroadcast v5, $0x1;
	_ =	sdelay $0x1  }
0x42d: {  	s7 =	simm.s32 $0x10;
	v4 =	vbroadcast v5, $0x2;
	v5 =	vsub.f32 v6, v3;
	v6 =	vsub.f32 v7, v2  }
0x42e: {  	v7 =	vmov s7  }
0x42f: {  	v8 =	vsub.f32 v8, v4;
	v5 =	vmul.f32 v5, v5;
	v6 =	vmul.f32 v6, v6  }
0x430: {  	v7 =	vshll.u32 v7, $0x4  }
0x431: {  	v7 =	vor.u32 v0, v7;
	v5 =	vadd.f32 v6, v5;
	v6 =	vmul.f32 v8, v8  }
0x432: {  	v8 =	vor.u32 $0x1, v7  }
0x433: {  	v5 =	vadd.f32 v6, v5  }
0x434: {  	s29 =	simm.s32 $0x56B0;
	v6 =	vor.u32 $0x2, v7  }
0x435: {  	[tilespmem:s29+$0xFFFFFFD0] =	vst v5  }
0x436: {  	v5 =	vld.idx.msk [tilespmem:v7+s19+$0x0], $0xffff  }
0x437: {  	v7 =	vld.idx.msk [tilespmem:v8+s19+$0x0], $0xffff;
	_ =	sdelay $0x1  }
0x438: {  	v6 =	vld.idx.msk [tilespmem:v6+s19+$0x0], $0xffff;
	_ =	sdelay $0x2  }
0x439: {  	s8 =	simm.s32 $0x20;
	v5 =	vsub.f32 v5, v3;
	v7 =	vsub.f32 v7, v2  }
0x43a: {  	v8 =	vmov s8  }
0x43b: {  	v5 =	vmul.f32 v5, v5;
	v6 =	vsub.f32 v6, v4;
	v7 =	vmul.f32 v7, v7  }
0x43c: {  	v8 =	vshll.u32 v8, $0x4  }
0x43d: {  	v8 =	vor.u32 v0, v8;
	v5 =	vadd.f32 v7, v5;
	v6 =	vmul.f32 v6, v6  }
0x43e: {  	v7 =	vor.u32 $0x1, v8  }
0x43f: {  	v5 =	vadd.f32 v6, v5  }
0x440: {  	v6 =	vor.u32 $0x2, v8  }
0x441: {  	[tilespmem:s29+$0xFFFFFFE0] =	vst v5  }
0x442: {  	v5 =	vld.idx.msk [tilespmem:v8+s19+$0x0], $0xffff  }
0x443: {  	v7 =	vld.idx.msk [tilespmem:v7+s19+$0x0], $0xffff;
	_ =	sdelay $0x1  }
0x444: {  	v6 =	vld.idx.msk [tilespmem:v6+s19+$0x0], $0xffff;
	_ =	sdelay $0x2  }
0x445: {  	s22 =	simm.s32 $0x30;
	v5 =	vsub.f32 v5, v3;
	v7 =	vsub.f32 v7, v2  }
0x446: {  	v8 =	vmov s22  }
0x447: {  	v5 =	vmul.f32 v5, v5;
	v6 =	vsub.f32 v6, v4;
	v7 =	vmul.f32 v7, v7  }
0x448: {  	v8 =	vshll.u32 v8, $0x4  }
0x449: {  	v8 =	vor.u32 v0, v8;
	v5 =	vadd.f32 v7, v5;
	v6 =	vmul.f32 v6, v6  }
0x44a: {  	v9 =	vor.u32 $0x1, v8  }
0x44b: {  	v5 =	vadd.f32 v6, v5  }
0x44c: {  	v7 =	vor.u32 $0x2, v8  }
0x44d: {  	s30 =	simm.s32 $0x40;
	[tilespmem:s29+$0xFFFFFFF0] =	vst v5  }
0x44e: {  	v6 =	vmov s30;
	v5 =	vld.idx.msk [tilespmem:v8+s19+$0x0], $0xffff  }
0x44f: {  	s7 =	simm.s32 $0x56B0;
	s8 =	simm.s32 $0x80;
	v8 =	vshll.u32 v6, $0x4;
	v6 =	vld.idx.msk [tilespmem:v9+s19+$0x0], $0xffff  }
.LBB2_13:
0x450: {  	p2 =	sne.s32 s8, $0x1C0  }
0x451: {  	v8 =	vor.u32 v0, v8;
	v7 =	vld.idx.msk [tilespmem:v7+s19+$0x0], $0xffff;
	s29 =	sadd.s32 $0x40, s29;
	s2 =	smov.u32 s8;
	s8 =	sadd.s32 $0x40, s8  }
0x452: {  	v9 =	vor.u32 $0x1, v8;
	_ =	sdelay $0x2  }
0x453: {  	v3 =	vsub.f32 v5, v3  }
0x454: {  	v2 =	vsub.f32 v6, v2  }
0x455: {  	v4 =	vsub.f32 v7, v4;
	v3 =	vmul.f32 v3, v3  }
0x456: {  	v2 =	vmul.f32 v2, v2  }
0x457: {  	v4 =	vmul.f32 v4, v4  }
0x458: {  	v5 =	vor.u32 $0x2, v8;
	v2 =	vadd.f32 v2, v3  }
0x459: {  	s22 =	sshra.s32 s30, $0x2  }
0x45a: {  	v2 =	vadd.f32 v4, v2;
	_ =	sdelay $0x1  }
0x45b: {  	[tilespmem:s7+$0x0] =	vst v2;
	s7 =	smov.u32 s29  }
0x45c: {  	v4 =	vld.idx.msk [tilespmem:v1+s22+$0x0 ss:$0x1], $0xffff  }
0x45d: {  	v6 =	vld.idx.msk [tilespmem:v8+s19+$0x0], $0xffff  }
0x45e: {  	v7 =	vld.idx.msk [tilespmem:v9+s19+$0x0], $0xffff  }
0x45f: {  	v5 =	vld.idx.msk [tilespmem:v5+s19+$0x0], $0xffff;
	_ =	sdelay $0x2  }
0x460: {  	s22 =	sadd.s32 $0x10, s30;
	v3 =	vbroadcast v4, $0x0;
	v2 =	vbroadcast v4, $0x1  }
0x461: {  	v8 =	vmov s22;
	v4 =	vbroadcast v4, $0x2  }
0x462: {  	v8 =	vshll.u32 v8, $0x4;
	v6 =	vsub.f32 v6, v3;
	v7 =	vsub.f32 v7, v2  }
0x463: {  	v8 =	vor.u32 v0, v8;
	v5 =	vsub.f32 v5, v4  }
0x464: {  	v9 =	vor.u32 $0x1, v8;
	v6 =	vmul.f32 v6, v6;
	v7 =	vmul.f32 v7, v7;
	_ =	sdelay $0x1  }
0x465: {  	v5 =	vmul.f32 v5, v5;
	v6 =	vadd.f32 v7, v6;
	v7 =	vor.u32 $0x2, v8;
	_ =	sdelay $0x1  }
0x466: {  	v5 =	vadd.f32 v5, v6;
	_ =	sdelay $0x1  }
0x467: {  	[tilespmem:s29+$0xFFFFFFD0] =	vst v5  }
0x468: {  	v5 =	vld.idx.msk [tilespmem:v8+s19+$0x0], $0xffff  }
0x469: {  	v6 =	vld.idx.msk [tilespmem:v9+s19+$0x0], $0xffff;
	_ =	sdelay $0x1  }
0x46a: {  	v7 =	vld.idx.msk [tilespmem:v7+s19+$0x0], $0xffff;
	_ =	sdelay $0x1  }
0x46b: {  	s22 =	sadd.s32 $0x20, s30  }
0x46c: {  	v5 =	vsub.f32 v5, v3  }
0x46d: {  	v8 =	vmov s22;
	v6 =	vsub.f32 v6, v2  }
0x46e: {  	v8 =	vshll.u32 v8, $0x4;
	v5 =	vmul.f32 v5, v5  }
0x46f: {  	v8 =	vor.u32 v0, v8;
	v7 =	vsub.f32 v7, v4;
	v6 =	vmul.f32 v6, v6  }
0x470: {  	v9 =	vor.u32 $0x1, v8  }
0x471: {  	v5 =	vadd.f32 v6, v5;
	v6 =	vmul.f32 v7, v7;
	_ =	sdelay $0x1  }
0x472: {  	v5 =	vadd.f32 v6, v5  }
0x473: {  	v6 =	vor.u32 $0x2, v8  }
0x474: {  	[tilespmem:s29+$0xFFFFFFE0] =	vst v5  }
0x475: {  	v5 =	vld.idx.msk [tilespmem:v8+s19+$0x0], $0xffff  }
0x476: {  	v7 =	vld.idx.msk [tilespmem:v9+s19+$0x0], $0xffff;
	_ =	sdelay $0x1  }
0x477: {  	v6 =	vld.idx.msk [tilespmem:v6+s19+$0x0], $0xffff;
	_ =	sdelay $0x2  }
0x478: {  	v5 =	vsub.f32 v5, v3  }
0x479: {  	s22 =	sadd.s32 $0x30, s30;
	s30 =	smov.u32 s2;
	v7 =	vsub.f32 v7, v2  }
0x47a: {  	v8 =	vmov s22;
	v5 =	vmul.f32 v5, v5  }
0x47b: {  	v8 =	vshll.u32 v8, $0x4;
	v6 =	vsub.f32 v6, v4;
	v7 =	vmul.f32 v7, v7  }
0x47c: {  	v8 =	vor.u32 v0, v8  }
0x47d: {  	v9 =	vor.u32 $0x1, v8;
	v5 =	vadd.f32 v7, v5;
	v6 =	vmul.f32 v6, v6;
	_ =	sdelay $0x1  }
.Ltmp16:
0x47e: {  	v7 =	vor.u32 $0x2, v8;
	v5 =	vadd.f32 v6, v5;
	(pc) =	sbr.rel @p2 .LBB2_13-.Ltmp16, $4  }
0x47f: {  	_ = 	snop  }
0x480: {  	[tilespmem:s29+$0xFFFFFFF0] =	vst v5  }
0x481: {  	v6 =	vmov s30;
	v5 =	vld.idx.msk [tilespmem:v8+s19+$0x0], $0xffff  }
0x482: {  	v8 =	vshll.u32 v6, $0x4;
	v6 =	vld.idx.msk [tilespmem:v9+s19+$0x0], $0xffff  }
0x483: {  	_ =	sdelay $0x3  }
0x484: {  	v7 =	vld.idx.msk [tilespmem:v7+s19+$0x0], $0xffff;
	_ =	sdelay $0x2  }
0x485: {  	v3 =	vsub.f32 v5, v3;
	v2 =	vsub.f32 v6, v2;
	_ =	sdelay $0x1  }
0x486: {  	v4 =	vsub.f32 v7, v4;
	v3 =	vmul.f32 v3, v3;
	v2 =	vmul.f32 v2, v2;
	_ =	sdelay $0x1  }
0x487: {  	v4 =	vmul.f32 v4, v4;
	v2 =	vadd.f32 v2, v3  }
0x488: {  	v3 =	vor.u32 v0, v8  }
0x489: {  	v5 =	vor.u32 $0x1, v3;
	v2 =	vadd.f32 v4, v2;
	_ =	sdelay $0x1  }
0x48a: {  	s2 =	sshra.s32 s30, $0x2;
	v4 =	vor.u32 $0x2, v3;
	[tilespmem:s7+$0x0] =	vst v2  }
0x48b: {  	v1 =	vld.idx.msk [tilespmem:v1+s2+$0x0 ss:$0x1], $0xffff  }
0x48c: {  	v2 =	vld.idx.msk [tilespmem:v3+s19+$0x0], $0xffff  }
0x48d: {  	v3 =	vld.idx.msk [tilespmem:v5+s19+$0x0], $0xffff;
	_ =	sdelay $0x1  }
0x48e: {  	v4 =	vld.idx.msk [tilespmem:v4+s19+$0x0], $0xffff  }
0x48f: {  	v5 =	vbroadcast v1, $0x0;
	v6 =	vbroadcast v1, $0x1;
	_ =	sdelay $0x1  }
0x490: {  	s8 =	sadd.s32 $0x10, s30;
	v1 =	vbroadcast v1, $0x2;
	v2 =	vsub.f32 v2, v5;
	v3 =	vsub.f32 v3, v6  }
0x491: {  	v7 =	vmov s8  }
0x492: {  	v4 =	vsub.f32 v4, v1;
	v2 =	vmul.f32 v2, v2;
	v3 =	vmul.f32 v3, v3  }
0x493: {  	v7 =	vshll.u32 v7, $0x4  }
0x494: {  	v7 =	vor.u32 v0, v7;
	v2 =	vadd.f32 v3, v2;
	v3 =	vmul.f32 v4, v4  }
0x495: {  	v4 =	vor.u32 $0x1, v7  }
0x496: {  	v2 =	vadd.f32 v3, v2  }
0x497: {  	s2 =	sadd.s32 $0x40, s29;
	v3 =	vor.u32 $0x2, v7  }
0x498: {  	[tilespmem:s2+$0xFFFFFFD0] =	vst v2  }
0x499: {  	v2 =	vld.idx.msk [tilespmem:v7+s19+$0x0], $0xffff  }
0x49a: {  	v4 =	vld.idx.msk [tilespmem:v4+s19+$0x0], $0xffff;
	_ =	sdelay $0x1  }
0x49b: {  	v3 =	vld.idx.msk [tilespmem:v3+s19+$0x0], $0xffff;
	_ =	sdelay $0x2  }
0x49c: {  	s22 =	sadd.s32 $0x20, s30;
	v2 =	vsub.f32 v2, v5;
	v4 =	vsub.f32 v4, v6  }
0x49d: {  	v7 =	vmov s22  }
0x49e: {  	v2 =	vmul.f32 v2, v2;
	v3 =	vsub.f32 v3, v1;
	v4 =	vmul.f32 v4, v4  }
0x49f: {  	v7 =	vshll.u32 v7, $0x4  }
0x4a0: {  	v7 =	vor.u32 v0, v7;
	v2 =	vadd.f32 v4, v2;
	v3 =	vmul.f32 v3, v3  }
0x4a1: {  	v4 =	vor.u32 $0x1, v7  }
0x4a2: {  	v2 =	vadd.f32 v3, v2  }
0x4a3: {  	v3 =	vor.u32 $0x2, v7  }
0x4a4: {  	[tilespmem:s2+$0xFFFFFFE0] =	vst v2  }
0x4a5: {  	v2 =	vld.idx.msk [tilespmem:v7+s19+$0x0], $0xffff  }
0x4a6: {  	v4 =	vld.idx.msk [tilespmem:v4+s19+$0x0], $0xffff;
	_ =	sdelay $0x1  }
0x4a7: {  	v3 =	vld.idx.msk [tilespmem:v3+s19+$0x0], $0xffff;
	_ =	sdelay $0x2  }
0x4a8: {  	s8 =	sadd.s32 $0x30, s30;
	v2 =	vsub.f32 v2, v5;
	v4 =	vsub.f32 v4, v6  }
0x4a9: {  	v7 =	vmov s8  }
0x4aa: {  	v2 =	vmul.f32 v2, v2;
	v3 =	vsub.f32 v3, v1;
	v4 =	vmul.f32 v4, v4  }
0x4ab: {  	v7 =	vshll.u32 v7, $0x4  }
0x4ac: {  	v7 =	vor.u32 v0, v7;
	v2 =	vadd.f32 v4, v2;
	v3 =	vmul.f32 v3, v3  }
0x4ad: {  	v4 =	vor.u32 $0x1, v7  }
0x4ae: {  	v2 =	vadd.f32 v3, v2  }
0x4af: {  	v3 =	vor.u32 $0x2, v7  }
0x4b0: {  	[tilespmem:s2+$0xFFFFFFF0] =	vst v2  }
0x4b1: {  	v2 =	vld.idx.msk [tilespmem:v7+s19+$0x0], $0xffff  }
0x4b2: {  	v4 =	vld.idx.msk [tilespmem:v4+s19+$0x0], $0xffff;
	_ =	sdelay $0x1  }
0x4b3: {  	v3 =	vld.idx.msk [tilespmem:v3+s19+$0x0], $0xffff;
	_ =	sdelay $0x2  }
0x4b4: {  	v2 =	vsub.f32 v2, v5;
	v4 =	vsub.f32 v4, v6;
	_ =	sdelay $0x1  }
0x4b5: {  	v1 =	vsub.f32 v3, v1;
	v2 =	vmul.f32 v2, v2;
	v3 =	vmul.f32 v4, v4;
	_ =	sdelay $0x1  }
0x4b6: {  	v1 =	vmul.f32 v1, v1;
	v2 =	vadd.f32 v3, v2;
	_ =	sdelay $0x1  }
0x4b7: {  	v1 =	vadd.f32 v1, v2;
	_ =	sdelay $0x1  }
0x4b8: {  	[tilespmem:s2+$0x0] =	vst v1;
	s2 =	simm.s32 @!p1 $0x4  }
0x4b9: {  	s22 =	simm.s32 $0x0;
	_ =	swait.ge @!p1 [sflag:s2], $0x800  }
0x4ba: {  	s30 =	sadd.s32 s9, s15;
	s9 =	simm.s32 @!p1 $0x1280;
	v2 =	vmov s22;
	[sflag:s2] =	ssyncset.done @!p1 $0x0  }
0x4bb: {  	s7 =	simm.s32 @!p1 $0x200;
	s8 =	simm.s32 @!p1 $0x800;
	v2 =	vshll.u32 v2, $0x4;
	v1 =	vmov s30;
	[sflag:s2] =	ssyncadd.s32 @!p1 $0xFFFFF800  }
0x4bc: {  	v2 =	vor.u32 v0, v2;
	[tilespmem:s9], [sflag:$0x1] =	stream.indirect.gather @!p1 [spmem:s3], $0x10, s8, s7, $0xb8;
	[tilespmem:$0x1E980] =	vst v63  }
0x4bd: {  	v3 =	vor.u32 $0x1, v2;
	_ =	swait.ge [sflag:s25], $0x2000  }
0x4be: {  	[sflag:s25] =	ssyncset.done $0x0  }
0x4bf: {  	v4 =	vor.u32 $0x2, v2;
	s8 =	simm.s32 $0x0;
	[sflag:s25] =	ssyncadd.s32 $0xFFFFE000  }
0x4c0: {  	v5 =	vld.idx.msk [tilespmem:v1+s8+$0x0 ss:$0x1], $0xffff  }
0x4c1: {  	v6 =	vld.idx.msk [tilespmem:v2+s23+$0x0], $0xffff  }
0x4c2: {  	v7 =	vld.idx.msk [tilespmem:v3+s23+$0x0], $0xffff;
	_ =	sdelay $0x1  }
0x4c3: {  	v8 =	vld.idx.msk [tilespmem:v4+s23+$0x0], $0xffff  }
0x4c4: {  	v3 =	vbroadcast v5, $0x0;
	v2 =	vbroadcast v5, $0x1;
	_ =	sdelay $0x1  }
0x4c5: {  	s9 =	simm.s32 $0x10;
	v4 =	vbroadcast v5, $0x2;
	v5 =	vsub.f32 v6, v3;
	v6 =	vsub.f32 v7, v2  }
0x4c6: {  	v7 =	vmov s9  }
0x4c7: {  	v8 =	vsub.f32 v8, v4;
	v5 =	vmul.f32 v5, v5;
	v6 =	vmul.f32 v6, v6  }
0x4c8: {  	v7 =	vshll.u32 v7, $0x4  }
0x4c9: {  	v7 =	vor.u32 v0, v7;
	v5 =	vadd.f32 v6, v5;
	v6 =	vmul.f32 v8, v8  }
0x4ca: {  	v8 =	vor.u32 $0x1, v7  }
0x4cb: {  	v5 =	vadd.f32 v6, v5  }
0x4cc: {  	s9 =	simm.s32 $0x58B0;
	v6 =	vor.u32 $0x2, v7  }
0x4cd: {  	[tilespmem:s9+$0xFFFFFFD0] =	vst v5  }
0x4ce: {  	v5 =	vld.idx.msk [tilespmem:v7+s23+$0x0], $0xffff  }
0x4cf: {  	v7 =	vld.idx.msk [tilespmem:v8+s23+$0x0], $0xffff;
	_ =	sdelay $0x1  }
0x4d0: {  	v6 =	vld.idx.msk [tilespmem:v6+s23+$0x0], $0xffff;
	_ =	sdelay $0x2  }
0x4d1: {  	s22 =	simm.s32 $0x20;
	v5 =	vsub.f32 v5, v3;
	v7 =	vsub.f32 v7, v2  }
0x4d2: {  	v8 =	vmov s22  }
0x4d3: {  	v5 =	vmul.f32 v5, v5;
	v6 =	vsub.f32 v6, v4;
	v7 =	vmul.f32 v7, v7  }
0x4d4: {  	v8 =	vshll.u32 v8, $0x4  }
0x4d5: {  	v8 =	vor.u32 v0, v8;
	v5 =	vadd.f32 v7, v5;
	v6 =	vmul.f32 v6, v6  }
0x4d6: {  	v7 =	vor.u32 $0x1, v8  }
0x4d7: {  	v5 =	vadd.f32 v6, v5  }
0x4d8: {  	v6 =	vor.u32 $0x2, v8  }
0x4d9: {  	[tilespmem:s9+$0xFFFFFFE0] =	vst v5  }
0x4da: {  	v5 =	vld.idx.msk [tilespmem:v8+s23+$0x0], $0xffff  }
0x4db: {  	v7 =	vld.idx.msk [tilespmem:v7+s23+$0x0], $0xffff;
	_ =	sdelay $0x1  }
0x4dc: {  	v6 =	vld.idx.msk [tilespmem:v6+s23+$0x0], $0xffff;
	_ =	sdelay $0x2  }
0x4dd: {  	s30 =	simm.s32 $0x30;
	v5 =	vsub.f32 v5, v3;
	v7 =	vsub.f32 v7, v2  }
0x4de: {  	v8 =	vmov s30  }
0x4df: {  	v5 =	vmul.f32 v5, v5;
	v6 =	vsub.f32 v6, v4;
	v7 =	vmul.f32 v7, v7  }
0x4e0: {  	v8 =	vshll.u32 v8, $0x4  }
0x4e1: {  	v8 =	vor.u32 v0, v8;
	v5 =	vadd.f32 v7, v5;
	v6 =	vmul.f32 v6, v6  }
0x4e2: {  	v9 =	vor.u32 $0x1, v8  }
0x4e3: {  	v5 =	vadd.f32 v6, v5  }
0x4e4: {  	v7 =	vor.u32 $0x2, v8  }
0x4e5: {  	s29 =	simm.s32 $0x40;
	[tilespmem:s9+$0xFFFFFFF0] =	vst v5  }
0x4e6: {  	v6 =	vmov s29;
	v5 =	vld.idx.msk [tilespmem:v8+s23+$0x0], $0xffff  }
0x4e7: {  	s7 =	simm.s32 $0x58B0;
	s8 =	simm.s32 $0x80;
	v8 =	vshll.u32 v6, $0x4;
	v6 =	vld.idx.msk [tilespmem:v9+s23+$0x0], $0xffff  }
.LBB2_15:
0x4e8: {  	p1 =	sne.s32 s8, $0x1C0  }
0x4e9: {  	v8 =	vor.u32 v0, v8;
	v7 =	vld.idx.msk [tilespmem:v7+s23+$0x0], $0xffff;
	s9 =	sadd.s32 $0x40, s9;
	s2 =	smov.u32 s8;
	s8 =	sadd.s32 $0x40, s8  }
0x4ea: {  	v9 =	vor.u32 $0x1, v8;
	_ =	sdelay $0x2  }
0x4eb: {  	v3 =	vsub.f32 v5, v3  }
0x4ec: {  	v2 =	vsub.f32 v6, v2  }
0x4ed: {  	v3 =	vmul.f32 v3, v3;
	v4 =	vsub.f32 v7, v4  }
0x4ee: {  	v2 =	vmul.f32 v2, v2  }
0x4ef: {  	v4 =	vmul.f32 v4, v4  }
0x4f0: {  	v5 =	vor.u32 $0x2, v8;
	v2 =	vadd.f32 v2, v3  }
0x4f1: {  	s22 =	sshra.s32 s29, $0x2  }
0x4f2: {  	v2 =	vadd.f32 v4, v2;
	_ =	sdelay $0x1  }
0x4f3: {  	[tilespmem:s7+$0x0] =	vst v2;
	s7 =	smov.u32 s9  }
0x4f4: {  	v4 =	vld.idx.msk [tilespmem:v1+s22+$0x0 ss:$0x1], $0xffff  }
0x4f5: {  	v6 =	vld.idx.msk [tilespmem:v8+s23+$0x0], $0xffff  }
0x4f6: {  	v7 =	vld.idx.msk [tilespmem:v9+s23+$0x0], $0xffff  }
0x4f7: {  	v5 =	vld.idx.msk [tilespmem:v5+s23+$0x0], $0xffff;
	_ =	sdelay $0x2  }
0x4f8: {  	s22 =	sadd.s32 $0x10, s29;
	v3 =	vbroadcast v4, $0x0;
	v2 =	vbroadcast v4, $0x1  }
0x4f9: {  	v8 =	vmov s22;
	v4 =	vbroadcast v4, $0x2  }
0x4fa: {  	v8 =	vshll.u32 v8, $0x4;
	v6 =	vsub.f32 v6, v3;
	v7 =	vsub.f32 v7, v2  }
0x4fb: {  	v8 =	vor.u32 v0, v8;
	v5 =	vsub.f32 v5, v4  }
0x4fc: {  	v9 =	vor.u32 $0x1, v8;
	v6 =	vmul.f32 v6, v6;
	v7 =	vmul.f32 v7, v7;
	_ =	sdelay $0x1  }
0x4fd: {  	v5 =	vmul.f32 v5, v5;
	v6 =	vadd.f32 v7, v6;
	v7 =	vor.u32 $0x2, v8;
	_ =	sdelay $0x1  }
0x4fe: {  	v5 =	vadd.f32 v5, v6;
	_ =	sdelay $0x1  }
0x4ff: {  	[tilespmem:s9+$0xFFFFFFD0] =	vst v5  }
0x500: {  	v5 =	vld.idx.msk [tilespmem:v8+s23+$0x0], $0xffff  }
0x501: {  	v6 =	vld.idx.msk [tilespmem:v9+s23+$0x0], $0xffff;
	_ =	sdelay $0x1  }
0x502: {  	v7 =	vld.idx.msk [tilespmem:v7+s23+$0x0], $0xffff;
	_ =	sdelay $0x1  }
0x503: {  	s22 =	sadd.s32 $0x20, s29  }
0x504: {  	v5 =	vsub.f32 v5, v3  }
0x505: {  	v8 =	vmov s22;
	v6 =	vsub.f32 v6, v2  }
0x506: {  	v8 =	vshll.u32 v8, $0x4;
	v5 =	vmul.f32 v5, v5  }
0x507: {  	v8 =	vor.u32 v0, v8;
	v7 =	vsub.f32 v7, v4;
	v6 =	vmul.f32 v6, v6  }
0x508: {  	v9 =	vor.u32 $0x1, v8  }
0x509: {  	v5 =	vadd.f32 v6, v5;
	v6 =	vmul.f32 v7, v7;
	_ =	sdelay $0x1  }
0x50a: {  	v5 =	vadd.f32 v6, v5  }
0x50b: {  	v6 =	vor.u32 $0x2, v8  }
0x50c: {  	[tilespmem:s9+$0xFFFFFFE0] =	vst v5  }
0x50d: {  	v5 =	vld.idx.msk [tilespmem:v8+s23+$0x0], $0xffff  }
0x50e: {  	v7 =	vld.idx.msk [tilespmem:v9+s23+$0x0], $0xffff;
	_ =	sdelay $0x1  }
0x50f: {  	v6 =	vld.idx.msk [tilespmem:v6+s23+$0x0], $0xffff;
	_ =	sdelay $0x2  }
0x510: {  	v5 =	vsub.f32 v5, v3  }
0x511: {  	s22 =	sadd.s32 $0x30, s29;
	s29 =	smov.u32 s2;
	v7 =	vsub.f32 v7, v2  }
0x512: {  	v8 =	vmov s22;
	v5 =	vmul.f32 v5, v5  }
0x513: {  	v8 =	vshll.u32 v8, $0x4;
	v6 =	vsub.f32 v6, v4;
	v7 =	vmul.f32 v7, v7  }
0x514: {  	v8 =	vor.u32 v0, v8  }
0x515: {  	v9 =	vor.u32 $0x1, v8;
	v5 =	vadd.f32 v7, v5;
	v6 =	vmul.f32 v6, v6;
	_ =	sdelay $0x1  }
.Ltmp17:
0x516: {  	v7 =	vor.u32 $0x2, v8;
	v5 =	vadd.f32 v6, v5;
	(pc) =	sbr.rel @p1 .LBB2_15-.Ltmp17, $4  }
0x517: {  	_ = 	snop  }
0x518: {  	[tilespmem:s9+$0xFFFFFFF0] =	vst v5  }
0x519: {  	v6 =	vmov s29;
	v5 =	vld.idx.msk [tilespmem:v8+s23+$0x0], $0xffff  }
0x51a: {  	v8 =	vshll.u32 v6, $0x4;
	v6 =	vld.idx.msk [tilespmem:v9+s23+$0x0], $0xffff  }
.Ltmp18:
0x51b: {  	_ = 	snop;
	(pc) =	sbr.rel .LBB2_16-.Ltmp18, $1  }
0x51c: {  	_ =	sdelay $0x3  }
.LBB2_5:
0x51d: {  	p3 =	slt.u32 s16, $0x2  }
.Ltmp19:
0x51e: {  	_ = 	snop;
	(pc) =	sbr.rel @p3 .LBB2_7-.Ltmp19, $4  }
.Ltmp20:
0x51f: {  	_ = 	snop;
	(pc) =	sbr.rel @!p3 .LBB2_6-.Ltmp20, $4  }
0x520: {  	s2 =	simm.s32 $0x800  }
0x521: {  	[tilespmem:s2], [sflag:$0x4] =	stream.linear.gather [hbm4b:s7+s4], $0x800, $0x38;
	[tilespmem:$0x1E980] =	vst v63  }
0x522: {  	p2 =	por $0x0, $0x0;
	s2 =	simm.s32 $0x5  }
0x523: {  	_ = 	snop  }
.LBB2_28:
0x524: {  	_ =	sfence.sel $0x180000  }
0x525: {  	[bflag:$0x0] =	sbarrier.arrive $0xFFFF  }
0x526: {  	_ =	strace $0x90000047  }
0x527: {  	s0 =	stileid.u32;
	[bflag:$0x2] =	sbarrier.arrive $0xFFFF  }
0x528: {  	p0 =	sne.s32 s0, $0x0;
	s0 =	rddreg [dreg:$0x3]  }
0x529: {  	s0 =	sadd.s32 @!p0 $0x100000, s0  }
0x52a: {  	[sflag:s0] =	ssyncadd.tile.s32 @!p0 $0x1;
	_ =	shalt  }
.Lfunc_end2:
_tile_overlayer_lowered:
.L_overlay_start_2:
0x52b: {  	(tag) =	ssettag $0x2  }
0x52c: {  	s0 =	rddreg [dreg:$0x0];
	s2 =	stileid.u32  }
0x52d: {  	s1 =	rddreg [dreg:$0x1];
	p0 =	sne.s32 s2, $0x0  }
0x52e: {  	s3 =	rddreg [dreg:$0x2];
	[bflag:$0x3] =	sbarrier.arrive $0xFFFF;
	s2 =	simm.s32 @!p0 $0x1C07  }
0x52f: {  	[timem:s3], [sflag:s2] =	dma.local @!p0 [hbm:s0], s1  }
0x530: {  	s0 =	simm.s32 @!p0 $0x7  }
0x531: {  	_ =	swait.ge @!p0 [sflag:s0], s1  }
0x532: {  	s1 =	ssub.s32 @!p0 $0x0, s1;
	[sflag:s0] =	ssyncset.done @!p0 $0x0  }
0x533: {  	[sflag:s0] =	ssyncadd.s32 @!p0 s1  }
0x534: {  	[bflag:$0x3] =	sbarrier.arrive $0xFFFF  }
0x535: {  	_ =	shalt  }

</sc_bundles>
